<compile_context>
chip_gen: v7x
topology: tpu7x:2x2x1
jax: 0.10.2.dev20260603
libtpu: 0.0.44.dev20260713+nightly
codegen_flags: <defaults>
</compile_context>

<pallas_src>
import functools

import jax
import jax.numpy as jnp
from jax import lax
from jax.experimental import pallas as pl
from jax.experimental.pallas import tpu as pltpu
from jax.experimental.pallas import tpu_sc as plsc

B, N, C, H, E, TOPK = 2, 2048, 1024, 16, 8, 2
DFF = 4 * C
T = B * N
DH = C // H
BLK = 256
P = T + E * BLK
NBLK = P // BLK
RB = 256
NC_SC, NS_SC = 2, 16
NW = NC_SC * NS_SC
F32 = jnp.float32


def _gelu(x):
    return 0.5 * x * (1.0 + lax.erf(x * 0.7071067811865476))


def _ln(x, g, b, eps=1e-5):
    m = jnp.mean(x, axis=-1, keepdims=True)
    v = jnp.mean((x - m) ** 2, axis=-1, keepdims=True)
    return (x - m) / jnp.sqrt(v + eps) * g + b


def _mm(a, b_mat, contract_b=1, prec=None):
    return lax.dot_general(a, b_mat, (((1,), (contract_b,)), ((), ())),
                           preferred_element_type=F32, precision=prec)




def _row_stats(t):
    m = jnp.mean(t, axis=-1, keepdims=True)
    v = jnp.mean((t - m) ** 2, axis=-1, keepdims=True)
    return m.reshape(T, 1), v.reshape(T, 1)


def _qkv_body(x_ref, m_ref, v_ref, g_ref, b_ref, w_ref, bias_ref, out_ref):
    h1 = ((x_ref[...] - m_ref[...]) / jnp.sqrt(v_ref[...] + 1e-5)
          * g_ref[...] + b_ref[...])
    out_ref[...] = _mm(h1, w_ref[...]) + bias_ref[...]


def _qkv_call(xf, m1, v1, g, b, w_qkv, b_qkv):
    return pl.pallas_call(
        _qkv_body,
        grid=(T // RB,),
        in_specs=[
            pl.BlockSpec((RB, C), lambda i: (i, 0)),
            pl.BlockSpec((RB, 1), lambda i: (i, 0)),
            pl.BlockSpec((RB, 1), lambda i: (i, 0)),
            pl.BlockSpec((1, C), lambda i: (0, 0)),
            pl.BlockSpec((1, C), lambda i: (0, 0)),
            pl.BlockSpec((3 * C, C), lambda i: (0, 0)),
            pl.BlockSpec((1, 3 * C), lambda i: (0, 0)),
        ],
        out_specs=pl.BlockSpec((RB, 3 * C), lambda i: (i, 0)),
        out_shape=jax.ShapeDtypeStruct((T, 3 * C), F32),
        compiler_params=pltpu.CompilerParams(
            dimension_semantics=("arbitrary",)),
    )(xf, m1, v1, g, b, w_qkv, b_qkv)



KC = 1024


def _attn_body(q_ref, kt_ref, v_ref, o_ref):
    q = q_ref[0]
    s0 = _mm(q, kt_ref[0][:, 0:KC], contract_b=0) * (1.0 / (DH ** 0.5))
    m0 = jnp.max(s0, axis=-1, keepdims=True)
    p0 = jnp.exp(s0 - m0)
    l0 = jnp.sum(p0, axis=-1, keepdims=True)
    o0 = _mm(p0, v_ref[0][0:KC, :], contract_b=0) * (1.0 / l0)
    for c in range(1, N // KC):
        s1 = _mm(q, kt_ref[0][:, c * KC:(c + 1) * KC],
                 contract_b=0) * (1.0 / (DH ** 0.5))
        mc = jnp.max(s1, axis=-1, keepdims=True)
        mn = jnp.maximum(m0, mc)
        ed = jnp.exp(jnp.where(m0 == mn, 0.0, m0 - mn))
        p1 = jnp.exp(s1 - mn)
        sp = jnp.sum(p1, axis=-1, keepdims=True)
        l1 = ed * l0 + sp
        acc = (ed * l0) * o0
        o0 = (_mm(p1, v_ref[0][c * KC:(c + 1) * KC, :], contract_b=0)
              + acc) * (1.0 / l1)
        m0, l0 = mn, l1
    o_ref[0] = o0


def _attn_call(q3, kt3, v3):
    QB = 256
    return pl.pallas_call(
        _attn_body,
        grid=(B * H, N // QB),
        in_specs=[
            pl.BlockSpec((1, QB, DH), lambda h, i: (h, i, 0)),
            pl.BlockSpec((1, DH, N), lambda h, i: (h, 0, 0)),
            pl.BlockSpec((1, N, DH), lambda h, i: (h, 0, 0)),
        ],
        out_specs=pl.BlockSpec((1, QB, DH), lambda h, i: (h, i, 0)),
        out_shape=jax.ShapeDtypeStruct((B * H, N, DH), F32),
        compiler_params=pltpu.CompilerParams(
            dimension_semantics=("arbitrary", "arbitrary")),
    )(q3, kt3, v3)



def _oproj_body(ao_ref, x_ref, wo_ref, bo_ref, x1_ref):
    x1_ref[...] = x_ref[...] + _mm(ao_ref[...], wo_ref[...]) + bo_ref[...]


def _oproj_call(ao, xf, w_o, b_o):
    return pl.pallas_call(
        _oproj_body,
        grid=(T // RB,),
        in_specs=[
            pl.BlockSpec((RB, C), lambda i: (i, 0)),
            pl.BlockSpec((RB, C), lambda i: (i, 0)),
            pl.BlockSpec((C, C), lambda i: (0, 0)),
            pl.BlockSpec((1, C), lambda i: (0, 0)),
        ],
        out_specs=pl.BlockSpec((RB, C), lambda i: (i, 0)),
        out_shape=jax.ShapeDtypeStruct((T, C), F32),
        compiler_params=pltpu.CompilerParams(
            dimension_semantics=("arbitrary",)),
    )(ao, xf, w_o, b_o)


def _gate_body(x1_ref, m_ref, v_ref, g_ref, b_ref, wg_ref, bg_ref,
               h2_ref, lg_ref):
    h2 = ((x1_ref[...] - m_ref[...]) / jnp.sqrt(v_ref[...] + 1e-5)
          * g_ref[...] + b_ref[...])
    h2_ref[...] = h2
    lg_ref[...] = _mm(h2, wg_ref[...]) + bg_ref[...]


def _gate_call(x1, m2, v2, g, b, wg_pad, bg_pad):
    return pl.pallas_call(
        _gate_body,
        grid=(T // RB,),
        in_specs=[
            pl.BlockSpec((RB, C), lambda i: (i, 0)),
            pl.BlockSpec((RB, 1), lambda i: (i, 0)),
            pl.BlockSpec((RB, 1), lambda i: (i, 0)),
            pl.BlockSpec((1, C), lambda i: (0, 0)),
            pl.BlockSpec((1, C), lambda i: (0, 0)),
            pl.BlockSpec((128, C), lambda i: (0, 0)),
            pl.BlockSpec((1, 128), lambda i: (0, 0)),
        ],
        out_specs=[
            pl.BlockSpec((RB, C), lambda i: (i, 0)),
            pl.BlockSpec((RB, 128), lambda i: (i, 0)),
        ],
        out_shape=[
            jax.ShapeDtypeStruct((T, C), F32),
            jax.ShapeDtypeStruct((T, 128), F32),
        ],
        compiler_params=pltpu.CompilerParams(
            dimension_semantics=("arbitrary",)),
    )(x1, m2, v2, g, b, wg_pad, bg_pad)



def _route_body(lg_ref, p_ref, bb_ref):
    CH = 256
    lg = lg_ref[...]
    lane = lax.broadcasted_iota(jnp.int32, (T, 128), 1)
    neg = jnp.float32(-1e30)
    lgm = jnp.where(lane < E, lg, neg)
    m1 = jnp.max(lgm, axis=-1, keepdims=True)
    i1 = jnp.min(jnp.where(lgm == m1, lane, 127), axis=-1, keepdims=True)
    lg2 = jnp.where(lane == i1, neg, lgm)
    m2 = jnp.max(lg2, axis=-1, keepdims=True)
    i2 = jnp.min(jnp.where(lg2 == m2, lane, 127), axis=-1, keepdims=True)
    e = jnp.maximum(i1, i2)
    onehot = (lane == e).astype(F32)

    counts = jnp.sum(onehot, axis=0, keepdims=True)
    pb = (counts.astype(jnp.int32) + (BLK - 1)) // BLK
    r0 = lax.broadcasted_iota(jnp.int32, (128, 128), 0)
    c0 = lax.broadcasted_iota(jnp.int32, (128, 128), 1)
    su = (r0 < c0).astype(F32)
    bb = _mm(pb.astype(F32), su, contract_b=0)
    bb_ref[...] = bb.astype(jnp.int32)
    base = bb * float(BLK)

    rr = lax.broadcasted_iota(jnp.int32, (CH, CH), 0)
    cc = lax.broadcasted_iota(jnp.int32, (CH, CH), 1)
    tril = (rr > cc).astype(F32)
    run = jnp.zeros((1, 128), F32)
    for c in range(T // CH):
        oh = onehot[c * CH:(c + 1) * CH, :]
        rank = _mm(tril, oh, contract_b=0)
        pos = base + run + rank
        pv = jnp.sum(oh * pos, axis=-1, keepdims=True)
        p_ref[c * CH:(c + 1) * CH, :] = pv.astype(jnp.int32)
        run = run + jnp.sum(oh, axis=0, keepdims=True)


def _route_call(lg):
    return pl.pallas_call(
        _route_body,
        out_shape=[
            jax.ShapeDtypeStruct((T, 1), jnp.int32),
            jax.ShapeDtypeStruct((1, 128), jnp.int32),
        ],
    )(lg)



_ROWS_W = T // NW
_CHUNK = 32
_NCH = _ROWS_W // _CHUNK


def _sc_wid():
    return lax.axis_index("s") * NC_SC + lax.axis_index("c")


def _sc_mesh():
    return plsc.VectorSubcoreMesh(core_axis_name="c", subcore_axis_name="s")


_SC_SCRATCH = [
    pltpu.VMEM((_CHUNK,), jnp.int32),
    pltpu.VMEM((_CHUNK,), jnp.int32),
    pltpu.VMEM((_CHUNK, C), F32),
    pltpu.VMEM((_CHUNK, C), F32),
    pltpu.SemaphoreType.DMA,
    pltpu.SemaphoreType.DMA,
]


def _sc_dispatch(p, h2):
    @functools.partial(
        pl.kernel, mesh=_sc_mesh(),
        out_type=jax.ShapeDtypeStruct((P, C), F32),
        scratch_types=_SC_SCRATCH,
    )
    def body(p_hbm, h2_hbm, xs_hbm, pv0, pv1, rv0, rv1, sem0, sem1):
        base = _sc_wid() * _ROWS_W
        pvs, rvs, sems = (pv0, pv1), (rv0, rv1), (sem0, sem1)
        cps = [None, None]
        for c in range(_NCH):
            b = c % 2
            off = base + c * _CHUNK
            if cps[b] is not None:
                cps[b].wait()
            pltpu.sync_copy(p_hbm.at[pl.ds(off, _CHUNK)], pvs[b])
            pltpu.sync_copy(h2_hbm.at[pl.ds(off, _CHUNK)], rvs[b])
            cps[b] = pltpu.async_copy(rvs[b], xs_hbm.at[pvs[b]], sems[b])
        for cp in cps:
            cp.wait()

    return body(p, h2)


def _sc_combine(p, ys):
    @functools.partial(
        pl.kernel, mesh=_sc_mesh(),
        out_type=jax.ShapeDtypeStruct((T, C), F32),
        scratch_types=_SC_SCRATCH,
    )
    def body(p_hbm, ys_hbm, mo_hbm, pv0, pv1, rv0, rv1, sem0, sem1):
        base = _sc_wid() * _ROWS_W
        pvs, rvs, sems = (pv0, pv1), (rv0, rv1), (sem0, sem1)
        cps = [None, None]
        for c in range(_NCH):
            b = c % 2
            off = base + c * _CHUNK
            if cps[b] is not None:
                cps[b].wait()
                pltpu.sync_copy(rvs[b],
                                mo_hbm.at[pl.ds(off - 2 * _CHUNK, _CHUNK)])
            pltpu.sync_copy(p_hbm.at[pl.ds(off, _CHUNK)], pvs[b])
            cps[b] = pltpu.async_copy(ys_hbm.at[pvs[b]], rvs[b], sems[b])
        for c in range(_NCH - 2, _NCH):
            b = c % 2
            cps[b].wait()
            pltpu.sync_copy(rvs[b], mo_hbm.at[pl.ds(base + c * _CHUNK,
                                                    _CHUNK)])

    return body(p, ys)



DHALF = DFF // 2


def _ffn_body(bb_ref, xs_ref, w1_ref, b1_ref, w2_ref, b2_ref, out_ref,
              acc_ref):
    d = pl.program_id(0)
    i = pl.program_id(1)
    h = _gelu(_mm(xs_ref[...], w1_ref[0]) + b1_ref[0])
    part = _mm(h, w2_ref[0])
    rows = pl.ds(i * BLK, BLK)

    @pl.when(d == 0)
    def _():
        acc_ref[rows, :] = part

    @pl.when(d == 1)
    def _():
        out_ref[...] = acc_ref[rows, :] + part + b2_ref[0]


def _expert_of(i, bb_ref):
    be = jnp.int32(0)
    for e in range(1, E):
        be = be + (i >= bb_ref[e]).astype(jnp.int32)
    return be


def _ffn_call(bb8, xs, w_e1, b_e1, w_e2, b_e2):
    grid_spec = pltpu.PrefetchScalarGridSpec(
        num_scalar_prefetch=1,
        grid=(2, NBLK),
        in_specs=[
            pl.BlockSpec((BLK, C), lambda d, i, bb: (i, 0)),
            pl.BlockSpec((1, DHALF, C),
                         lambda d, i, bb: (_expert_of(i, bb), d, 0)),
            pl.BlockSpec((1, 1, DHALF),
                         lambda d, i, bb: (_expert_of(i, bb), 0, d)),
            pl.BlockSpec((1, C, DHALF),
                         lambda d, i, bb: (_expert_of(i, bb), 0, d)),
            pl.BlockSpec((1, 1, C),
                         lambda d, i, bb: (_expert_of(i, bb), 0, 0)),
        ],
        out_specs=pl.BlockSpec((BLK, C), lambda d, i, bb: (i, 0)),
        scratch_shapes=[pltpu.VMEM((P, C), F32)],
    )
    return pl.pallas_call(
        _ffn_body,
        grid_spec=grid_spec,
        out_shape=jax.ShapeDtypeStruct((P, C), F32),
        compiler_params=pltpu.CompilerParams(
            dimension_semantics=("arbitrary", "arbitrary"),
            vmem_limit_bytes=100 * 1024 * 1024),
    )(bb8, xs, w_e1, b_e1, w_e2, b_e2)



def _mlp_body(x1_ref, mo_ref, g_ref, b_ref, w1_ref, b1_ref, w2_ref, b2_ref,
              out_ref, acc_ref):
    d = pl.program_id(0)
    i = pl.program_id(1)
    x2 = x1_ref[...] + float(TOPK) * mo_ref[...]
    h3 = _ln(x2, g_ref[...], b_ref[...])
    m = _gelu(_mm(h3, w1_ref[...]) + b1_ref[...])
    part = _mm(m, w2_ref[...])
    rows = pl.ds(i * RB, RB)

    @pl.when(d == 0)
    def _():
        acc_ref[rows, :] = part

    @pl.when(d == 1)
    def _():
        out_ref[...] = x2 + acc_ref[rows, :] + part + b2_ref[...]


def _mlp_call(x1, mo, g, b, w_m1, b_m1, w_m2, b_m2):
    return pl.pallas_call(
        _mlp_body,
        grid=(2, T // RB),
        in_specs=[
            pl.BlockSpec((RB, C), lambda d, i: (i, 0)),
            pl.BlockSpec((RB, C), lambda d, i: (i, 0)),
            pl.BlockSpec((1, C), lambda d, i: (0, 0)),
            pl.BlockSpec((1, C), lambda d, i: (0, 0)),
            pl.BlockSpec((DHALF, C), lambda d, i: (d, 0)),
            pl.BlockSpec((1, DHALF), lambda d, i: (0, d)),
            pl.BlockSpec((C, DHALF), lambda d, i: (0, d)),
            pl.BlockSpec((1, C), lambda d, i: (0, 0)),
        ],
        out_specs=pl.BlockSpec((RB, C), lambda d, i: (i, 0)),
        out_shape=jax.ShapeDtypeStruct((T, C), F32),
        scratch_shapes=[pltpu.VMEM((T, C), F32)],
        compiler_params=pltpu.CompilerParams(
            dimension_semantics=("arbitrary", "arbitrary"),
            vmem_limit_bytes=100 * 1024 * 1024),
    )(x1, mo, g, b, w_m1, b_m1, w_m2, b_m2)



def kernel(x, ln1_g, ln1_b, ln2_g, ln2_b, ln3_g, ln3_b, w_qkv, b_qkv, w_o,
           b_o, w_gate, b_gate, w_e1, b_e1, w_e2, b_e2, w_m1, b_m1, w_m2,
           b_m2):
    xf = x.reshape(T, C)
    r2 = lambda v: v.reshape(1, -1)

    m1, v1 = _row_stats(x)
    qkv = _qkv_call(xf, m1, v1, r2(ln1_g), r2(ln1_b), w_qkv, r2(b_qkv))
    q, k, v = jnp.split(qkv, 3, axis=-1)
    hs = lambda t: t.reshape(B, N, H, DH).transpose(0, 2, 1, 3).reshape(
        B * H, N, DH)
    q3, v3 = hs(q), hs(v)
    kt3 = hs(k).transpose(0, 2, 1)
    ao = _attn_call(q3, kt3, v3)
    ao = ao.reshape(B, H, N, DH).transpose(0, 2, 1, 3).reshape(T, C)

    wg_pad = jnp.zeros((128, C), F32).at[:E].set(w_gate)
    bg_pad = jnp.pad(b_gate, (0, 128 - E)).reshape(1, 128)
    x1 = _oproj_call(ao, xf, w_o, r2(b_o))
    m2, v2 = _row_stats(x1.reshape(B, N, C))
    h2, lg = _gate_call(x1, m2, v2, r2(ln2_g), r2(ln2_b), wg_pad, bg_pad)

    p2, bb = _route_call(lg)
    p = p2.reshape(T)
    bb8 = bb.reshape(128)[:E]

    xs = _sc_dispatch(p, h2)
    ys = _ffn_call(bb8, xs, w_e1, b_e1.reshape(E, 1, DFF), w_e2,
                   b_e2.reshape(E, 1, C))
    mo = _sc_combine(p, ys)

    out = _mlp_call(x1, mo, r2(ln3_g), r2(ln3_b), w_m1, r2(b_m1), w_m2,
                    r2(b_m2))
    return out.reshape(B, N, C)

# --- scband reference (transcript-rebuilt; emitter-appended) ---
"""Pipeline reference for scband-switch-transformer-block-15006615733155 (READ-ONLY COPY).

The authoritative reference and input builder live on the scoring server;
editing this copy changes nothing except your own understanding.
"""

import jax, jax.numpy as jnp
import numpy as np

B, N, C, H, E, TOPK = 2, 2048, 1024, 16, 8, 2
DFF = 4 * C


def setup_inputs(seed: int = 0):
    key = jax.random.key(seed)
    ks = jax.random.split(key, 10)
    s = lambda fan: 1.0 / np.sqrt(fan)
    inp = {}
    inp['x'] = jax.random.normal(ks[0], (B, N, C), dtype=jnp.float32)
    inp['ln1_g'] = jnp.ones((C,), jnp.float32); inp['ln1_b'] = jnp.zeros((C,), jnp.float32)
    inp['ln2_g'] = jnp.ones((C,), jnp.float32); inp['ln2_b'] = jnp.zeros((C,), jnp.float32)
    inp['ln3_g'] = jnp.ones((C,), jnp.float32); inp['ln3_b'] = jnp.zeros((C,), jnp.float32)
    inp['w_qkv'] = jax.random.normal(ks[1], (3 * C, C), jnp.float32) * s(C)
    inp['b_qkv'] = jnp.zeros((3 * C,), jnp.float32)
    inp['w_o'] = jax.random.normal(ks[2], (C, C), jnp.float32) * s(C)
    inp['b_o'] = jnp.zeros((C,), jnp.float32)
    inp['w_gate'] = jax.random.normal(ks[3], (E, C), jnp.float32) * s(C)
    inp['b_gate'] = jnp.zeros((E,), jnp.float32)
    inp['w_e1'] = jax.random.normal(ks[4], (E, DFF, C), jnp.float32) * s(C)
    inp['b_e1'] = jnp.zeros((E, DFF), jnp.float32)
    inp['w_e2'] = jax.random.normal(ks[5], (E, C, DFF), jnp.float32) * s(DFF)
    inp['b_e2'] = jnp.zeros((E, C), jnp.float32)
    inp['w_m1'] = jax.random.normal(ks[6], (DFF, C), jnp.float32) * s(C)
    inp['b_m1'] = jnp.zeros((DFF,), jnp.float32)
    inp['w_m2'] = jax.random.normal(ks[7], (C, DFF), jnp.float32) * s(DFF)
    inp['b_m2'] = jnp.zeros((C,), jnp.float32)
    return inp


def _layernorm(x, g, b, eps=1e-5):
    m = x.mean(-1, keepdims=True)
    v = ((x - m) ** 2).mean(-1, keepdims=True)
    return (x - m) / jnp.sqrt(v + eps) * g + b


def _mha(x, w_qkv, b_qkv, w_o, b_o):
    Bx, Nx, Cx = x.shape
    dh = Cx // H
    qkv = x @ w_qkv.T + b_qkv
    q, k, v = jnp.split(qkv, 3, axis=-1)
    hs = lambda t: t.reshape(Bx, Nx, H, dh).transpose(0, 2, 1, 3)
    q, k, v = hs(q), hs(k), hs(v)
    a = jax.nn.softmax((q @ k.transpose(0, 1, 3, 2)) / np.sqrt(dh), axis=-1)
    o = (a @ v).transpose(0, 2, 1, 3).reshape(Bx, Nx, Cx)
    return o @ w_o.T + b_o


def _switch(x, w_gate, b_gate, w_e1, b_e1, w_e2, b_e2):
    Bx, Nx, Cx = x.shape
    fx = x.reshape(-1, Cx)
    T = fx.shape[0]
    logits = fx @ w_gate.T + b_gate
    tk_logits, tk_idx = jax.lax.top_k(logits, TOPK)
    tk_logits = tk_logits - jax.nn.logsumexp(tk_logits, axis=-1, keepdims=True)  # computed but unused, as in reference
    eo = jnp.zeros((T, TOPK, Cx), dtype=x.dtype)
    for i in range(E):
        mask = (tk_idx == i).any(axis=-1)
        h = jax.nn.gelu(fx @ w_e1[i].T + b_e1[i], approximate=False)
        y = h @ w_e2[i].T + b_e2[i]
        y = jnp.broadcast_to(y[:, None, :], (T, TOPK, Cx))
        eo = jnp.where(mask[:, None, None], y, eo)
    return eo.sum(axis=1).reshape(Bx, Nx, Cx)


def reference(x, ln1_g, ln1_b, ln2_g, ln2_b, ln3_g, ln3_b, w_qkv, b_qkv, w_o, b_o,
              w_gate, b_gate, w_e1, b_e1, w_e2, b_e2, w_m1, b_m1, w_m2, b_m2):
    h1 = _layernorm(x, ln1_g, ln1_b)
    x = x + _mha(h1, w_qkv, b_qkv, w_o, b_o)
    x = x + _switch(_layernorm(x, ln2_g, ln2_b), w_gate, b_gate, w_e1, b_e1, w_e2, b_e2)
    h3 = _layernorm(x, ln3_g, ln3_b)
    m = jax.nn.gelu(h3 @ w_m1.T + b_m1, approximate=False) @ w_m2.T + b_m2
    return x + m

if __name__ == "__main__":
    import jax
    _d = setup_inputs()
    print(jax.jit(kernel)(*tuple(_d.values())))

</pallas_src>

<mosaic_0001>
#map = affine_map<(d0, d1) -> (0)>
#map1 = affine_map<(d0, d1) -> (0, 0)>
module attributes {stable_mosaic.version = 14 : i64} {
  func.func @body(%arg0: i32, %arg1: i32, %arg2: memref<4096xi32, #tpu.memory_space<hbm>>, %arg3: memref<6144x1024xf32, #tpu.memory_space<hbm>>, %arg4: memref<4096x1024xf32, #tpu.memory_space<hbm>>, %arg5: memref<32xi32, #tpu.memory_space<vmem>>, %arg6: memref<32xi32, #tpu.memory_space<vmem>>, %arg7: memref<32x1024xf32, #tpu.memory_space<vmem>>, %arg8: memref<32x1024xf32, #tpu.memory_space<vmem>>, %arg9: memref<!tpu.dma_semaphore, #tpu.memory_space<semaphore_mem>>, %arg10: memref<!tpu.dma_semaphore, #tpu.memory_space<semaphore_mem>>) attributes {dimension_semantics = [#tpu.dimension_semantics<core_parallel>, #tpu.dimension_semantics<subcore_parallel>], iteration_bounds = array<i64: 2, 16>, scalar_prefetch = 0 : i64, scratch_operands = 6 : i64, tpu.core_type = #tpu.core_type<sc_vector_subcore>, window_params = [{transform_indices = #map}, {transform_indices = #map1}, {transform_indices = #map1}]} {
    %mul3A = arith.constant 2 : i32
    %mul3A_0 = arith.muli %arg1, %mul3A : i32
    %add3A = arith.addi %mul3A_0, %arg0 : i32
    %mul3A_1 = arith.constant 128 : i32
    %mul3A_2 = arith.muli %add3A, %mul3A_1 : i32
    %add3A_3 = arith.constant 0 : i32
    %add3A_4 = arith.addi %mul3A_2, %add3A_3 : i32
    "tpu.region"() ({
      %run_scoped3A = tpu.sem_alloc : memref<!tpu.dma_semaphore, #tpu.memory_space<semaphore_mem>>
      %dma_start3A_40 = tpu.memref_slice %arg2[%add3A_4] : memref<4096xi32, #tpu.memory_space<hbm>> -> memref<32xi32, #tpu.memory_space<hbm>>
      %dma_start3A_41 = tpu.memref_slice %arg2[%add3A_4] : memref<4096xi32, #tpu.memory_space<hbm>> -> memref<32xi32, #tpu.memory_space<hbm>>
      tpu.enqueue_dma source(%dma_start3A_41 : memref<32xi32, #tpu.memory_space<hbm>>) target(%arg5 : memref<32xi32, #tpu.memory_space<vmem>>) target_semaphore(%run_scoped3A : memref<!tpu.dma_semaphore, #tpu.memory_space<semaphore_mem>>)
      %dma_wait3A_42 = tpu.memref_slice %arg2[%add3A_4] : memref<4096xi32, #tpu.memory_space<hbm>> -> memref<32xi32, #tpu.memory_space<hbm>>
      %dma_wait3A_43 = tpu.memref_slice %arg2[%add3A_4] : memref<4096xi32, #tpu.memory_space<hbm>> -> memref<32xi32, #tpu.memory_space<hbm>>
      tpu.wait_dma2 semaphore(%run_scoped3A : memref<!tpu.dma_semaphore, #tpu.memory_space<semaphore_mem>>) src(%dma_wait3A_43 : memref<32xi32, #tpu.memory_space<hbm>>) dst(%arg5 : memref<32xi32, #tpu.memory_space<vmem>>)
      tpu.yield
    }) : () -> ()
    %dma_start3A = arith.constant 0 : i32
    %dma_start3A_5 = arith.constant 0 : i32
    %dma_start3A_6 = tpu.memref_slice %arg3[%dma_start3A, %dma_start3A_5] : memref<6144x1024xf32, #tpu.memory_space<hbm>> -> memref<6144x1024xf32, #tpu.memory_space<hbm>>
    tpu.enqueue_indirect_dma source(%dma_start3A_6 : memref<6144x1024xf32, #tpu.memory_space<hbm>>) target(%arg7 : memref<32x1024xf32, #tpu.memory_space<vmem>>) offsets(%arg5 : memref<32xi32, #tpu.memory_space<vmem>>) semaphore(%arg9 : memref<!tpu.dma_semaphore, #tpu.memory_space<semaphore_mem>>)
    %add3A_7 = arith.constant 32 : i32
    %add3A_8 = arith.addi %mul3A_2, %add3A_7 : i32
    "tpu.region"() ({
      %run_scoped3A = tpu.sem_alloc : memref<!tpu.dma_semaphore, #tpu.memory_space<semaphore_mem>>
      %dma_start3A_40 = tpu.memref_slice %arg2[%add3A_8] : memref<4096xi32, #tpu.memory_space<hbm>> -> memref<32xi32, #tpu.memory_space<hbm>>
      %dma_start3A_41 = tpu.memref_slice %arg2[%add3A_8] : memref<4096xi32, #tpu.memory_space<hbm>> -> memref<32xi32, #tpu.memory_space<hbm>>
      tpu.enqueue_dma source(%dma_start3A_41 : memref<32xi32, #tpu.memory_space<hbm>>) target(%arg6 : memref<32xi32, #tpu.memory_space<vmem>>) target_semaphore(%run_scoped3A : memref<!tpu.dma_semaphore, #tpu.memory_space<semaphore_mem>>)
      %dma_wait3A_42 = tpu.memref_slice %arg2[%add3A_8] : memref<4096xi32, #tpu.memory_space<hbm>> -> memref<32xi32, #tpu.memory_space<hbm>>
      %dma_wait3A_43 = tpu.memref_slice %arg2[%add3A_8] : memref<4096xi32, #tpu.memory_space<hbm>> -> memref<32xi32, #tpu.memory_space<hbm>>
      tpu.wait_dma2 semaphore(%run_scoped3A : memref<!tpu.dma_semaphore, #tpu.memory_space<semaphore_mem>>) src(%dma_wait3A_43 : memref<32xi32, #tpu.memory_space<hbm>>) dst(%arg6 : memref<32xi32, #tpu.memory_space<vmem>>)
      tpu.yield
    }) : () -> ()
    %dma_start3A_9 = arith.constant 0 : i32
    %dma_start3A_10 = arith.constant 0 : i32
    %dma_start3A_11 = tpu.memref_slice %arg3[%dma_start3A_9, %dma_start3A_10] : memref<6144x1024xf32, #tpu.memory_space<hbm>> -> memref<6144x1024xf32, #tpu.memory_space<hbm>>
    tpu.enqueue_indirect_dma source(%dma_start3A_11 : memref<6144x1024xf32, #tpu.memory_space<hbm>>) target(%arg8 : memref<32x1024xf32, #tpu.memory_space<vmem>>) offsets(%arg6 : memref<32xi32, #tpu.memory_space<vmem>>) semaphore(%arg10 : memref<!tpu.dma_semaphore, #tpu.memory_space<semaphore_mem>>)
    %add3A_12 = arith.constant 64 : i32
    %add3A_13 = arith.addi %mul3A_2, %add3A_12 : i32
    %dma_wait3A = arith.constant 0 : i32
    %dma_wait3A_14 = arith.constant 0 : i32
    %dma_wait3A_15 = tpu.memref_slice %arg3[%dma_wait3A, %dma_wait3A_14] : memref<6144x1024xf32, #tpu.memory_space<hbm>> -> memref<6144x1024xf32, #tpu.memory_space<hbm>>
    tpu.wait_indirect_dma semaphore(%arg9 : memref<!tpu.dma_semaphore, #tpu.memory_space<semaphore_mem>>) src(%dma_wait3A_15 : memref<6144x1024xf32, #tpu.memory_space<hbm>>) dst(%arg7 : memref<32x1024xf32, #tpu.memory_space<vmem>>)
    %sub3A = arith.constant 64 : i32
    %sub3A_16 = arith.subi %add3A_13, %sub3A : i32
    "tpu.region"() ({
      %run_scoped3A = tpu.sem_alloc : memref<!tpu.dma_semaphore, #tpu.memory_space<semaphore_mem>>
      %dma_start3A_40 = arith.constant 0 : i32
      %dma_start3A_41 = tpu.memref_slice %arg4[%sub3A_16, %dma_start3A_40] : memref<4096x1024xf32, #tpu.memory_space<hbm>> -> memref<32x1024xf32, #tpu.memory_space<hbm>>
      %dma_start3A_42 = arith.constant 0 : i32
      %dma_start3A_43 = tpu.memref_slice %arg4[%sub3A_16, %dma_start3A_42] : memref<4096x1024xf32, #tpu.memory_space<hbm>> -> memref<32x1024xf32, #tpu.memory_space<hbm>>
      tpu.enqueue_dma source(%arg7 : memref<32x1024xf32, #tpu.memory_space<vmem>>) target(%dma_start3A_43 : memref<32x1024xf32, #tpu.memory_space<hbm>>) target_semaphore(%run_scoped3A : memref<!tpu.dma_semaphore, #tpu.memory_space<semaphore_mem>>)
      %dma_wait3A_44 = arith.constant 0 : i32
      %dma_wait3A_45 = tpu.memref_slice %arg4[%sub3A_16, %dma_wait3A_44] : memref<4096x1024xf32, #tpu.memory_space<hbm>> -> memref<32x1024xf32, #tpu.memory_space<hbm>>
      %dma_wait3A_46 = arith.constant 0 : i32
      %dma_wait3A_47 = tpu.memref_slice %arg4[%sub3A_16, %dma_wait3A_46] : memref<4096x1024xf32, #tpu.memory_space<hbm>> -> memref<32x1024xf32, #tpu.memory_space<hbm>>
      tpu.wait_dma2 semaphore(%run_scoped3A : memref<!tpu.dma_semaphore, #tpu.memory_space<semaphore_mem>>) src(%arg7 : memref<32x1024xf32, #tpu.memory_space<vmem>>) dst(%dma_wait3A_47 : memref<32x1024xf32, #tpu.memory_space<hbm>>)
      tpu.yield
    }) : () -> ()
    "tpu.region"() ({
      %run_scoped3A = tpu.sem_alloc : memref<!tpu.dma_semaphore, #tpu.memory_space<semaphore_mem>>
      %dma_start3A_40 = tpu.memref_slice %arg2[%add3A_13] : memref<4096xi32, #tpu.memory_space<hbm>> -> memref<32xi32, #tpu.memory_space<hbm>>
      %dma_start3A_41 = tpu.memref_slice %arg2[%add3A_13] : memref<4096xi32, #tpu.memory_space<hbm>> -> memref<32xi32, #tpu.memory_space<hbm>>
      tpu.enqueue_dma source(%dma_start3A_41 : memref<32xi32, #tpu.memory_space<hbm>>) target(%arg5 : memref<32xi32, #tpu.memory_space<vmem>>) target_semaphore(%run_scoped3A : memref<!tpu.dma_semaphore, #tpu.memory_space<semaphore_mem>>)
      %dma_wait3A_42 = tpu.memref_slice %arg2[%add3A_13] : memref<4096xi32, #tpu.memory_space<hbm>> -> memref<32xi32, #tpu.memory_space<hbm>>
      %dma_wait3A_43 = tpu.memref_slice %arg2[%add3A_13] : memref<4096xi32, #tpu.memory_space<hbm>> -> memref<32xi32, #tpu.memory_space<hbm>>
      tpu.wait_dma2 semaphore(%run_scoped3A : memref<!tpu.dma_semaphore, #tpu.memory_space<semaphore_mem>>) src(%dma_wait3A_43 : memref<32xi32, #tpu.memory_space<hbm>>) dst(%arg5 : memref<32xi32, #tpu.memory_space<vmem>>)
      tpu.yield
    }) : () -> ()
    %dma_start3A_17 = arith.constant 0 : i32
    %dma_start3A_18 = arith.constant 0 : i32
    %dma_start3A_19 = tpu.memref_slice %arg3[%dma_start3A_17, %dma_start3A_18] : memref<6144x1024xf32, #tpu.memory_space<hbm>> -> memref<6144x1024xf32, #tpu.memory_space<hbm>>
    tpu.enqueue_indirect_dma source(%dma_start3A_19 : memref<6144x1024xf32, #tpu.memory_space<hbm>>) target(%arg7 : memref<32x1024xf32, #tpu.memory_space<vmem>>) offsets(%arg5 : memref<32xi32, #tpu.memory_space<vmem>>) semaphore(%arg9 : memref<!tpu.dma_semaphore, #tpu.memory_space<semaphore_mem>>)
    %add3A_20 = arith.constant 96 : i32
    %add3A_21 = arith.addi %mul3A_2, %add3A_20 : i32
    %dma_wait3A_22 = arith.constant 0 : i32
    %dma_wait3A_23 = arith.constant 0 : i32
    %dma_wait3A_24 = tpu.memref_slice %arg3[%dma_wait3A_22, %dma_wait3A_23] : memref<6144x1024xf32, #tpu.memory_space<hbm>> -> memref<6144x1024xf32, #tpu.memory_space<hbm>>
    tpu.wait_indirect_dma semaphore(%arg10 : memref<!tpu.dma_semaphore, #tpu.memory_space<semaphore_mem>>) src(%dma_wait3A_24 : memref<6144x1024xf32, #tpu.memory_space<hbm>>) dst(%arg8 : memref<32x1024xf32, #tpu.memory_space<vmem>>)
    %sub3A_25 = arith.constant 64 : i32
    %sub3A_26 = arith.subi %add3A_21, %sub3A_25 : i32
    "tpu.region"() ({
      %run_scoped3A = tpu.sem_alloc : memref<!tpu.dma_semaphore, #tpu.memory_space<semaphore_mem>>
      %dma_start3A_40 = arith.constant 0 : i32
      %dma_start3A_41 = tpu.memref_slice %arg4[%sub3A_26, %dma_start3A_40] : memref<4096x1024xf32, #tpu.memory_space<hbm>> -> memref<32x1024xf32, #tpu.memory_space<hbm>>
      %dma_start3A_42 = arith.constant 0 : i32
      %dma_start3A_43 = tpu.memref_slice %arg4[%sub3A_26, %dma_start3A_42] : memref<4096x1024xf32, #tpu.memory_space<hbm>> -> memref<32x1024xf32, #tpu.memory_space<hbm>>
      tpu.enqueue_dma source(%arg8 : memref<32x1024xf32, #tpu.memory_space<vmem>>) target(%dma_start3A_43 : memref<32x1024xf32, #tpu.memory_space<hbm>>) target_semaphore(%run_scoped3A : memref<!tpu.dma_semaphore, #tpu.memory_space<semaphore_mem>>)
      %dma_wait3A_44 = arith.constant 0 : i32
      %dma_wait3A_45 = tpu.memref_slice %arg4[%sub3A_26, %dma_wait3A_44] : memref<4096x1024xf32, #tpu.memory_space<hbm>> -> memref<32x1024xf32, #tpu.memory_space<hbm>>
      %dma_wait3A_46 = arith.constant 0 : i32
      %dma_wait3A_47 = tpu.memref_slice %arg4[%sub3A_26, %dma_wait3A_46] : memref<4096x1024xf32, #tpu.memory_space<hbm>> -> memref<32x1024xf32, #tpu.memory_space<hbm>>
      tpu.wait_dma2 semaphore(%run_scoped3A : memref<!tpu.dma_semaphore, #tpu.memory_space<semaphore_mem>>) src(%arg8 : memref<32x1024xf32, #tpu.memory_space<vmem>>) dst(%dma_wait3A_47 : memref<32x1024xf32, #tpu.memory_space<hbm>>)
      tpu.yield
    }) : () -> ()
    "tpu.region"() ({
      %run_scoped3A = tpu.sem_alloc : memref<!tpu.dma_semaphore, #tpu.memory_space<semaphore_mem>>
      %dma_start3A_40 = tpu.memref_slice %arg2[%add3A_21] : memref<4096xi32, #tpu.memory_space<hbm>> -> memref<32xi32, #tpu.memory_space<hbm>>
      %dma_start3A_41 = tpu.memref_slice %arg2[%add3A_21] : memref<4096xi32, #tpu.memory_space<hbm>> -> memref<32xi32, #tpu.memory_space<hbm>>
      tpu.enqueue_dma source(%dma_start3A_41 : memref<32xi32, #tpu.memory_space<hbm>>) target(%arg6 : memref<32xi32, #tpu.memory_space<vmem>>) target_semaphore(%run_scoped3A : memref<!tpu.dma_semaphore, #tpu.memory_space<semaphore_mem>>)
      %dma_wait3A_42 = tpu.memref_slice %arg2[%add3A_21] : memref<4096xi32, #tpu.memory_space<hbm>> -> memref<32xi32, #tpu.memory_space<hbm>>
      %dma_wait3A_43 = tpu.memref_slice %arg2[%add3A_21] : memref<4096xi32, #tpu.memory_space<hbm>> -> memref<32xi32, #tpu.memory_space<hbm>>
      tpu.wait_dma2 semaphore(%run_scoped3A : memref<!tpu.dma_semaphore, #tpu.memory_space<semaphore_mem>>) src(%dma_wait3A_43 : memref<32xi32, #tpu.memory_space<hbm>>) dst(%arg6 : memref<32xi32, #tpu.memory_space<vmem>>)
      tpu.yield
    }) : () -> ()
    %dma_start3A_27 = arith.constant 0 : i32
    %dma_start3A_28 = arith.constant 0 : i32
    %dma_start3A_29 = tpu.memref_slice %arg3[%dma_start3A_27, %dma_start3A_28] : memref<6144x1024xf32, #tpu.memory_space<hbm>> -> memref<6144x1024xf32, #tpu.memory_space<hbm>>
    tpu.enqueue_indirect_dma source(%dma_start3A_29 : memref<6144x1024xf32, #tpu.memory_space<hbm>>) target(%arg8 : memref<32x1024xf32, #tpu.memory_space<vmem>>) offsets(%arg6 : memref<32xi32, #tpu.memory_space<vmem>>) semaphore(%arg10 : memref<!tpu.dma_semaphore, #tpu.memory_space<semaphore_mem>>)
    %dma_wait3A_30 = arith.constant 0 : i32
    %dma_wait3A_31 = arith.constant 0 : i32
    %dma_wait3A_32 = tpu.memref_slice %arg3[%dma_wait3A_30, %dma_wait3A_31] : memref<6144x1024xf32, #tpu.memory_space<hbm>> -> memref<6144x1024xf32, #tpu.memory_space<hbm>>
    tpu.wait_indirect_dma semaphore(%arg9 : memref<!tpu.dma_semaphore, #tpu.memory_space<semaphore_mem>>) src(%dma_wait3A_32 : memref<6144x1024xf32, #tpu.memory_space<hbm>>) dst(%arg7 : memref<32x1024xf32, #tpu.memory_space<vmem>>)
    %add3A_33 = arith.constant 64 : i32
    %add3A_34 = arith.addi %mul3A_2, %add3A_33 : i32
    "tpu.region"() ({
      %run_scoped3A = tpu.sem_alloc : memref<!tpu.dma_semaphore, #tpu.memory_space<semaphore_mem>>
      %dma_start3A_40 = arith.constant 0 : i32
      %dma_start3A_41 = tpu.memref_slice %arg4[%add3A_34, %dma_start3A_40] : memref<4096x1024xf32, #tpu.memory_space<hbm>> -> memref<32x1024xf32, #tpu.memory_space<hbm>>
      %dma_start3A_42 = arith.constant 0 : i32
      %dma_start3A_43 = tpu.memref_slice %arg4[%add3A_34, %dma_start3A_42] : memref<4096x1024xf32, #tpu.memory_space<hbm>> -> memref<32x1024xf32, #tpu.memory_space<hbm>>
      tpu.enqueue_dma source(%arg7 : memref<32x1024xf32, #tpu.memory_space<vmem>>) target(%dma_start3A_43 : memref<32x1024xf32, #tpu.memory_space<hbm>>) target_semaphore(%run_scoped3A : memref<!tpu.dma_semaphore, #tpu.memory_space<semaphore_mem>>)
      %dma_wait3A_44 = arith.constant 0 : i32
      %dma_wait3A_45 = tpu.memref_slice %arg4[%add3A_34, %dma_wait3A_44] : memref<4096x1024xf32, #tpu.memory_space<hbm>> -> memref<32x1024xf32, #tpu.memory_space<hbm>>
      %dma_wait3A_46 = arith.constant 0 : i32
      %dma_wait3A_47 = tpu.memref_slice %arg4[%add3A_34, %dma_wait3A_46] : memref<4096x1024xf32, #tpu.memory_space<hbm>> -> memref<32x1024xf32, #tpu.memory_space<hbm>>
      tpu.wait_dma2 semaphore(%run_scoped3A : memref<!tpu.dma_semaphore, #tpu.memory_space<semaphore_mem>>) src(%arg7 : memref<32x1024xf32, #tpu.memory_space<vmem>>) dst(%dma_wait3A_47 : memref<32x1024xf32, #tpu.memory_space<hbm>>)
      tpu.yield
    }) : () -> ()
    %dma_wait3A_35 = arith.constant 0 : i32
    %dma_wait3A_36 = arith.constant 0 : i32
    %dma_wait3A_37 = tpu.memref_slice %arg3[%dma_wait3A_35, %dma_wait3A_36] : memref<6144x1024xf32, #tpu.memory_space<hbm>> -> memref<6144x1024xf32, #tpu.memory_space<hbm>>
    tpu.wait_indirect_dma semaphore(%arg10 : memref<!tpu.dma_semaphore, #tpu.memory_space<semaphore_mem>>) src(%dma_wait3A_37 : memref<6144x1024xf32, #tpu.memory_space<hbm>>) dst(%arg8 : memref<32x1024xf32, #tpu.memory_space<vmem>>)
    %add3A_38 = arith.constant 96 : i32
    %add3A_39 = arith.addi %mul3A_2, %add3A_38 : i32
    "tpu.region"() ({
      %run_scoped3A = tpu.sem_alloc : memref<!tpu.dma_semaphore, #tpu.memory_space<semaphore_mem>>
      %dma_start3A_40 = arith.constant 0 : i32
      %dma_start3A_41 = tpu.memref_slice %arg4[%add3A_39, %dma_start3A_40] : memref<4096x1024xf32, #tpu.memory_space<hbm>> -> memref<32x1024xf32, #tpu.memory_space<hbm>>
      %dma_start3A_42 = arith.constant 0 : i32
      %dma_start3A_43 = tpu.memref_slice %arg4[%add3A_39, %dma_start3A_42] : memref<4096x1024xf32, #tpu.memory_space<hbm>> -> memref<32x1024xf32, #tpu.memory_space<hbm>>
      tpu.enqueue_dma source(%arg8 : memref<32x1024xf32, #tpu.memory_space<vmem>>) target(%dma_start3A_43 : memref<32x1024xf32, #tpu.memory_space<hbm>>) target_semaphore(%run_scoped3A : memref<!tpu.dma_semaphore, #tpu.memory_space<semaphore_mem>>)
      %dma_wait3A_44 = arith.constant 0 : i32
      %dma_wait3A_45 = tpu.memref_slice %arg4[%add3A_39, %dma_wait3A_44] : memref<4096x1024xf32, #tpu.memory_space<hbm>> -> memref<32x1024xf32, #tpu.memory_space<hbm>>
      %dma_wait3A_46 = arith.constant 0 : i32
      %dma_wait3A_47 = tpu.memref_slice %arg4[%add3A_39, %dma_wait3A_46] : memref<4096x1024xf32, #tpu.memory_space<hbm>> -> memref<32x1024xf32, #tpu.memory_space<hbm>>
      tpu.wait_dma2 semaphore(%run_scoped3A : memref<!tpu.dma_semaphore, #tpu.memory_space<semaphore_mem>>) src(%arg8 : memref<32x1024xf32, #tpu.memory_space<vmem>>) dst(%dma_wait3A_47 : memref<32x1024xf32, #tpu.memory_space<hbm>>)
      tpu.yield
    }) : () -> ()
    return
  }
}

#map = affine_map<(d0, d1) -> (0)>
#map1 = affine_map<(d0, d1) -> (0, 0)>
module attributes {stable_mosaic.version = 14 : i64} {
  func.func @body(%arg0: i32, %arg1: i32, %arg2: memref<4096xi32, #tpu.memory_space<hbm>>, %arg3: memref<4096x1024xf32, #tpu.memory_space<hbm>>, %arg4: memref<6144x1024xf32, #tpu.memory_space<hbm>>, %arg5: memref<32xi32, #tpu.memory_space<vmem>>, %arg6: memref<32xi32, #tpu.memory_space<vmem>>, %arg7: memref<32x1024xf32, #tpu.memory_space<vmem>>, %arg8: memref<32x1024xf32, #tpu.memory_space<vmem>>, %arg9: memref<!tpu.dma_semaphore, #tpu.memory_space<semaphore_mem>>, %arg10: memref<!tpu.dma_semaphore, #tpu.memory_space<semaphore_mem>>) attributes {dimension_semantics = [#tpu.dimension_semantics<core_parallel>, #tpu.dimension_semantics<subcore_parallel>], iteration_bounds = array<i64: 2, 16>, scalar_prefetch = 0 : i64, scratch_operands = 6 : i64, tpu.core_type = #tpu.core_type<sc_vector_subcore>, window_params = [{transform_indices = #map}, {transform_indices = #map1}, {transform_indices = #map1}]} {
    %mul3A = arith.constant 2 : i32
    %mul3A_0 = arith.muli %arg1, %mul3A : i32
    %add3A = arith.addi %mul3A_0, %arg0 : i32
    %mul3A_1 = arith.constant 128 : i32
    %mul3A_2 = arith.muli %add3A, %mul3A_1 : i32
    %add3A_3 = arith.constant 0 : i32
    %add3A_4 = arith.addi %mul3A_2, %add3A_3 : i32
    "tpu.region"() ({
      %run_scoped3A = tpu.sem_alloc : memref<!tpu.dma_semaphore, #tpu.memory_space<semaphore_mem>>
      %dma_start3A_33 = tpu.memref_slice %arg2[%add3A_4] : memref<4096xi32, #tpu.memory_space<hbm>> -> memref<32xi32, #tpu.memory_space<hbm>>
      %dma_start3A_34 = tpu.memref_slice %arg2[%add3A_4] : memref<4096xi32, #tpu.memory_space<hbm>> -> memref<32xi32, #tpu.memory_space<hbm>>
      tpu.enqueue_dma source(%dma_start3A_34 : memref<32xi32, #tpu.memory_space<hbm>>) target(%arg5 : memref<32xi32, #tpu.memory_space<vmem>>) target_semaphore(%run_scoped3A : memref<!tpu.dma_semaphore, #tpu.memory_space<semaphore_mem>>)
      %dma_wait3A_35 = tpu.memref_slice %arg2[%add3A_4] : memref<4096xi32, #tpu.memory_space<hbm>> -> memref<32xi32, #tpu.memory_space<hbm>>
      %dma_wait3A_36 = tpu.memref_slice %arg2[%add3A_4] : memref<4096xi32, #tpu.memory_space<hbm>> -> memref<32xi32, #tpu.memory_space<hbm>>
      tpu.wait_dma2 semaphore(%run_scoped3A : memref<!tpu.dma_semaphore, #tpu.memory_space<semaphore_mem>>) src(%dma_wait3A_36 : memref<32xi32, #tpu.memory_space<hbm>>) dst(%arg5 : memref<32xi32, #tpu.memory_space<vmem>>)
      tpu.yield
    }) : () -> ()
    "tpu.region"() ({
      %run_scoped3A = tpu.sem_alloc : memref<!tpu.dma_semaphore, #tpu.memory_space<semaphore_mem>>
      %dma_start3A_33 = arith.constant 0 : i32
      %dma_start3A_34 = tpu.memref_slice %arg3[%add3A_4, %dma_start3A_33] : memref<4096x1024xf32, #tpu.memory_space<hbm>> -> memref<32x1024xf32, #tpu.memory_space<hbm>>
      %dma_start3A_35 = arith.constant 0 : i32
      %dma_start3A_36 = tpu.memref_slice %arg3[%add3A_4, %dma_start3A_35] : memref<4096x1024xf32, #tpu.memory_space<hbm>> -> memref<32x1024xf32, #tpu.memory_space<hbm>>
      tpu.enqueue_dma source(%dma_start3A_36 : memref<32x1024xf32, #tpu.memory_space<hbm>>) target(%arg7 : memref<32x1024xf32, #tpu.memory_space<vmem>>) target_semaphore(%run_scoped3A : memref<!tpu.dma_semaphore, #tpu.memory_space<semaphore_mem>>)
      %dma_wait3A_37 = arith.constant 0 : i32
      %dma_wait3A_38 = tpu.memref_slice %arg3[%add3A_4, %dma_wait3A_37] : memref<4096x1024xf32, #tpu.memory_space<hbm>> -> memref<32x1024xf32, #tpu.memory_space<hbm>>
      %dma_wait3A_39 = arith.constant 0 : i32
      %dma_wait3A_40 = tpu.memref_slice %arg3[%add3A_4, %dma_wait3A_39] : memref<4096x1024xf32, #tpu.memory_space<hbm>> -> memref<32x1024xf32, #tpu.memory_space<hbm>>
      tpu.wait_dma2 semaphore(%run_scoped3A : memref<!tpu.dma_semaphore, #tpu.memory_space<semaphore_mem>>) src(%dma_wait3A_40 : memref<32x1024xf32, #tpu.memory_space<hbm>>) dst(%arg7 : memref<32x1024xf32, #tpu.memory_space<vmem>>)
      tpu.yield
    }) : () -> ()
    %dma_start3A = arith.constant 0 : i32
    %dma_start3A_5 = arith.constant 0 : i32
    %dma_start3A_6 = tpu.memref_slice %arg4[%dma_start3A, %dma_start3A_5] : memref<6144x1024xf32, #tpu.memory_space<hbm>> -> memref<6144x1024xf32, #tpu.memory_space<hbm>>
    tpu.enqueue_indirect_dma source(%arg7 : memref<32x1024xf32, #tpu.memory_space<vmem>>) target(%dma_start3A_6 : memref<6144x1024xf32, #tpu.memory_space<hbm>>) offsets(%arg5 : memref<32xi32, #tpu.memory_space<vmem>>) semaphore(%arg9 : memref<!tpu.dma_semaphore, #tpu.memory_space<semaphore_mem>>)
    %add3A_7 = arith.constant 32 : i32
    %add3A_8 = arith.addi %mul3A_2, %add3A_7 : i32
    "tpu.region"() ({
      %run_scoped3A = tpu.sem_alloc : memref<!tpu.dma_semaphore, #tpu.memory_space<semaphore_mem>>
      %dma_start3A_33 = tpu.memref_slice %arg2[%add3A_8] : memref<4096xi32, #tpu.memory_space<hbm>> -> memref<32xi32, #tpu.memory_space<hbm>>
      %dma_start3A_34 = tpu.memref_slice %arg2[%add3A_8] : memref<4096xi32, #tpu.memory_space<hbm>> -> memref<32xi32, #tpu.memory_space<hbm>>
      tpu.enqueue_dma source(%dma_start3A_34 : memref<32xi32, #tpu.memory_space<hbm>>) target(%arg6 : memref<32xi32, #tpu.memory_space<vmem>>) target_semaphore(%run_scoped3A : memref<!tpu.dma_semaphore, #tpu.memory_space<semaphore_mem>>)
      %dma_wait3A_35 = tpu.memref_slice %arg2[%add3A_8] : memref<4096xi32, #tpu.memory_space<hbm>> -> memref<32xi32, #tpu.memory_space<hbm>>
      %dma_wait3A_36 = tpu.memref_slice %arg2[%add3A_8] : memref<4096xi32, #tpu.memory_space<hbm>> -> memref<32xi32, #tpu.memory_space<hbm>>
      tpu.wait_dma2 semaphore(%run_scoped3A : memref<!tpu.dma_semaphore, #tpu.memory_space<semaphore_mem>>) src(%dma_wait3A_36 : memref<32xi32, #tpu.memory_space<hbm>>) dst(%arg6 : memref<32xi32, #tpu.memory_space<vmem>>)
      tpu.yield
    }) : () -> ()
    "tpu.region"() ({
      %run_scoped3A = tpu.sem_alloc : memref<!tpu.dma_semaphore, #tpu.memory_space<semaphore_mem>>
      %dma_start3A_33 = arith.constant 0 : i32
      %dma_start3A_34 = tpu.memref_slice %arg3[%add3A_8, %dma_start3A_33] : memref<4096x1024xf32, #tpu.memory_space<hbm>> -> memref<32x1024xf32, #tpu.memory_space<hbm>>
      %dma_start3A_35 = arith.constant 0 : i32
      %dma_start3A_36 = tpu.memref_slice %arg3[%add3A_8, %dma_start3A_35] : memref<4096x1024xf32, #tpu.memory_space<hbm>> -> memref<32x1024xf32, #tpu.memory_space<hbm>>
      tpu.enqueue_dma source(%dma_start3A_36 : memref<32x1024xf32, #tpu.memory_space<hbm>>) target(%arg8 : memref<32x1024xf32, #tpu.memory_space<vmem>>) target_semaphore(%run_scoped3A : memref<!tpu.dma_semaphore, #tpu.memory_space<semaphore_mem>>)
      %dma_wait3A_37 = arith.constant 0 : i32
      %dma_wait3A_38 = tpu.memref_slice %arg3[%add3A_8, %dma_wait3A_37] : memref<4096x1024xf32, #tpu.memory_space<hbm>> -> memref<32x1024xf32, #tpu.memory_space<hbm>>
      %dma_wait3A_39 = arith.constant 0 : i32
      %dma_wait3A_40 = tpu.memref_slice %arg3[%add3A_8, %dma_wait3A_39] : memref<4096x1024xf32, #tpu.memory_space<hbm>> -> memref<32x1024xf32, #tpu.memory_space<hbm>>
      tpu.wait_dma2 semaphore(%run_scoped3A : memref<!tpu.dma_semaphore, #tpu.memory_space<semaphore_mem>>) src(%dma_wait3A_40 : memref<32x1024xf32, #tpu.memory_space<hbm>>) dst(%arg8 : memref<32x1024xf32, #tpu.memory_space<vmem>>)
      tpu.yield
    }) : () -> ()
    %dma_start3A_9 = arith.constant 0 : i32
    %dma_start3A_10 = arith.constant 0 : i32
    %dma_start3A_11 = tpu.memref_slice %arg4[%dma_start3A_9, %dma_start3A_10] : memref<6144x1024xf32, #tpu.memory_space<hbm>> -> memref<6144x1024xf32, #tpu.memory_space<hbm>>
    tpu.enqueue_indirect_dma source(%arg8 : memref<32x1024xf32, #tpu.memory_space<vmem>>) target(%dma_start3A_11 : memref<6144x1024xf32, #tpu.memory_space<hbm>>) offsets(%arg6 : memref<32xi32, #tpu.memory_space<vmem>>) semaphore(%arg10 : memref<!tpu.dma_semaphore, #tpu.memory_space<semaphore_mem>>)
    %add3A_12 = arith.constant 64 : i32
    %add3A_13 = arith.addi %mul3A_2, %add3A_12 : i32
    %dma_wait3A = arith.constant 0 : i32
    %dma_wait3A_14 = arith.constant 0 : i32
    %dma_wait3A_15 = tpu.memref_slice %arg4[%dma_wait3A, %dma_wait3A_14] : memref<6144x1024xf32, #tpu.memory_space<hbm>> -> memref<6144x1024xf32, #tpu.memory_space<hbm>>
    tpu.wait_indirect_dma semaphore(%arg9 : memref<!tpu.dma_semaphore, #tpu.memory_space<semaphore_mem>>) src(%arg7 : memref<32x1024xf32, #tpu.memory_space<vmem>>) dst(%dma_wait3A_15 : memref<6144x1024xf32, #tpu.memory_space<hbm>>)
    "tpu.region"() ({
      %run_scoped3A = tpu.sem_alloc : memref<!tpu.dma_semaphore, #tpu.memory_space<semaphore_mem>>
      %dma_start3A_33 = tpu.memref_slice %arg2[%add3A_13] : memref<4096xi32, #tpu.memory_space<hbm>> -> memref<32xi32, #tpu.memory_space<hbm>>
      %dma_start3A_34 = tpu.memref_slice %arg2[%add3A_13] : memref<4096xi32, #tpu.memory_space<hbm>> -> memref<32xi32, #tpu.memory_space<hbm>>
      tpu.enqueue_dma source(%dma_start3A_34 : memref<32xi32, #tpu.memory_space<hbm>>) target(%arg5 : memref<32xi32, #tpu.memory_space<vmem>>) target_semaphore(%run_scoped3A : memref<!tpu.dma_semaphore, #tpu.memory_space<semaphore_mem>>)
      %dma_wait3A_35 = tpu.memref_slice %arg2[%add3A_13] : memref<4096xi32, #tpu.memory_space<hbm>> -> memref<32xi32, #tpu.memory_space<hbm>>
      %dma_wait3A_36 = tpu.memref_slice %arg2[%add3A_13] : memref<4096xi32, #tpu.memory_space<hbm>> -> memref<32xi32, #tpu.memory_space<hbm>>
      tpu.wait_dma2 semaphore(%run_scoped3A : memref<!tpu.dma_semaphore, #tpu.memory_space<semaphore_mem>>) src(%dma_wait3A_36 : memref<32xi32, #tpu.memory_space<hbm>>) dst(%arg5 : memref<32xi32, #tpu.memory_space<vmem>>)
      tpu.yield
    }) : () -> ()
    "tpu.region"() ({
      %run_scoped3A = tpu.sem_alloc : memref<!tpu.dma_semaphore, #tpu.memory_space<semaphore_mem>>
      %dma_start3A_33 = arith.constant 0 : i32
      %dma_start3A_34 = tpu.memref_slice %arg3[%add3A_13, %dma_start3A_33] : memref<4096x1024xf32, #tpu.memory_space<hbm>> -> memref<32x1024xf32, #tpu.memory_space<hbm>>
      %dma_start3A_35 = arith.constant 0 : i32
      %dma_start3A_36 = tpu.memref_slice %arg3[%add3A_13, %dma_start3A_35] : memref<4096x1024xf32, #tpu.memory_space<hbm>> -> memref<32x1024xf32, #tpu.memory_space<hbm>>
      tpu.enqueue_dma source(%dma_start3A_36 : memref<32x1024xf32, #tpu.memory_space<hbm>>) target(%arg7 : memref<32x1024xf32, #tpu.memory_space<vmem>>) target_semaphore(%run_scoped3A : memref<!tpu.dma_semaphore, #tpu.memory_space<semaphore_mem>>)
      %dma_wait3A_37 = arith.constant 0 : i32
      %dma_wait3A_38 = tpu.memref_slice %arg3[%add3A_13, %dma_wait3A_37] : memref<4096x1024xf32, #tpu.memory_space<hbm>> -> memref<32x1024xf32, #tpu.memory_space<hbm>>
      %dma_wait3A_39 = arith.constant 0 : i32
      %dma_wait3A_40 = tpu.memref_slice %arg3[%add3A_13, %dma_wait3A_39] : memref<4096x1024xf32, #tpu.memory_space<hbm>> -> memref<32x1024xf32, #tpu.memory_space<hbm>>
      tpu.wait_dma2 semaphore(%run_scoped3A : memref<!tpu.dma_semaphore, #tpu.memory_space<semaphore_mem>>) src(%dma_wait3A_40 : memref<32x1024xf32, #tpu.memory_space<hbm>>) dst(%arg7 : memref<32x1024xf32, #tpu.memory_space<vmem>>)
      tpu.yield
    }) : () -> ()
    %dma_start3A_16 = arith.constant 0 : i32
    %dma_start3A_17 = arith.constant 0 : i32
    %dma_start3A_18 = tpu.memref_slice %arg4[%dma_start3A_16, %dma_start3A_17] : memref<6144x1024xf32, #tpu.memory_space<hbm>> -> memref<6144x1024xf32, #tpu.memory_space<hbm>>
    tpu.enqueue_indirect_dma source(%arg7 : memref<32x1024xf32, #tpu.memory_space<vmem>>) target(%dma_start3A_18 : memref<6144x1024xf32, #tpu.memory_space<hbm>>) offsets(%arg5 : memref<32xi32, #tpu.memory_space<vmem>>) semaphore(%arg9 : memref<!tpu.dma_semaphore, #tpu.memory_space<semaphore_mem>>)
    %add3A_19 = arith.constant 96 : i32
    %add3A_20 = arith.addi %mul3A_2, %add3A_19 : i32
    %dma_wait3A_21 = arith.constant 0 : i32
    %dma_wait3A_22 = arith.constant 0 : i32
    %dma_wait3A_23 = tpu.memref_slice %arg4[%dma_wait3A_21, %dma_wait3A_22] : memref<6144x1024xf32, #tpu.memory_space<hbm>> -> memref<6144x1024xf32, #tpu.memory_space<hbm>>
    tpu.wait_indirect_dma semaphore(%arg10 : memref<!tpu.dma_semaphore, #tpu.memory_space<semaphore_mem>>) src(%arg8 : memref<32x1024xf32, #tpu.memory_space<vmem>>) dst(%dma_wait3A_23 : memref<6144x1024xf32, #tpu.memory_space<hbm>>)
    "tpu.region"() ({
      %run_scoped3A = tpu.sem_alloc : memref<!tpu.dma_semaphore, #tpu.memory_space<semaphore_mem>>
      %dma_start3A_33 = tpu.memref_slice %arg2[%add3A_20] : memref<4096xi32, #tpu.memory_space<hbm>> -> memref<32xi32, #tpu.memory_space<hbm>>
      %dma_start3A_34 = tpu.memref_slice %arg2[%add3A_20] : memref<4096xi32, #tpu.memory_space<hbm>> -> memref<32xi32, #tpu.memory_space<hbm>>
      tpu.enqueue_dma source(%dma_start3A_34 : memref<32xi32, #tpu.memory_space<hbm>>) target(%arg6 : memref<32xi32, #tpu.memory_space<vmem>>) target_semaphore(%run_scoped3A : memref<!tpu.dma_semaphore, #tpu.memory_space<semaphore_mem>>)
      %dma_wait3A_35 = tpu.memref_slice %arg2[%add3A_20] : memref<4096xi32, #tpu.memory_space<hbm>> -> memref<32xi32, #tpu.memory_space<hbm>>
      %dma_wait3A_36 = tpu.memref_slice %arg2[%add3A_20] : memref<4096xi32, #tpu.memory_space<hbm>> -> memref<32xi32, #tpu.memory_space<hbm>>
      tpu.wait_dma2 semaphore(%run_scoped3A : memref<!tpu.dma_semaphore, #tpu.memory_space<semaphore_mem>>) src(%dma_wait3A_36 : memref<32xi32, #tpu.memory_space<hbm>>) dst(%arg6 : memref<32xi32, #tpu.memory_space<vmem>>)
      tpu.yield
    }) : () -> ()
    "tpu.region"() ({
      %run_scoped3A = tpu.sem_alloc : memref<!tpu.dma_semaphore, #tpu.memory_space<semaphore_mem>>
      %dma_start3A_33 = arith.constant 0 : i32
      %dma_start3A_34 = tpu.memref_slice %arg3[%add3A_20, %dma_start3A_33] : memref<4096x1024xf32, #tpu.memory_space<hbm>> -> memref<32x1024xf32, #tpu.memory_space<hbm>>
      %dma_start3A_35 = arith.constant 0 : i32
      %dma_start3A_36 = tpu.memref_slice %arg3[%add3A_20, %dma_start3A_35] : memref<4096x1024xf32, #tpu.memory_space<hbm>> -> memref<32x1024xf32, #tpu.memory_space<hbm>>
      tpu.enqueue_dma source(%dma_start3A_36 : memref<32x1024xf32, #tpu.memory_space<hbm>>) target(%arg8 : memref<32x1024xf32, #tpu.memory_space<vmem>>) target_semaphore(%run_scoped3A : memref<!tpu.dma_semaphore, #tpu.memory_space<semaphore_mem>>)
      %dma_wait3A_37 = arith.constant 0 : i32
      %dma_wait3A_38 = tpu.memref_slice %arg3[%add3A_20, %dma_wait3A_37] : memref<4096x1024xf32, #tpu.memory_space<hbm>> -> memref<32x1024xf32, #tpu.memory_space<hbm>>
      %dma_wait3A_39 = arith.constant 0 : i32
      %dma_wait3A_40 = tpu.memref_slice %arg3[%add3A_20, %dma_wait3A_39] : memref<4096x1024xf32, #tpu.memory_space<hbm>> -> memref<32x1024xf32, #tpu.memory_space<hbm>>
      tpu.wait_dma2 semaphore(%run_scoped3A : memref<!tpu.dma_semaphore, #tpu.memory_space<semaphore_mem>>) src(%dma_wait3A_40 : memref<32x1024xf32, #tpu.memory_space<hbm>>) dst(%arg8 : memref<32x1024xf32, #tpu.memory_space<vmem>>)
      tpu.yield
    }) : () -> ()
    %dma_start3A_24 = arith.constant 0 : i32
    %dma_start3A_25 = arith.constant 0 : i32
    %dma_start3A_26 = tpu.memref_slice %arg4[%dma_start3A_24, %dma_start3A_25] : memref<6144x1024xf32, #tpu.memory_space<hbm>> -> memref<6144x1024xf32, #tpu.memory_space<hbm>>
    tpu.enqueue_indirect_dma source(%arg8 : memref<32x1024xf32, #tpu.memory_space<vmem>>) target(%dma_start3A_26 : memref<6144x1024xf32, #tpu.memory_space<hbm>>) offsets(%arg6 : memref<32xi32, #tpu.memory_space<vmem>>) semaphore(%arg10 : memref<!tpu.dma_semaphore, #tpu.memory_space<semaphore_mem>>)
    %dma_wait3A_27 = arith.constant 0 : i32
    %dma_wait3A_28 = arith.constant 0 : i32
    %dma_wait3A_29 = tpu.memref_slice %arg4[%dma_wait3A_27, %dma_wait3A_28] : memref<6144x1024xf32, #tpu.memory_space<hbm>> -> memref<6144x1024xf32, #tpu.memory_space<hbm>>
    tpu.wait_indirect_dma semaphore(%arg9 : memref<!tpu.dma_semaphore, #tpu.memory_space<semaphore_mem>>) src(%arg7 : memref<32x1024xf32, #tpu.memory_space<vmem>>) dst(%dma_wait3A_29 : memref<6144x1024xf32, #tpu.memory_space<hbm>>)
    %dma_wait3A_30 = arith.constant 0 : i32
    %dma_wait3A_31 = arith.constant 0 : i32
    %dma_wait3A_32 = tpu.memref_slice %arg4[%dma_wait3A_30, %dma_wait3A_31] : memref<6144x1024xf32, #tpu.memory_space<hbm>> -> memref<6144x1024xf32, #tpu.memory_space<hbm>>
    tpu.wait_indirect_dma semaphore(%arg10 : memref<!tpu.dma_semaphore, #tpu.memory_space<semaphore_mem>>) src(%arg8 : memref<32x1024xf32, #tpu.memory_space<vmem>>) dst(%dma_wait3A_32 : memref<6144x1024xf32, #tpu.memory_space<hbm>>)
    return
  }
}

module attributes {stable_mosaic.version = 14 : i64} {
  func.func @_qkv_body(%arg0: i32, %arg1: memref<256x1024xf32, #tpu.memory_space<vmem>>, %arg2: memref<256x1xf32, #tpu.memory_space<vmem>>, %arg3: memref<256x1xf32, #tpu.memory_space<vmem>>, %arg4: memref<1x1024xf32, #tpu.memory_space<vmem>>, %arg5: memref<1x1024xf32, #tpu.memory_space<vmem>>, %arg6: memref<3072x1024xf32, #tpu.memory_space<vmem>>, %arg7: memref<1x3072xf32, #tpu.memory_space<vmem>>, %arg8: memref<256x3072xf32, #tpu.memory_space<vmem>>) attributes {dimension_semantics = [#tpu.dimension_semantics<arbitrary>], iteration_bounds = array<i64: 16>, scalar_prefetch = 0 : i64, scratch_operands = 0 : i64, tpu.core_type = #tpu.core_type<tc>, window_params = [{transform_indices = @transform_0, window_bounds = array<i64: 256, 1024>}, {transform_indices = @transform_1, window_bounds = array<i64: 256, 1>}, {transform_indices = @transform_2, window_bounds = array<i64: 256, 1>}, {pipeline_mode = #tpu.pipeline_mode<synchronous>, transform_indices = @transform_3, window_bounds = array<i64: 1, 1024>}, {pipeline_mode = #tpu.pipeline_mode<synchronous>, transform_indices = @transform_4, window_bounds = array<i64: 1, 1024>}, {pipeline_mode = #tpu.pipeline_mode<synchronous>, transform_indices = @transform_5, window_bounds = array<i64: 3072, 1024>}, {pipeline_mode = #tpu.pipeline_mode<synchronous>, transform_indices = @transform_6, window_bounds = array<i64: 1, 3072>}, {transform_indices = @transform_7, window_bounds = array<i64: 256, 3072>}]} {
    %get3A = arith.constant 0 : index
    %get3A_0 = arith.constant 0 : index
    %get3A_1 = vector.load %arg1[%get3A, %get3A_0] : memref<256x1024xf32, #tpu.memory_space<vmem>>, vector<256x1024xf32>
    %get3A_2 = arith.constant 0 : index
    %get3A_3 = arith.constant 0 : index
    %get3A_4 = vector.load %arg2[%get3A_2, %get3A_3] : memref<256x1xf32, #tpu.memory_space<vmem>>, vector<256x1xf32>
    %sub3A = vector.broadcast %get3A_4 : vector<256x1xf32> to vector<256x1024xf32>
    %sub3A_5 = arith.subf %get3A_1, %sub3A : vector<256x1024xf32>
    %get3A_6 = arith.constant 0 : index
    %get3A_7 = arith.constant 0 : index
    %get3A_8 = vector.load %arg3[%get3A_6, %get3A_7] : memref<256x1xf32, #tpu.memory_space<vmem>>, vector<256x1xf32>
    %add3A = arith.constant 9.99999974E-6 : f32
    %add3A_9 = vector.broadcast %add3A : f32 to vector<256x1xf32>
    %add3A_10 = arith.addf %get3A_8, %add3A_9 : vector<256x1xf32>
    %sqrt3A = math.sqrt %add3A_10 : vector<256x1xf32>
    %div3A = vector.broadcast %sqrt3A : vector<256x1xf32> to vector<256x1024xf32>
    %div3A_11 = arith.divf %sub3A_5, %div3A : vector<256x1024xf32>
    %get3A_12 = arith.constant 0 : index
    %get3A_13 = arith.constant 0 : index
    %get3A_14 = vector.load %arg4[%get3A_12, %get3A_13] : memref<1x1024xf32, #tpu.memory_space<vmem>>, vector<1x1024xf32>
    %mul3A = vector.broadcast %get3A_14 : vector<1x1024xf32> to vector<256x1024xf32>
    %mul3A_15 = arith.mulf %div3A_11, %mul3A : vector<256x1024xf32>
    %get3A_16 = arith.constant 0 : index
    %get3A_17 = arith.constant 0 : index
    %get3A_18 = vector.load %arg5[%get3A_16, %get3A_17] : memref<1x1024xf32, #tpu.memory_space<vmem>>, vector<1x1024xf32>
    %add3A_19 = vector.broadcast %get3A_18 : vector<1x1024xf32> to vector<256x1024xf32>
    %add3A_20 = arith.addf %mul3A_15, %add3A_19 : vector<256x1024xf32>
    %get3A_21 = arith.constant 0 : index
    %get3A_22 = arith.constant 0 : index
    %get3A_23 = vector.load %arg6[%get3A_21, %get3A_22] : memref<3072x1024xf32, #tpu.memory_space<vmem>>, vector<3072x1024xf32>
    %dot_general3A = arith.constant dense<0.000000e+00> : vector<256x3072xf32>
    %dot_general3A_24 = tpu.matmul %add3A_20, %get3A_23, %dot_general3A {dimension_numbers = #tpu.dot_dimension_numbers<[1], [1], [0], [0], [0, 0, 1, 0], [], []>, transpose_lhs_hint = false} : vector<256x1024xf32>, vector<3072x1024xf32>, vector<256x3072xf32> -> vector<256x3072xf32>
    %get3A_25 = arith.constant 0 : index
    %get3A_26 = arith.constant 0 : index
    %get3A_27 = vector.load %arg7[%get3A_25, %get3A_26] : memref<1x3072xf32, #tpu.memory_space<vmem>>, vector<1x3072xf32>
    %add3A_28 = vector.broadcast %get3A_27 : vector<1x3072xf32> to vector<256x3072xf32>
    %add3A_29 = arith.addf %dot_general3A_24, %add3A_28 : vector<256x3072xf32>
    %swap3A = arith.constant 0 : index
    %swap3A_30 = arith.constant 0 : index
    %swap3A_31 = vector.load %arg8[%swap3A, %swap3A_30] : memref<256x3072xf32, #tpu.memory_space<vmem>>, vector<256x3072xf32>
    tpu.vector_store %arg8[%swap3A, %swap3A_30], %add3A_29 {strides = array<i32>} : memref<256x3072xf32, #tpu.memory_space<vmem>>, vector<256x3072xf32>,
    return
  }
  func.func @transform_0(%arg0: i32) -> (i32, i32) {
    %c0_i32 = arith.constant 0 : i32
    %c0_i32_0 = arith.constant 0 : i32
    return %arg0, %c0_i32 : i32, i32
  }
  func.func @transform_1(%arg0: i32) -> (i32, i32) {
    %c0_i32 = arith.constant 0 : i32
    %c0_i32_0 = arith.constant 0 : i32
    return %arg0, %c0_i32 : i32, i32
  }
  func.func @transform_2(%arg0: i32) -> (i32, i32) {
    %c0_i32 = arith.constant 0 : i32
    %c0_i32_0 = arith.constant 0 : i32
    return %arg0, %c0_i32 : i32, i32
  }
  func.func @transform_3(%arg0: i32) -> (i32, i32) {
    %c0_i32 = arith.constant 0 : i32
    %c0_i32_0 = arith.constant 0 : i32
    %c0_i32_1 = arith.constant 0 : i32
    return %c0_i32, %c0_i32_0 : i32, i32
  }
  func.func @transform_4(%arg0: i32) -> (i32, i32) {
    %c0_i32 = arith.constant 0 : i32
    %c0_i32_0 = arith.constant 0 : i32
    %c0_i32_1 = arith.constant 0 : i32
    return %c0_i32, %c0_i32_0 : i32, i32
  }
  func.func @transform_5(%arg0: i32) -> (i32, i32) {
    %c0_i32 = arith.constant 0 : i32
    %c0_i32_0 = arith.constant 0 : i32
    %c0_i32_1 = arith.constant 0 : i32
    return %c0_i32, %c0_i32_0 : i32, i32
  }
  func.func @transform_6(%arg0: i32) -> (i32, i32) {
    %c0_i32 = arith.constant 0 : i32
    %c0_i32_0 = arith.constant 0 : i32
    %c0_i32_1 = arith.constant 0 : i32
    return %c0_i32, %c0_i32_0 : i32, i32
  }
  func.func @transform_7(%arg0: i32) -> (i32, i32) {
    %c0_i32 = arith.constant 0 : i32
    %c0_i32_0 = arith.constant 0 : i32
    return %arg0, %c0_i32 : i32, i32
  }
}

module attributes {stable_mosaic.version = 14 : i64} {
  func.func @_attn_body(%arg0: i32, %arg1: i32, %arg2: memref<1x256x64xf32, #tpu.memory_space<vmem>>, %arg3: memref<1x64x2048xf32, #tpu.memory_space<vmem>>, %arg4: memref<1x2048x64xf32, #tpu.memory_space<vmem>>, %arg5: memref<1x256x64xf32, #tpu.memory_space<vmem>>) attributes {dimension_semantics = [#tpu.dimension_semantics<arbitrary>, #tpu.dimension_semantics<arbitrary>], iteration_bounds = array<i64: 32, 8>, scalar_prefetch = 0 : i64, scratch_operands = 0 : i64, tpu.core_type = #tpu.core_type<tc>, window_params = [{transform_indices = @transform_0, window_bounds = array<i64: 1, 256, 64>}, {transform_indices = @transform_1, window_bounds = array<i64: 1, 64, 2048>}, {transform_indices = @transform_2, window_bounds = array<i64: 1, 2048, 64>}, {transform_indices = @transform_3, window_bounds = array<i64: 1, 256, 64>}]} {
    %get3A = arith.constant 0 : index
    %get3A_0 = arith.constant 0 : index
    %get3A_1 = arith.constant 0 : index
    %get3A_2 = vector.load %arg2[%get3A, %get3A_0, %get3A_1] : memref<1x256x64xf32, #tpu.memory_space<vmem>>, vector<1x256x64xf32>
    %get3A_3 = vector.shape_cast %get3A_2 : vector<1x256x64xf32> to vector<256x64xf32>
    %get3A_4 = arith.constant 0 : index
    %get3A_5 = arith.constant 0 : index
    %get3A_6 = arith.constant 0 : index
    %get3A_7 = vector.load %arg3[%get3A_4, %get3A_5, %get3A_6] : memref<1x64x2048xf32, #tpu.memory_space<vmem>>, vector<1x64x2048xf32>
    %get3A_8 = vector.shape_cast %get3A_7 : vector<1x64x2048xf32> to vector<64x2048xf32>
    %slice3A = vector.extract_strided_slice %get3A_8 {offsets = [0, 0], sizes = [64, 1024], strides = [1, 1]} : vector<64x2048xf32> to vector<64x1024xf32>
    %dot_general3A = arith.constant dense<0.000000e+00> : vector<256x1024xf32>
    %dot_general3A_9 = tpu.matmul %get3A_3, %slice3A, %dot_general3A {dimension_numbers = #tpu.dot_dimension_numbers<[1], [0], [0], [1], [0, 0, 1, 1], [], []>, transpose_lhs_hint = false} : vector<256x64xf32>, vector<64x1024xf32>, vector<256x1024xf32> -> vector<256x1024xf32>
    %mul3A = arith.constant 1.250000e-01 : f32
    %mul3A_10 = vector.broadcast %mul3A : f32 to vector<256x1024xf32>
    %mul3A_11 = arith.mulf %dot_general3A_9, %mul3A_10 : vector<256x1024xf32>
    %reduce_max3A = arith.constant dense<0xFF800000> : vector<256xf32>
    %reduce_max3A_12 = vector.multi_reduction <maximumf>, %mul3A_11, %reduce_max3A [1] : vector<256x1024xf32> to vector<256xf32>
    %broadcast_in_dim3A = vector.shape_cast %reduce_max3A_12 : vector<256xf32> to vector<256x1xf32>
    %sub3A = vector.broadcast %broadcast_in_dim3A : vector<256x1xf32> to vector<256x1024xf32>
    %sub3A_13 = arith.subf %mul3A_11, %sub3A : vector<256x1024xf32>
    %exp3A = math.exp %sub3A_13 : vector<256x1024xf32>
    %reduce_sum3A = arith.constant dense<0.000000e+00> : vector<256xf32>
    %reduce_sum3A_14 = vector.multi_reduction <add>, %exp3A, %reduce_sum3A [1] : vector<256x1024xf32> to vector<256xf32>
    %broadcast_in_dim3A_15 = vector.shape_cast %reduce_sum3A_14 : vector<256xf32> to vector<256x1xf32>
    %get3A_16 = arith.constant 0 : index
    %get3A_17 = arith.constant 0 : index
    %get3A_18 = arith.constant 0 : index
    %get3A_19 = vector.load %arg4[%get3A_16, %get3A_17, %get3A_18] : memref<1x2048x64xf32, #tpu.memory_space<vmem>>, vector<1x2048x64xf32>
    %get3A_20 = vector.shape_cast %get3A_19 : vector<1x2048x64xf32> to vector<2048x64xf32>
    %slice3A_21 = vector.extract_strided_slice %get3A_20 {offsets = [0, 0], sizes = [1024, 64], strides = [1, 1]} : vector<2048x64xf32> to vector<1024x64xf32>
    %dot_general3A_22 = arith.constant dense<0.000000e+00> : vector<256x64xf32>
    %dot_general3A_23 = tpu.matmul %exp3A, %slice3A_21, %dot_general3A_22 {dimension_numbers = #tpu.dot_dimension_numbers<[1], [0], [0], [1], [0, 0, 1, 1], [], []>, transpose_lhs_hint = false} : vector<256x1024xf32>, vector<1024x64xf32>, vector<256x64xf32> -> vector<256x64xf32>
    %div3A = arith.constant 1.000000e+00 : f32
    %div3A_24 = vector.broadcast %div3A : f32 to vector<256x1xf32>
    %div3A_25 = arith.divf %div3A_24, %broadcast_in_dim3A_15 : vector<256x1xf32>
    %mul3A_26 = vector.broadcast %div3A_25 : vector<256x1xf32> to vector<256x64xf32>
    %mul3A_27 = arith.mulf %dot_general3A_23, %mul3A_26 : vector<256x64xf32>
    %get3A_28 = arith.constant 0 : index
    %get3A_29 = arith.constant 0 : index
    %get3A_30 = arith.constant 0 : index
    %get3A_31 = vector.load %arg3[%get3A_28, %get3A_29, %get3A_30] : memref<1x64x2048xf32, #tpu.memory_space<vmem>>, vector<1x64x2048xf32>
    %get3A_32 = vector.shape_cast %get3A_31 : vector<1x64x2048xf32> to vector<64x2048xf32>
    %slice3A_33 = vector.extract_strided_slice %get3A_32 {offsets = [0, 1024], sizes = [64, 1024], strides = [1, 1]} : vector<64x2048xf32> to vector<64x1024xf32>
    %dot_general3A_34 = arith.constant dense<0.000000e+00> : vector<256x1024xf32>
    %dot_general3A_35 = tpu.matmul %get3A_3, %slice3A_33, %dot_general3A_34 {dimension_numbers = #tpu.dot_dimension_numbers<[1], [0], [0], [1], [0, 0, 1, 1], [], []>, transpose_lhs_hint = false} : vector<256x64xf32>, vector<64x1024xf32>, vector<256x1024xf32> -> vector<256x1024xf32>
    %mul3A_36 = arith.constant 1.250000e-01 : f32
    %mul3A_37 = vector.broadcast %mul3A_36 : f32 to vector<256x1024xf32>
    %mul3A_38 = arith.mulf %dot_general3A_35, %mul3A_37 : vector<256x1024xf32>
    %reduce_max3A_39 = arith.constant dense<0xFF800000> : vector<256xf32>
    %reduce_max3A_40 = vector.multi_reduction <maximumf>, %mul3A_38, %reduce_max3A_39 [1] : vector<256x1024xf32> to vector<256xf32>
    %broadcast_in_dim3A_41 = vector.shape_cast %reduce_max3A_40 : vector<256xf32> to vector<256x1xf32>
    %max3A = arith.maximumf %broadcast_in_dim3A, %broadcast_in_dim3A_41 : vector<256x1xf32>
    %eq3A = arith.cmpf oeq, %broadcast_in_dim3A, %max3A : vector<256x1xf32>
    %sub3A_42 = arith.subf %broadcast_in_dim3A, %max3A : vector<256x1xf32>
    %jit3A = arith.constant 0.000000e+00 : f32
    %broadcast_in_dim3A_43 = vector.broadcast %jit3A : f32 to vector<256x1xf32>
    %select_n3A = arith.select %eq3A, %broadcast_in_dim3A_43, %sub3A_42 : vector<256x1xi1>, vector<256x1xf32>
    %exp3A_44 = math.exp %select_n3A : vector<256x1xf32>
    %sub3A_45 = vector.broadcast %max3A : vector<256x1xf32> to vector<256x1024xf32>
    %sub3A_46 = arith.subf %mul3A_38, %sub3A_45 : vector<256x1024xf32>
    %exp3A_47 = math.exp %sub3A_46 : vector<256x1024xf32>
    %reduce_sum3A_48 = arith.constant dense<0.000000e+00> : vector<256xf32>
    %reduce_sum3A_49 = vector.multi_reduction <add>, %exp3A_47, %reduce_sum3A_48 [1] : vector<256x1024xf32> to vector<256xf32>
    %broadcast_in_dim3A_50 = vector.shape_cast %reduce_sum3A_49 : vector<256xf32> to vector<256x1xf32>
    %mul3A_51 = arith.mulf %exp3A_44, %broadcast_in_dim3A_15 : vector<256x1xf32>
    %add3A = arith.addf %mul3A_51, %broadcast_in_dim3A_50 : vector<256x1xf32>
    %mul3A_52 = arith.mulf %exp3A_44, %broadcast_in_dim3A_15 : vector<256x1xf32>
    %mul3A_53 = vector.broadcast %mul3A_52 : vector<256x1xf32> to vector<256x64xf32>
    %mul3A_54 = arith.mulf %mul3A_53, %mul3A_27 : vector<256x64xf32>
    %get3A_55 = arith.constant 0 : index
    %get3A_56 = arith.constant 0 : index
    %get3A_57 = arith.constant 0 : index
    %get3A_58 = vector.load %arg4[%get3A_55, %get3A_56, %get3A_57] : memref<1x2048x64xf32, #tpu.memory_space<vmem>>, vector<1x2048x64xf32>
    %get3A_59 = vector.shape_cast %get3A_58 : vector<1x2048x64xf32> to vector<2048x64xf32>
    %slice3A_60 = vector.extract_strided_slice %get3A_59 {offsets = [1024, 0], sizes = [1024, 64], strides = [1, 1]} : vector<2048x64xf32> to vector<1024x64xf32>
    %dot_general3A_61 = arith.constant dense<0.000000e+00> : vector<256x64xf32>
    %dot_general3A_62 = tpu.matmul %exp3A_47, %slice3A_60, %dot_general3A_61 {dimension_numbers = #tpu.dot_dimension_numbers<[1], [0], [0], [1], [0, 0, 1, 1], [], []>, transpose_lhs_hint = false} : vector<256x1024xf32>, vector<1024x64xf32>, vector<256x64xf32> -> vector<256x64xf32>
    %add3A_63 = arith.addf %dot_general3A_62, %mul3A_54 : vector<256x64xf32>
    %div3A_64 = arith.constant 1.000000e+00 : f32
    %div3A_65 = vector.broadcast %div3A_64 : f32 to vector<256x1xf32>
    %div3A_66 = arith.divf %div3A_65, %add3A : vector<256x1xf32>
    %mul3A_67 = vector.broadcast %div3A_66 : vector<256x1xf32> to vector<256x64xf32>
    %mul3A_68 = arith.mulf %add3A_63, %mul3A_67 : vector<256x64xf32>
    %swap3A = arith.constant 0 : index
    %swap3A_69 = arith.constant 0 : index
    %swap3A_70 = arith.constant 0 : index
    %swap3A_71 = vector.load %arg5[%swap3A, %swap3A_69, %swap3A_70] : memref<1x256x64xf32, #tpu.memory_space<vmem>>, vector<1x256x64xf32>
    %swap3A_72 = vector.shape_cast %swap3A_71 : vector<1x256x64xf32> to vector<256x64xf32>
    %swap3A_73 = vector.shape_cast %mul3A_68 : vector<256x64xf32> to vector<1x256x64xf32>
    tpu.vector_store %arg5[%swap3A, %swap3A_69, %swap3A_70], %swap3A_73 {strides = array<i32>} : memref<1x256x64xf32, #tpu.memory_space<vmem>>, vector<1x256x64xf32>,
    return
  }
  func.func @transform_0(%arg0: i32, %arg1: i32) -> (i32, i32, i32) {
    %c0_i32 = arith.constant 0 : i32
    %c0_i32_0 = arith.constant 0 : i32
    return %arg0, %arg1, %c0_i32 : i32, i32, i32
  }
  func.func @transform_1(%arg0: i32, %arg1: i32) -> (i32, i32, i32) {
    %c0_i32 = arith.constant 0 : i32
    %c0_i32_0 = arith.constant 0 : i32
    %c0_i32_1 = arith.constant 0 : i32
    return %arg0, %c0_i32, %c0_i32_0 : i32, i32, i32
  }
  func.func @transform_2(%arg0: i32, %arg1: i32) -> (i32, i32, i32) {
    %c0_i32 = arith.constant 0 : i32
    %c0_i32_0 = arith.constant 0 : i32
    %c0_i32_1 = arith.constant 0 : i32
    return %arg0, %c0_i32, %c0_i32_0 : i32, i32, i32
  }
  func.func @transform_3(%arg0: i32, %arg1: i32) -> (i32, i32, i32) {
    %c0_i32 = arith.constant 0 : i32
    %c0_i32_0 = arith.constant 0 : i32
    return %arg0, %arg1, %c0_i32 : i32, i32, i32
  }
}

module attributes {stable_mosaic.version = 14 : i64} {
  func.func @_oproj_body(%arg0: i32, %arg1: memref<256x1024xf32, #tpu.memory_space<vmem>>, %arg2: memref<256x1024xf32, #tpu.memory_space<vmem>>, %arg3: memref<1024x1024xf32, #tpu.memory_space<vmem>>, %arg4: memref<1x1024xf32, #tpu.memory_space<vmem>>, %arg5: memref<256x1024xf32, #tpu.memory_space<vmem>>) attributes {dimension_semantics = [#tpu.dimension_semantics<arbitrary>], iteration_bounds = array<i64: 16>, scalar_prefetch = 0 : i64, scratch_operands = 0 : i64, tpu.core_type = #tpu.core_type<tc>, window_params = [{transform_indices = @transform_0, window_bounds = array<i64: 256, 1024>}, {transform_indices = @transform_1, window_bounds = array<i64: 256, 1024>}, {pipeline_mode = #tpu.pipeline_mode<synchronous>, transform_indices = @transform_2, window_bounds = array<i64: 1024, 1024>}, {pipeline_mode = #tpu.pipeline_mode<synchronous>, transform_indices = @transform_3, window_bounds = array<i64: 1, 1024>}, {transform_indices = @transform_4, window_bounds = array<i64: 256, 1024>}]} {
    %get3A = arith.constant 0 : index
    %get3A_0 = arith.constant 0 : index
    %get3A_1 = vector.load %arg2[%get3A, %get3A_0] : memref<256x1024xf32, #tpu.memory_space<vmem>>, vector<256x1024xf32>
    %get3A_2 = arith.constant 0 : index
    %get3A_3 = arith.constant 0 : index
    %get3A_4 = vector.load %arg1[%get3A_2, %get3A_3] : memref<256x1024xf32, #tpu.memory_space<vmem>>, vector<256x1024xf32>
    %get3A_5 = arith.constant 0 : index
    %get3A_6 = arith.constant 0 : index
    %get3A_7 = vector.load %arg3[%get3A_5, %get3A_6] : memref<1024x1024xf32, #tpu.memory_space<vmem>>, vector<1024x1024xf32>
    %dot_general3A = arith.constant dense<0.000000e+00> : vector<256x1024xf32>
    %dot_general3A_8 = tpu.matmul %get3A_4, %get3A_7, %dot_general3A {dimension_numbers = #tpu.dot_dimension_numbers<[1], [1], [0], [0], [0, 0, 1, 0], [], []>, transpose_lhs_hint = false} : vector<256x1024xf32>, vector<1024x1024xf32>, vector<256x1024xf32> -> vector<256x1024xf32>
    %add3A = arith.addf %get3A_1, %dot_general3A_8 : vector<256x1024xf32>
    %get3A_9 = arith.constant 0 : index
    %get3A_10 = arith.constant 0 : index
    %get3A_11 = vector.load %arg4[%get3A_9, %get3A_10] : memref<1x1024xf32, #tpu.memory_space<vmem>>, vector<1x1024xf32>
    %add3A_12 = vector.broadcast %get3A_11 : vector<1x1024xf32> to vector<256x1024xf32>
    %add3A_13 = arith.addf %add3A, %add3A_12 : vector<256x1024xf32>
    %swap3A = arith.constant 0 : index
    %swap3A_14 = arith.constant 0 : index
    %swap3A_15 = vector.load %arg5[%swap3A, %swap3A_14] : memref<256x1024xf32, #tpu.memory_space<vmem>>, vector<256x1024xf32>
    tpu.vector_store %arg5[%swap3A, %swap3A_14], %add3A_13 {strides = array<i32>} : memref<256x1024xf32, #tpu.memory_space<vmem>>, vector<256x1024xf32>,
    return
  }
  func.func @transform_0(%arg0: i32) -> (i32, i32) {
    %c0_i32 = arith.constant 0 : i32
    %c0_i32_0 = arith.constant 0 : i32
    return %arg0, %c0_i32 : i32, i32
  }
  func.func @transform_1(%arg0: i32) -> (i32, i32) {
    %c0_i32 = arith.constant 0 : i32
    %c0_i32_0 = arith.constant 0 : i32
    return %arg0, %c0_i32 : i32, i32
  }
  func.func @transform_2(%arg0: i32) -> (i32, i32) {
    %c0_i32 = arith.constant 0 : i32
    %c0_i32_0 = arith.constant 0 : i32
    %c0_i32_1 = arith.constant 0 : i32
    return %c0_i32, %c0_i32_0 : i32, i32
  }
  func.func @transform_3(%arg0: i32) -> (i32, i32) {
    %c0_i32 = arith.constant 0 : i32
    %c0_i32_0 = arith.constant 0 : i32
    %c0_i32_1 = arith.constant 0 : i32
    return %c0_i32, %c0_i32_0 : i32, i32
  }
  func.func @transform_4(%arg0: i32) -> (i32, i32) {
    %c0_i32 = arith.constant 0 : i32
    %c0_i32_0 = arith.constant 0 : i32
    return %arg0, %c0_i32 : i32, i32
  }
}

module attributes {stable_mosaic.version = 14 : i64} {
  func.func @_gate_body(%arg0: i32, %arg1: memref<256x1024xf32, #tpu.memory_space<vmem>>, %arg2: memref<256x1xf32, #tpu.memory_space<vmem>>, %arg3: memref<256x1xf32, #tpu.memory_space<vmem>>, %arg4: memref<1x1024xf32, #tpu.memory_space<vmem>>, %arg5: memref<1x1024xf32, #tpu.memory_space<vmem>>, %arg6: memref<128x1024xf32, #tpu.memory_space<vmem>>, %arg7: memref<1x128xf32, #tpu.memory_space<vmem>>, %arg8: memref<256x1024xf32, #tpu.memory_space<vmem>>, %arg9: memref<256x128xf32, #tpu.memory_space<vmem>>) attributes {dimension_semantics = [#tpu.dimension_semantics<arbitrary>], iteration_bounds = array<i64: 16>, scalar_prefetch = 0 : i64, scratch_operands = 0 : i64, tpu.core_type = #tpu.core_type<tc>, window_params = [{transform_indices = @transform_0, window_bounds = array<i64: 256, 1024>}, {transform_indices = @transform_1, window_bounds = array<i64: 256, 1>}, {transform_indices = @transform_2, window_bounds = array<i64: 256, 1>}, {pipeline_mode = #tpu.pipeline_mode<synchronous>, transform_indices = @transform_3, window_bounds = array<i64: 1, 1024>}, {pipeline_mode = #tpu.pipeline_mode<synchronous>, transform_indices = @transform_4, window_bounds = array<i64: 1, 1024>}, {pipeline_mode = #tpu.pipeline_mode<synchronous>, transform_indices = @transform_5, window_bounds = array<i64: 128, 1024>}, {pipeline_mode = #tpu.pipeline_mode<synchronous>, transform_indices = @transform_6, window_bounds = array<i64: 1, 128>}, {transform_indices = @transform_7, window_bounds = array<i64: 256, 1024>}, {transform_indices = @transform_8, window_bounds = array<i64: 256, 128>}]} {
    %get3A = arith.constant 0 : index
    %get3A_0 = arith.constant 0 : index
    %get3A_1 = vector.load %arg1[%get3A, %get3A_0] : memref<256x1024xf32, #tpu.memory_space<vmem>>, vector<256x1024xf32>
    %get3A_2 = arith.constant 0 : index
    %get3A_3 = arith.constant 0 : index
    %get3A_4 = vector.load %arg2[%get3A_2, %get3A_3] : memref<256x1xf32, #tpu.memory_space<vmem>>, vector<256x1xf32>
    %sub3A = vector.broadcast %get3A_4 : vector<256x1xf32> to vector<256x1024xf32>
    %sub3A_5 = arith.subf %get3A_1, %sub3A : vector<256x1024xf32>
    %get3A_6 = arith.constant 0 : index
    %get3A_7 = arith.constant 0 : index
    %get3A_8 = vector.load %arg3[%get3A_6, %get3A_7] : memref<256x1xf32, #tpu.memory_space<vmem>>, vector<256x1xf32>
    %add3A = arith.constant 9.99999974E-6 : f32
    %add3A_9 = vector.broadcast %add3A : f32 to vector<256x1xf32>
    %add3A_10 = arith.addf %get3A_8, %add3A_9 : vector<256x1xf32>
    %sqrt3A = math.sqrt %add3A_10 : vector<256x1xf32>
    %div3A = vector.broadcast %sqrt3A : vector<256x1xf32> to vector<256x1024xf32>
    %div3A_11 = arith.divf %sub3A_5, %div3A : vector<256x1024xf32>
    %get3A_12 = arith.constant 0 : index
    %get3A_13 = arith.constant 0 : index
    %get3A_14 = vector.load %arg4[%get3A_12, %get3A_13] : memref<1x1024xf32, #tpu.memory_space<vmem>>, vector<1x1024xf32>
    %mul3A = vector.broadcast %get3A_14 : vector<1x1024xf32> to vector<256x1024xf32>
    %mul3A_15 = arith.mulf %div3A_11, %mul3A : vector<256x1024xf32>
    %get3A_16 = arith.constant 0 : index
    %get3A_17 = arith.constant 0 : index
    %get3A_18 = vector.load %arg5[%get3A_16, %get3A_17] : memref<1x1024xf32, #tpu.memory_space<vmem>>, vector<1x1024xf32>
    %add3A_19 = vector.broadcast %get3A_18 : vector<1x1024xf32> to vector<256x1024xf32>
    %add3A_20 = arith.addf %mul3A_15, %add3A_19 : vector<256x1024xf32>
    %swap3A = arith.constant 0 : index
    %swap3A_21 = arith.constant 0 : index
    %swap3A_22 = vector.load %arg8[%swap3A, %swap3A_21] : memref<256x1024xf32, #tpu.memory_space<vmem>>, vector<256x1024xf32>
    tpu.vector_store %arg8[%swap3A, %swap3A_21], %add3A_20 {strides = array<i32>} : memref<256x1024xf32, #tpu.memory_space<vmem>>, vector<256x1024xf32>,
    %get3A_23 = arith.constant 0 : index
    %get3A_24 = arith.constant 0 : index
    %get3A_25 = vector.load %arg6[%get3A_23, %get3A_24] : memref<128x1024xf32, #tpu.memory_space<vmem>>, vector<128x1024xf32>
    %dot_general3A = arith.constant dense<0.000000e+00> : vector<256x128xf32>
    %dot_general3A_26 = tpu.matmul %add3A_20, %get3A_25, %dot_general3A {dimension_numbers = #tpu.dot_dimension_numbers<[1], [1], [0], [0], [0, 0, 1, 0], [], []>, transpose_lhs_hint = false} : vector<256x1024xf32>, vector<128x1024xf32>, vector<256x128xf32> -> vector<256x128xf32>
    %get3A_27 = arith.constant 0 : index
    %get3A_28 = arith.constant 0 : index
    %get3A_29 = vector.load %arg7[%get3A_27, %get3A_28] : memref<1x128xf32, #tpu.memory_space<vmem>>, vector<1x128xf32>
    %add3A_30 = vector.broadcast %get3A_29 : vector<1x128xf32> to vector<256x128xf32>
    %add3A_31 = arith.addf %dot_general3A_26, %add3A_30 : vector<256x128xf32>
    %swap3A_32 = arith.constant 0 : index
    %swap3A_33 = arith.constant 0 : index
    %swap3A_34 = vector.load %arg9[%swap3A_32, %swap3A_33] : memref<256x128xf32, #tpu.memory_space<vmem>>, vector<256x128xf32>
    tpu.vector_store %arg9[%swap3A_32, %swap3A_33], %add3A_31 {strides = array<i32>} : memref<256x128xf32, #tpu.memory_space<vmem>>, vector<256x128xf32>,
    return
  }
  func.func @transform_0(%arg0: i32) -> (i32, i32) {
    %c0_i32 = arith.constant 0 : i32
    %c0_i32_0 = arith.constant 0 : i32
    return %arg0, %c0_i32 : i32, i32
  }
  func.func @transform_1(%arg0: i32) -> (i32, i32) {
    %c0_i32 = arith.constant 0 : i32
    %c0_i32_0 = arith.constant 0 : i32
    return %arg0, %c0_i32 : i32, i32
  }
  func.func @transform_2(%arg0: i32) -> (i32, i32) {
    %c0_i32 = arith.constant 0 : i32
    %c0_i32_0 = arith.constant 0 : i32
    return %arg0, %c0_i32 : i32, i32
  }
  func.func @transform_3(%arg0: i32) -> (i32, i32) {
    %c0_i32 = arith.constant 0 : i32
    %c0_i32_0 = arith.constant 0 : i32
    %c0_i32_1 = arith.constant 0 : i32
    return %c0_i32, %c0_i32_0 : i32, i32
  }
  func.func @transform_4(%arg0: i32) -> (i32, i32) {
    %c0_i32 = arith.constant 0 : i32
    %c0_i32_0 = arith.constant 0 : i32
    %c0_i32_1 = arith.constant 0 : i32
    return %c0_i32, %c0_i32_0 : i32, i32
  }
  func.func @transform_5(%arg0: i32) -> (i32, i32) {
    %c0_i32 = arith.constant 0 : i32
    %c0_i32_0 = arith.constant 0 : i32
    %c0_i32_1 = arith.constant 0 : i32
    return %c0_i32, %c0_i32_0 : i32, i32
  }
  func.func @transform_6(%arg0: i32) -> (i32, i32) {
    %c0_i32 = arith.constant 0 : i32
    %c0_i32_0 = arith.constant 0 : i32
    %c0_i32_1 = arith.constant 0 : i32
    return %c0_i32, %c0_i32_0 : i32, i32
  }
  func.func @transform_7(%arg0: i32) -> (i32, i32) {
    %c0_i32 = arith.constant 0 : i32
    %c0_i32_0 = arith.constant 0 : i32
    return %arg0, %c0_i32 : i32, i32
  }
  func.func @transform_8(%arg0: i32) -> (i32, i32) {
    %c0_i32 = arith.constant 0 : i32
    %c0_i32_0 = arith.constant 0 : i32
    return %arg0, %c0_i32 : i32, i32
  }
}

module attributes {stable_mosaic.version = 14 : i64} {
  func.func @_route_body(%arg0: memref<4096x128xf32, #tpu.memory_space<vmem>>, %arg1: memref<4096x1xi32, #tpu.memory_space<vmem>>, %arg2: memref<1x128xi32, #tpu.memory_space<vmem>>) attributes {dimension_semantics = [], scalar_prefetch = 0 : i64, scratch_operands = 0 : i64, tpu.core_type = #tpu.core_type<tc>} {
    %get3A = arith.constant 0 : index
    %get3A_0 = arith.constant 0 : index
    %get3A_1 = vector.load %arg0[%get3A, %get3A_0] : memref<4096x128xf32, #tpu.memory_space<vmem>>, vector<4096x128xf32>
    %iota3A = tpu.iota {dimensions = array<i32: 1>} : vector<4096x128xi32>
    %lt3A = arith.constant 8 : i32
    %lt3A_2 = vector.broadcast %lt3A : i32 to vector<4096x128xi32>
    %lt3A_3 = arith.cmpi slt, %iota3A, %lt3A_2 : vector<4096x128xi32>
    %jit3A = arith.constant -1.000000e+30 : f32
    %broadcast_in_dim3A = vector.broadcast %jit3A : f32 to vector<4096x128xf32>
    %select_n3A = arith.select %lt3A_3, %get3A_1, %broadcast_in_dim3A : vector<4096x128xi1>, vector<4096x128xf32>
    %reduce_max3A = arith.constant dense<0xFF800000> : vector<4096xf32>
    %reduce_max3A_4 = vector.multi_reduction <maximumf>, %select_n3A, %reduce_max3A [1] : vector<4096x128xf32> to vector<4096xf32>
    %broadcast_in_dim3A_5 = vector.shape_cast %reduce_max3A_4 : vector<4096xf32> to vector<4096x1xf32>
    %eq3A = vector.broadcast %broadcast_in_dim3A_5 : vector<4096x1xf32> to vector<4096x128xf32>
    %eq3A_6 = arith.cmpf oeq, %select_n3A, %eq3A : vector<4096x128xf32>
    %jit3A_7 = arith.constant 127 : i32
    %broadcast_in_dim3A_8 = vector.broadcast %jit3A_7 : i32 to vector<4096x128xi32>
    %select_n3A_9 = arith.select %eq3A_6, %iota3A, %broadcast_in_dim3A_8 : vector<4096x128xi1>, vector<4096x128xi32>
    %reduce_min3A = arith.constant dense<2147483647> : vector<4096xi32>
    %reduce_min3A_10 = vector.multi_reduction <minsi>, %select_n3A_9, %reduce_min3A [1] : vector<4096x128xi32> to vector<4096xi32>
    %broadcast_in_dim3A_11 = vector.shape_cast %reduce_min3A_10 : vector<4096xi32> to vector<4096x1xi32>
    %eq3A_12 = vector.broadcast %broadcast_in_dim3A_11 : vector<4096x1xi32> to vector<4096x128xi32>
    %eq3A_13 = arith.cmpi eq, %iota3A, %eq3A_12 : vector<4096x128xi32>
    %jit3A_14 = arith.constant -1.000000e+30 : f32
    %broadcast_in_dim3A_15 = vector.broadcast %jit3A_14 : f32 to vector<4096x128xf32>
    %select_n3A_16 = arith.select %eq3A_13, %broadcast_in_dim3A_15, %select_n3A : vector<4096x128xi1>, vector<4096x128xf32>
    %reduce_max3A_17 = arith.constant dense<0xFF800000> : vector<4096xf32>
    %reduce_max3A_18 = vector.multi_reduction <maximumf>, %select_n3A_16, %reduce_max3A_17 [1] : vector<4096x128xf32> to vector<4096xf32>
    %broadcast_in_dim3A_19 = vector.shape_cast %reduce_max3A_18 : vector<4096xf32> to vector<4096x1xf32>
    %eq3A_20 = vector.broadcast %broadcast_in_dim3A_19 : vector<4096x1xf32> to vector<4096x128xf32>
    %eq3A_21 = arith.cmpf oeq, %select_n3A_16, %eq3A_20 : vector<4096x128xf32>
    %jit3A_22 = arith.constant 127 : i32
    %broadcast_in_dim3A_23 = vector.broadcast %jit3A_22 : i32 to vector<4096x128xi32>
    %select_n3A_24 = arith.select %eq3A_21, %iota3A, %broadcast_in_dim3A_23 : vector<4096x128xi1>, vector<4096x128xi32>
    %reduce_min3A_25 = arith.constant dense<2147483647> : vector<4096xi32>
    %reduce_min3A_26 = vector.multi_reduction <minsi>, %select_n3A_24, %reduce_min3A_25 [1] : vector<4096x128xi32> to vector<4096xi32>
    %broadcast_in_dim3A_27 = vector.shape_cast %reduce_min3A_26 : vector<4096xi32> to vector<4096x1xi32>
    %max3A = arith.maxsi %broadcast_in_dim3A_11, %broadcast_in_dim3A_27 : vector<4096x1xi32>
    %eq3A_28 = vector.broadcast %max3A : vector<4096x1xi32> to vector<4096x128xi32>
    %eq3A_29 = arith.cmpi eq, %iota3A, %eq3A_28 : vector<4096x128xi32>
    %convert_element_type3A = arith.extui %eq3A_29 : vector<4096x128xi1> to vector<4096x128xi32>
    %convert_element_type3A_30 = arith.sitofp %convert_element_type3A : vector<4096x128xi32> to vector<4096x128xf32>
    %reduce_sum3A = arith.constant dense<0.000000e+00> : vector<128xf32>
    %reduce_sum3A_31 = vector.multi_reduction <add>, %convert_element_type3A_30, %reduce_sum3A [0] : vector<4096x128xf32> to vector<128xf32>
    %broadcast_in_dim3A_32 = vector.shape_cast %reduce_sum3A_31 : vector<128xf32> to vector<1x128xf32>
    %convert_element_type3A_33 = arith.fptosi %broadcast_in_dim3A_32 : vector<1x128xf32> to vector<1x128xi32>
    %add3A = arith.constant 255 : i32
    %add3A_34 = vector.broadcast %add3A : i32 to vector<1x128xi32>
    %add3A_35 = arith.addi %convert_element_type3A_33, %add3A_34 : vector<1x128xi32>
    %jit3A_36 = arith.constant 256 : i32
    %div3A = vector.broadcast %jit3A_36 : i32 to vector<1x128xi32>
    %div3A_37 = arith.divsi %add3A_35, %div3A : vector<1x128xi32>
    %sign3A = arith.constant 0 : i32
    %sign3A_38 = vector.broadcast %sign3A : i32 to vector<1x128xi32>
    %sign3A_39 = arith.cmpi sgt, %add3A_35, %sign3A_38 : vector<1x128xi32>
    %sign3A_40 = arith.extui %sign3A_39 : vector<1x128xi1> to vector<1x128xi32>
    %sign3A_41 = arith.constant 0 : i32
    %sign3A_42 = vector.broadcast %sign3A_41 : i32 to vector<1x128xi32>
    %sign3A_43 = arith.cmpi slt, %add3A_35, %sign3A_42 : vector<1x128xi32>
    %sign3A_44 = arith.extui %sign3A_43 : vector<1x128xi1> to vector<1x128xi32>
    %sign3A_45 = arith.subi %sign3A_40, %sign3A_44 : vector<1x128xi32>
    %sign3A_46 = arith.constant 0 : i32
    %sign3A_47 = arith.cmpi sgt, %jit3A_36, %sign3A_46 : i32
    %sign3A_48 = arith.extui %sign3A_47 : i1 to i32
    %sign3A_49 = arith.constant 0 : i32
    %sign3A_50 = arith.cmpi slt, %jit3A_36, %sign3A_49 : i32
    %sign3A_51 = arith.extui %sign3A_50 : i1 to i32
    %sign3A_52 = arith.subi %sign3A_48, %sign3A_51 : i32
    %ne3A = vector.broadcast %sign3A_52 : i32 to vector<1x128xi32>
    %ne3A_53 = arith.cmpi ne, %sign3A_45, %ne3A : vector<1x128xi32>
    %rem3A = vector.broadcast %jit3A_36 : i32 to vector<1x128xi32>
    %rem3A_54 = arith.remsi %add3A_35, %rem3A : vector<1x128xi32>
    %ne3A_55 = arith.constant 0 : i32
    %ne3A_56 = vector.broadcast %ne3A_55 : i32 to vector<1x128xi32>
    %ne3A_57 = arith.cmpi ne, %rem3A_54, %ne3A_56 : vector<1x128xi32>
    %and3A = arith.andi %ne3A_53, %ne3A_57 : vector<1x128xi1>
    %sub3A = arith.constant 1 : i32
    %sub3A_58 = vector.broadcast %sub3A : i32 to vector<1x128xi32>
    %sub3A_59 = arith.subi %div3A_37, %sub3A_58 : vector<1x128xi32>
    %select_n3A_60 = arith.select %and3A, %sub3A_59, %div3A_37 : vector<1x128xi1>, vector<1x128xi32>
    %iota3A_61 = tpu.iota {dimensions = array<i32: 0>} : vector<128x128xi32>
    %iota3A_62 = tpu.iota {dimensions = array<i32: 1>} : vector<128x128xi32>
    %lt3A_63 = arith.cmpi slt, %iota3A_61, %iota3A_62 : vector<128x128xi32>
    %convert_element_type3A_64 = arith.extui %lt3A_63 : vector<128x128xi1> to vector<128x128xi32>
    %convert_element_type3A_65 = arith.sitofp %convert_element_type3A_64 : vector<128x128xi32> to vector<128x128xf32>
    %convert_element_type3A_66 = arith.sitofp %select_n3A_60 : vector<1x128xi32> to vector<1x128xf32>
    %dot_general3A = arith.constant dense<0.000000e+00> : vector<1x128xf32>
    %dot_general3A_67 = tpu.matmul %convert_element_type3A_66, %convert_element_type3A_65, %dot_general3A {dimension_numbers = #tpu.dot_dimension_numbers<[1], [0], [0], [1], [0, 0, 1, 1], [], []>, transpose_lhs_hint = false} : vector<1x128xf32>, vector<128x128xf32>, vector<1x128xf32> -> vector<1x128xf32>
    %convert_element_type3A_68 = arith.fptosi %dot_general3A_67 : vector<1x128xf32> to vector<1x128xi32>
    %swap3A = arith.constant 0 : index
    %swap3A_69 = arith.constant 0 : index
    %swap3A_70 = vector.load %arg2[%swap3A, %swap3A_69] : memref<1x128xi32, #tpu.memory_space<vmem>>, vector<1x128xi32>
    tpu.vector_store %arg2[%swap3A, %swap3A_69], %convert_element_type3A_68 {strides = array<i32>} : memref<1x128xi32, #tpu.memory_space<vmem>>, vector<1x128xi32>,
    %mul3A = arith.constant 2.560000e+02 : f32
    %mul3A_71 = vector.broadcast %mul3A : f32 to vector<1x128xf32>
    %mul3A_72 = arith.mulf %dot_general3A_67, %mul3A_71 : vector<1x128xf32>
    %iota3A_73 = tpu.iota {dimensions = array<i32: 0>} : vector<256x256xi32>
    %iota3A_74 = tpu.iota {dimensions = array<i32: 1>} : vector<256x256xi32>
    %gt3A = arith.cmpi sgt, %iota3A_73, %iota3A_74 : vector<256x256xi32>
    %convert_element_type3A_75 = arith.extui %gt3A : vector<256x256xi1> to vector<256x256xi32>
    %convert_element_type3A_76 = arith.sitofp %convert_element_type3A_75 : vector<256x256xi32> to vector<256x256xf32>
    %broadcast_in_dim3A_77 = arith.constant 0.000000e+00 : f32
    %broadcast_in_dim3A_78 = vector.broadcast %broadcast_in_dim3A_77 : f32 to vector<1x128xf32>
    %slice3A = vector.extract_strided_slice %convert_element_type3A_30 {offsets = [0, 0], sizes = [256, 128], strides = [1, 1]} : vector<4096x128xf32> to vector<256x128xf32>
    %dot_general3A_79 = arith.constant dense<0.000000e+00> : vector<256x128xf32>
    %dot_general3A_80 = tpu.matmul %convert_element_type3A_76, %slice3A, %dot_general3A_79 {dimension_numbers = #tpu.dot_dimension_numbers<[1], [0], [0], [1], [0, 0, 1, 1], [], []>, transpose_lhs_hint = false} : vector<256x256xf32>, vector<256x128xf32>, vector<256x128xf32> -> vector<256x128xf32>
    %add3A_81 = arith.addf %mul3A_72, %broadcast_in_dim3A_78 : vector<1x128xf32>
    %add3A_82 = vector.broadcast %add3A_81 : vector<1x128xf32> to vector<256x128xf32>
    %add3A_83 = arith.addf %add3A_82, %dot_general3A_80 : vector<256x128xf32>
    %mul3A_84 = arith.mulf %slice3A, %add3A_83 : vector<256x128xf32>
    %reduce_sum3A_85 = arith.constant dense<0.000000e+00> : vector<256xf32>
    %reduce_sum3A_86 = vector.multi_reduction <add>, %mul3A_84, %reduce_sum3A_85 [1] : vector<256x128xf32> to vector<256xf32>
    %broadcast_in_dim3A_87 = vector.shape_cast %reduce_sum3A_86 : vector<256xf32> to vector<256x1xf32>
    %convert_element_type3A_88 = arith.fptosi %broadcast_in_dim3A_87 : vector<256x1xf32> to vector<256x1xi32>
    %swap3A_89 = arith.constant 0 : index
    %swap3A_90 = arith.constant 0 : index
    %swap3A_91 = vector.load %arg1[%swap3A_89, %swap3A_90] : memref<4096x1xi32, #tpu.memory_space<vmem>>, vector<256x1xi32>
    tpu.vector_store %arg1[%swap3A_89, %swap3A_90], %convert_element_type3A_88 {strides = array<i32>} : memref<4096x1xi32, #tpu.memory_space<vmem>>, vector<256x1xi32>,
    %reduce_sum3A_92 = arith.constant dense<0.000000e+00> : vector<128xf32>
    %reduce_sum3A_93 = vector.multi_reduction <add>, %slice3A, %reduce_sum3A_92 [0] : vector<256x128xf32> to vector<128xf32>
    %broadcast_in_dim3A_94 = vector.shape_cast %reduce_sum3A_93 : vector<128xf32> to vector<1x128xf32>
    %add3A_95 = arith.addf %broadcast_in_dim3A_78, %broadcast_in_dim3A_94 : vector<1x128xf32>
    %slice3A_96 = vector.extract_strided_slice %convert_element_type3A_30 {offsets = [256, 0], sizes = [256, 128], strides = [1, 1]} : vector<4096x128xf32> to vector<256x128xf32>
    %dot_general3A_97 = arith.constant dense<0.000000e+00> : vector<256x128xf32>
    %dot_general3A_98 = tpu.matmul %convert_element_type3A_76, %slice3A_96, %dot_general3A_97 {dimension_numbers = #tpu.dot_dimension_numbers<[1], [0], [0], [1], [0, 0, 1, 1], [], []>, transpose_lhs_hint = false} : vector<256x256xf32>, vector<256x128xf32>, vector<256x128xf32> -> vector<256x128xf32>
    %add3A_99 = arith.addf %mul3A_72, %add3A_95 : vector<1x128xf32>
    %add3A_100 = vector.broadcast %add3A_99 : vector<1x128xf32> to vector<256x128xf32>
    %add3A_101 = arith.addf %add3A_100, %dot_general3A_98 : vector<256x128xf32>
    %mul3A_102 = arith.mulf %slice3A_96, %add3A_101 : vector<256x128xf32>
    %reduce_sum3A_103 = arith.constant dense<0.000000e+00> : vector<256xf32>
    %reduce_sum3A_104 = vector.multi_reduction <add>, %mul3A_102, %reduce_sum3A_103 [1] : vector<256x128xf32> to vector<256xf32>
    %broadcast_in_dim3A_105 = vector.shape_cast %reduce_sum3A_104 : vector<256xf32> to vector<256x1xf32>
    %convert_element_type3A_106 = arith.fptosi %broadcast_in_dim3A_105 : vector<256x1xf32> to vector<256x1xi32>
    %swap3A_107 = arith.constant 256 : index
    %swap3A_108 = arith.constant 0 : index
    %swap3A_109 = vector.load %arg1[%swap3A_107, %swap3A_108] : memref<4096x1xi32, #tpu.memory_space<vmem>>, vector<256x1xi32>
    tpu.vector_store %arg1[%swap3A_107, %swap3A_108], %convert_element_type3A_106 {strides = array<i32>} : memref<4096x1xi32, #tpu.memory_space<vmem>>, vector<256x1xi32>,
    %reduce_sum3A_110 = arith.constant dense<0.000000e+00> : vector<128xf32>
    %reduce_sum3A_111 = vector.multi_reduction <add>, %slice3A_96, %reduce_sum3A_110 [0] : vector<256x128xf32> to vector<128xf32>
    %broadcast_in_dim3A_112 = vector.shape_cast %reduce_sum3A_111 : vector<128xf32> to vector<1x128xf32>
    %add3A_113 = arith.addf %add3A_95, %broadcast_in_dim3A_112 : vector<1x128xf32>
    %slice3A_114 = vector.extract_strided_slice %convert_element_type3A_30 {offsets = [512, 0], sizes = [256, 128], strides = [1, 1]} : vector<4096x128xf32> to vector<256x128xf32>
    %dot_general3A_115 = arith.constant dense<0.000000e+00> : vector<256x128xf32>
    %dot_general3A_116 = tpu.matmul %convert_element_type3A_76, %slice3A_114, %dot_general3A_115 {dimension_numbers = #tpu.dot_dimension_numbers<[1], [0], [0], [1], [0, 0, 1, 1], [], []>, transpose_lhs_hint = false} : vector<256x256xf32>, vector<256x128xf32>, vector<256x128xf32> -> vector<256x128xf32>
    %add3A_117 = arith.addf %mul3A_72, %add3A_113 : vector<1x128xf32>
    %add3A_118 = vector.broadcast %add3A_117 : vector<1x128xf32> to vector<256x128xf32>
    %add3A_119 = arith.addf %add3A_118, %dot_general3A_116 : vector<256x128xf32>
    %mul3A_120 = arith.mulf %slice3A_114, %add3A_119 : vector<256x128xf32>
    %reduce_sum3A_121 = arith.constant dense<0.000000e+00> : vector<256xf32>
    %reduce_sum3A_122 = vector.multi_reduction <add>, %mul3A_120, %reduce_sum3A_121 [1] : vector<256x128xf32> to vector<256xf32>
    %broadcast_in_dim3A_123 = vector.shape_cast %reduce_sum3A_122 : vector<256xf32> to vector<256x1xf32>
    %convert_element_type3A_124 = arith.fptosi %broadcast_in_dim3A_123 : vector<256x1xf32> to vector<256x1xi32>
    %swap3A_125 = arith.constant 512 : index
    %swap3A_126 = arith.constant 0 : index
    %swap3A_127 = vector.load %arg1[%swap3A_125, %swap3A_126] : memref<4096x1xi32, #tpu.memory_space<vmem>>, vector<256x1xi32>
    tpu.vector_store %arg1[%swap3A_125, %swap3A_126], %convert_element_type3A_124 {strides = array<i32>} : memref<4096x1xi32, #tpu.memory_space<vmem>>, vector<256x1xi32>,
    %reduce_sum3A_128 = arith.constant dense<0.000000e+00> : vector<128xf32>
    %reduce_sum3A_129 = vector.multi_reduction <add>, %slice3A_114, %reduce_sum3A_128 [0] : vector<256x128xf32> to vector<128xf32>
    %broadcast_in_dim3A_130 = vector.shape_cast %reduce_sum3A_129 : vector<128xf32> to vector<1x128xf32>
    %add3A_131 = arith.addf %add3A_113, %broadcast_in_dim3A_130 : vector<1x128xf32>
    %slice3A_132 = vector.extract_strided_slice %convert_element_type3A_30 {offsets = [768, 0], sizes = [256, 128], strides = [1, 1]} : vector<4096x128xf32> to vector<256x128xf32>
    %dot_general3A_133 = arith.constant dense<0.000000e+00> : vector<256x128xf32>
    %dot_general3A_134 = tpu.matmul %convert_element_type3A_76, %slice3A_132, %dot_general3A_133 {dimension_numbers = #tpu.dot_dimension_numbers<[1], [0], [0], [1], [0, 0, 1, 1], [], []>, transpose_lhs_hint = false} : vector<256x256xf32>, vector<256x128xf32>, vector<256x128xf32> -> vector<256x128xf32>
    %add3A_135 = arith.addf %mul3A_72, %add3A_131 : vector<1x128xf32>
    %add3A_136 = vector.broadcast %add3A_135 : vector<1x128xf32> to vector<256x128xf32>
    %add3A_137 = arith.addf %add3A_136, %dot_general3A_134 : vector<256x128xf32>
    %mul3A_138 = arith.mulf %slice3A_132, %add3A_137 : vector<256x128xf32>
    %reduce_sum3A_139 = arith.constant dense<0.000000e+00> : vector<256xf32>
    %reduce_sum3A_140 = vector.multi_reduction <add>, %mul3A_138, %reduce_sum3A_139 [1] : vector<256x128xf32> to vector<256xf32>
    %broadcast_in_dim3A_141 = vector.shape_cast %reduce_sum3A_140 : vector<256xf32> to vector<256x1xf32>
    %convert_element_type3A_142 = arith.fptosi %broadcast_in_dim3A_141 : vector<256x1xf32> to vector<256x1xi32>
    %swap3A_143 = arith.constant 768 : index
    %swap3A_144 = arith.constant 0 : index
    %swap3A_145 = vector.load %arg1[%swap3A_143, %swap3A_144] : memref<4096x1xi32, #tpu.memory_space<vmem>>, vector<256x1xi32>
    tpu.vector_store %arg1[%swap3A_143, %swap3A_144], %convert_element_type3A_142 {strides = array<i32>} : memref<4096x1xi32, #tpu.memory_space<vmem>>, vector<256x1xi32>,
    %reduce_sum3A_146 = arith.constant dense<0.000000e+00> : vector<128xf32>
    %reduce_sum3A_147 = vector.multi_reduction <add>, %slice3A_132, %reduce_sum3A_146 [0] : vector<256x128xf32> to vector<128xf32>
    %broadcast_in_dim3A_148 = vector.shape_cast %reduce_sum3A_147 : vector<128xf32> to vector<1x128xf32>
    %add3A_149 = arith.addf %add3A_131, %broadcast_in_dim3A_148 : vector<1x128xf32>
    %slice3A_150 = vector.extract_strided_slice %convert_element_type3A_30 {offsets = [1024, 0], sizes = [256, 128], strides = [1, 1]} : vector<4096x128xf32> to vector<256x128xf32>
    %dot_general3A_151 = arith.constant dense<0.000000e+00> : vector<256x128xf32>
    %dot_general3A_152 = tpu.matmul %convert_element_type3A_76, %slice3A_150, %dot_general3A_151 {dimension_numbers = #tpu.dot_dimension_numbers<[1], [0], [0], [1], [0, 0, 1, 1], [], []>, transpose_lhs_hint = false} : vector<256x256xf32>, vector<256x128xf32>, vector<256x128xf32> -> vector<256x128xf32>
    %add3A_153 = arith.addf %mul3A_72, %add3A_149 : vector<1x128xf32>
    %add3A_154 = vector.broadcast %add3A_153 : vector<1x128xf32> to vector<256x128xf32>
    %add3A_155 = arith.addf %add3A_154, %dot_general3A_152 : vector<256x128xf32>
    %mul3A_156 = arith.mulf %slice3A_150, %add3A_155 : vector<256x128xf32>
    %reduce_sum3A_157 = arith.constant dense<0.000000e+00> : vector<256xf32>
    %reduce_sum3A_158 = vector.multi_reduction <add>, %mul3A_156, %reduce_sum3A_157 [1] : vector<256x128xf32> to vector<256xf32>
    %broadcast_in_dim3A_159 = vector.shape_cast %reduce_sum3A_158 : vector<256xf32> to vector<256x1xf32>
    %convert_element_type3A_160 = arith.fptosi %broadcast_in_dim3A_159 : vector<256x1xf32> to vector<256x1xi32>
    %swap3A_161 = arith.constant 1024 : index
    %swap3A_162 = arith.constant 0 : index
    %swap3A_163 = vector.load %arg1[%swap3A_161, %swap3A_162] : memref<4096x1xi32, #tpu.memory_space<vmem>>, vector<256x1xi32>
    tpu.vector_store %arg1[%swap3A_161, %swap3A_162], %convert_element_type3A_160 {strides = array<i32>} : memref<4096x1xi32, #tpu.memory_space<vmem>>, vector<256x1xi32>,
    %reduce_sum3A_164 = arith.constant dense<0.000000e+00> : vector<128xf32>
    %reduce_sum3A_165 = vector.multi_reduction <add>, %slice3A_150, %reduce_sum3A_164 [0] : vector<256x128xf32> to vector<128xf32>
    %broadcast_in_dim3A_166 = vector.shape_cast %reduce_sum3A_165 : vector<128xf32> to vector<1x128xf32>
    %add3A_167 = arith.addf %add3A_149, %broadcast_in_dim3A_166 : vector<1x128xf32>
    %slice3A_168 = vector.extract_strided_slice %convert_element_type3A_30 {offsets = [1280, 0], sizes = [256, 128], strides = [1, 1]} : vector<4096x128xf32> to vector<256x128xf32>
    %dot_general3A_169 = arith.constant dense<0.000000e+00> : vector<256x128xf32>
    %dot_general3A_170 = tpu.matmul %convert_element_type3A_76, %slice3A_168, %dot_general3A_169 {dimension_numbers = #tpu.dot_dimension_numbers<[1], [0], [0], [1], [0, 0, 1, 1], [], []>, transpose_lhs_hint = false} : vector<256x256xf32>, vector<256x128xf32>, vector<256x128xf32> -> vector<256x128xf32>
    %add3A_171 = arith.addf %mul3A_72, %add3A_167 : vector<1x128xf32>
    %add3A_172 = vector.broadcast %add3A_171 : vector<1x128xf32> to vector<256x128xf32>
    %add3A_173 = arith.addf %add3A_172, %dot_general3A_170 : vector<256x128xf32>
    %mul3A_174 = arith.mulf %slice3A_168, %add3A_173 : vector<256x128xf32>
    %reduce_sum3A_175 = arith.constant dense<0.000000e+00> : vector<256xf32>
    %reduce_sum3A_176 = vector.multi_reduction <add>, %mul3A_174, %reduce_sum3A_175 [1] : vector<256x128xf32> to vector<256xf32>
    %broadcast_in_dim3A_177 = vector.shape_cast %reduce_sum3A_176 : vector<256xf32> to vector<256x1xf32>
    %convert_element_type3A_178 = arith.fptosi %broadcast_in_dim3A_177 : vector<256x1xf32> to vector<256x1xi32>
    %swap3A_179 = arith.constant 1280 : index
    %swap3A_180 = arith.constant 0 : index
    %swap3A_181 = vector.load %arg1[%swap3A_179, %swap3A_180] : memref<4096x1xi32, #tpu.memory_space<vmem>>, vector<256x1xi32>
    tpu.vector_store %arg1[%swap3A_179, %swap3A_180], %convert_element_type3A_178 {strides = array<i32>} : memref<4096x1xi32, #tpu.memory_space<vmem>>, vector<256x1xi32>,
    %reduce_sum3A_182 = arith.constant dense<0.000000e+00> : vector<128xf32>
    %reduce_sum3A_183 = vector.multi_reduction <add>, %slice3A_168, %reduce_sum3A_182 [0] : vector<256x128xf32> to vector<128xf32>
    %broadcast_in_dim3A_184 = vector.shape_cast %reduce_sum3A_183 : vector<128xf32> to vector<1x128xf32>
    %add3A_185 = arith.addf %add3A_167, %broadcast_in_dim3A_184 : vector<1x128xf32>
    %slice3A_186 = vector.extract_strided_slice %convert_element_type3A_30 {offsets = [1536, 0], sizes = [256, 128], strides = [1, 1]} : vector<4096x128xf32> to vector<256x128xf32>
    %dot_general3A_187 = arith.constant dense<0.000000e+00> : vector<256x128xf32>
    %dot_general3A_188 = tpu.matmul %convert_element_type3A_76, %slice3A_186, %dot_general3A_187 {dimension_numbers = #tpu.dot_dimension_numbers<[1], [0], [0], [1], [0, 0, 1, 1], [], []>, transpose_lhs_hint = false} : vector<256x256xf32>, vector<256x128xf32>, vector<256x128xf32> -> vector<256x128xf32>
    %add3A_189 = arith.addf %mul3A_72, %add3A_185 : vector<1x128xf32>
    %add3A_190 = vector.broadcast %add3A_189 : vector<1x128xf32> to vector<256x128xf32>
    %add3A_191 = arith.addf %add3A_190, %dot_general3A_188 : vector<256x128xf32>
    %mul3A_192 = arith.mulf %slice3A_186, %add3A_191 : vector<256x128xf32>
    %reduce_sum3A_193 = arith.constant dense<0.000000e+00> : vector<256xf32>
    %reduce_sum3A_194 = vector.multi_reduction <add>, %mul3A_192, %reduce_sum3A_193 [1] : vector<256x128xf32> to vector<256xf32>
    %broadcast_in_dim3A_195 = vector.shape_cast %reduce_sum3A_194 : vector<256xf32> to vector<256x1xf32>
    %convert_element_type3A_196 = arith.fptosi %broadcast_in_dim3A_195 : vector<256x1xf32> to vector<256x1xi32>
    %swap3A_197 = arith.constant 1536 : index
    %swap3A_198 = arith.constant 0 : index
    %swap3A_199 = vector.load %arg1[%swap3A_197, %swap3A_198] : memref<4096x1xi32, #tpu.memory_space<vmem>>, vector<256x1xi32>
    tpu.vector_store %arg1[%swap3A_197, %swap3A_198], %convert_element_type3A_196 {strides = array<i32>} : memref<4096x1xi32, #tpu.memory_space<vmem>>, vector<256x1xi32>,
    %reduce_sum3A_200 = arith.constant dense<0.000000e+00> : vector<128xf32>
    %reduce_sum3A_201 = vector.multi_reduction <add>, %slice3A_186, %reduce_sum3A_200 [0] : vector<256x128xf32> to vector<128xf32>
    %broadcast_in_dim3A_202 = vector.shape_cast %reduce_sum3A_201 : vector<128xf32> to vector<1x128xf32>
    %add3A_203 = arith.addf %add3A_185, %broadcast_in_dim3A_202 : vector<1x128xf32>
    %slice3A_204 = vector.extract_strided_slice %convert_element_type3A_30 {offsets = [1792, 0], sizes = [256, 128], strides = [1, 1]} : vector<4096x128xf32> to vector<256x128xf32>
    %dot_general3A_205 = arith.constant dense<0.000000e+00> : vector<256x128xf32>
    %dot_general3A_206 = tpu.matmul %convert_element_type3A_76, %slice3A_204, %dot_general3A_205 {dimension_numbers = #tpu.dot_dimension_numbers<[1], [0], [0], [1], [0, 0, 1, 1], [], []>, transpose_lhs_hint = false} : vector<256x256xf32>, vector<256x128xf32>, vector<256x128xf32> -> vector<256x128xf32>
    %add3A_207 = arith.addf %mul3A_72, %add3A_203 : vector<1x128xf32>
    %add3A_208 = vector.broadcast %add3A_207 : vector<1x128xf32> to vector<256x128xf32>
    %add3A_209 = arith.addf %add3A_208, %dot_general3A_206 : vector<256x128xf32>
    %mul3A_210 = arith.mulf %slice3A_204, %add3A_209 : vector<256x128xf32>
    %reduce_sum3A_211 = arith.constant dense<0.000000e+00> : vector<256xf32>
    %reduce_sum3A_212 = vector.multi_reduction <add>, %mul3A_210, %reduce_sum3A_211 [1] : vector<256x128xf32> to vector<256xf32>
    %broadcast_in_dim3A_213 = vector.shape_cast %reduce_sum3A_212 : vector<256xf32> to vector<256x1xf32>
    %convert_element_type3A_214 = arith.fptosi %broadcast_in_dim3A_213 : vector<256x1xf32> to vector<256x1xi32>
    %swap3A_215 = arith.constant 1792 : index
    %swap3A_216 = arith.constant 0 : index
    %swap3A_217 = vector.load %arg1[%swap3A_215, %swap3A_216] : memref<4096x1xi32, #tpu.memory_space<vmem>>, vector<256x1xi32>
    tpu.vector_store %arg1[%swap3A_215, %swap3A_216], %convert_element_type3A_214 {strides = array<i32>} : memref<4096x1xi32, #tpu.memory_space<vmem>>, vector<256x1xi32>,
    %reduce_sum3A_218 = arith.constant dense<0.000000e+00> : vector<128xf32>
    %reduce_sum3A_219 = vector.multi_reduction <add>, %slice3A_204, %reduce_sum3A_218 [0] : vector<256x128xf32> to vector<128xf32>
    %broadcast_in_dim3A_220 = vector.shape_cast %reduce_sum3A_219 : vector<128xf32> to vector<1x128xf32>
    %add3A_221 = arith.addf %add3A_203, %broadcast_in_dim3A_220 : vector<1x128xf32>
    %slice3A_222 = vector.extract_strided_slice %convert_element_type3A_30 {offsets = [2048, 0], sizes = [256, 128], strides = [1, 1]} : vector<4096x128xf32> to vector<256x128xf32>
    %dot_general3A_223 = arith.constant dense<0.000000e+00> : vector<256x128xf32>
    %dot_general3A_224 = tpu.matmul %convert_element_type3A_76, %slice3A_222, %dot_general3A_223 {dimension_numbers = #tpu.dot_dimension_numbers<[1], [0], [0], [1], [0, 0, 1, 1], [], []>, transpose_lhs_hint = false} : vector<256x256xf32>, vector<256x128xf32>, vector<256x128xf32> -> vector<256x128xf32>
    %add3A_225 = arith.addf %mul3A_72, %add3A_221 : vector<1x128xf32>
    %add3A_226 = vector.broadcast %add3A_225 : vector<1x128xf32> to vector<256x128xf32>
    %add3A_227 = arith.addf %add3A_226, %dot_general3A_224 : vector<256x128xf32>
    %mul3A_228 = arith.mulf %slice3A_222, %add3A_227 : vector<256x128xf32>
    %reduce_sum3A_229 = arith.constant dense<0.000000e+00> : vector<256xf32>
    %reduce_sum3A_230 = vector.multi_reduction <add>, %mul3A_228, %reduce_sum3A_229 [1] : vector<256x128xf32> to vector<256xf32>
    %broadcast_in_dim3A_231 = vector.shape_cast %reduce_sum3A_230 : vector<256xf32> to vector<256x1xf32>
    %convert_element_type3A_232 = arith.fptosi %broadcast_in_dim3A_231 : vector<256x1xf32> to vector<256x1xi32>
    %swap3A_233 = arith.constant 2048 : index
    %swap3A_234 = arith.constant 0 : index
    %swap3A_235 = vector.load %arg1[%swap3A_233, %swap3A_234] : memref<4096x1xi32, #tpu.memory_space<vmem>>, vector<256x1xi32>
    tpu.vector_store %arg1[%swap3A_233, %swap3A_234], %convert_element_type3A_232 {strides = array<i32>} : memref<4096x1xi32, #tpu.memory_space<vmem>>, vector<256x1xi32>,
    %reduce_sum3A_236 = arith.constant dense<0.000000e+00> : vector<128xf32>
    %reduce_sum3A_237 = vector.multi_reduction <add>, %slice3A_222, %reduce_sum3A_236 [0] : vector<256x128xf32> to vector<128xf32>
    %broadcast_in_dim3A_238 = vector.shape_cast %reduce_sum3A_237 : vector<128xf32> to vector<1x128xf32>
    %add3A_239 = arith.addf %add3A_221, %broadcast_in_dim3A_238 : vector<1x128xf32>
    %slice3A_240 = vector.extract_strided_slice %convert_element_type3A_30 {offsets = [2304, 0], sizes = [256, 128], strides = [1, 1]} : vector<4096x128xf32> to vector<256x128xf32>
    %dot_general3A_241 = arith.constant dense<0.000000e+00> : vector<256x128xf32>
    %dot_general3A_242 = tpu.matmul %convert_element_type3A_76, %slice3A_240, %dot_general3A_241 {dimension_numbers = #tpu.dot_dimension_numbers<[1], [0], [0], [1], [0, 0, 1, 1], [], []>, transpose_lhs_hint = false} : vector<256x256xf32>, vector<256x128xf32>, vector<256x128xf32> -> vector<256x128xf32>
    %add3A_243 = arith.addf %mul3A_72, %add3A_239 : vector<1x128xf32>
    %add3A_244 = vector.broadcast %add3A_243 : vector<1x128xf32> to vector<256x128xf32>
    %add3A_245 = arith.addf %add3A_244, %dot_general3A_242 : vector<256x128xf32>
    %mul3A_246 = arith.mulf %slice3A_240, %add3A_245 : vector<256x128xf32>
    %reduce_sum3A_247 = arith.constant dense<0.000000e+00> : vector<256xf32>
    %reduce_sum3A_248 = vector.multi_reduction <add>, %mul3A_246, %reduce_sum3A_247 [1] : vector<256x128xf32> to vector<256xf32>
    %broadcast_in_dim3A_249 = vector.shape_cast %reduce_sum3A_248 : vector<256xf32> to vector<256x1xf32>
    %convert_element_type3A_250 = arith.fptosi %broadcast_in_dim3A_249 : vector<256x1xf32> to vector<256x1xi32>
    %swap3A_251 = arith.constant 2304 : index
    %swap3A_252 = arith.constant 0 : index
    %swap3A_253 = vector.load %arg1[%swap3A_251, %swap3A_252] : memref<4096x1xi32, #tpu.memory_space<vmem>>, vector<256x1xi32>
    tpu.vector_store %arg1[%swap3A_251, %swap3A_252], %convert_element_type3A_250 {strides = array<i32>} : memref<4096x1xi32, #tpu.memory_space<vmem>>, vector<256x1xi32>,
    %reduce_sum3A_254 = arith.constant dense<0.000000e+00> : vector<128xf32>
    %reduce_sum3A_255 = vector.multi_reduction <add>, %slice3A_240, %reduce_sum3A_254 [0] : vector<256x128xf32> to vector<128xf32>
    %broadcast_in_dim3A_256 = vector.shape_cast %reduce_sum3A_255 : vector<128xf32> to vector<1x128xf32>
    %add3A_257 = arith.addf %add3A_239, %broadcast_in_dim3A_256 : vector<1x128xf32>
    %slice3A_258 = vector.extract_strided_slice %convert_element_type3A_30 {offsets = [2560, 0], sizes = [256, 128], strides = [1, 1]} : vector<4096x128xf32> to vector<256x128xf32>
    %dot_general3A_259 = arith.constant dense<0.000000e+00> : vector<256x128xf32>
    %dot_general3A_260 = tpu.matmul %convert_element_type3A_76, %slice3A_258, %dot_general3A_259 {dimension_numbers = #tpu.dot_dimension_numbers<[1], [0], [0], [1], [0, 0, 1, 1], [], []>, transpose_lhs_hint = false} : vector<256x256xf32>, vector<256x128xf32>, vector<256x128xf32> -> vector<256x128xf32>
    %add3A_261 = arith.addf %mul3A_72, %add3A_257 : vector<1x128xf32>
    %add3A_262 = vector.broadcast %add3A_261 : vector<1x128xf32> to vector<256x128xf32>
    %add3A_263 = arith.addf %add3A_262, %dot_general3A_260 : vector<256x128xf32>
    %mul3A_264 = arith.mulf %slice3A_258, %add3A_263 : vector<256x128xf32>
    %reduce_sum3A_265 = arith.constant dense<0.000000e+00> : vector<256xf32>
    %reduce_sum3A_266 = vector.multi_reduction <add>, %mul3A_264, %reduce_sum3A_265 [1] : vector<256x128xf32> to vector<256xf32>
    %broadcast_in_dim3A_267 = vector.shape_cast %reduce_sum3A_266 : vector<256xf32> to vector<256x1xf32>
    %convert_element_type3A_268 = arith.fptosi %broadcast_in_dim3A_267 : vector<256x1xf32> to vector<256x1xi32>
    %swap3A_269 = arith.constant 2560 : index
    %swap3A_270 = arith.constant 0 : index
    %swap3A_271 = vector.load %arg1[%swap3A_269, %swap3A_270] : memref<4096x1xi32, #tpu.memory_space<vmem>>, vector<256x1xi32>
    tpu.vector_store %arg1[%swap3A_269, %swap3A_270], %convert_element_type3A_268 {strides = array<i32>} : memref<4096x1xi32, #tpu.memory_space<vmem>>, vector<256x1xi32>,
    %reduce_sum3A_272 = arith.constant dense<0.000000e+00> : vector<128xf32>
    %reduce_sum3A_273 = vector.multi_reduction <add>, %slice3A_258, %reduce_sum3A_272 [0] : vector<256x128xf32> to vector<128xf32>
    %broadcast_in_dim3A_274 = vector.shape_cast %reduce_sum3A_273 : vector<128xf32> to vector<1x128xf32>
    %add3A_275 = arith.addf %add3A_257, %broadcast_in_dim3A_274 : vector<1x128xf32>
    %slice3A_276 = vector.extract_strided_slice %convert_element_type3A_30 {offsets = [2816, 0], sizes = [256, 128], strides = [1, 1]} : vector<4096x128xf32> to vector<256x128xf32>
    %dot_general3A_277 = arith.constant dense<0.000000e+00> : vector<256x128xf32>
    %dot_general3A_278 = tpu.matmul %convert_element_type3A_76, %slice3A_276, %dot_general3A_277 {dimension_numbers = #tpu.dot_dimension_numbers<[1], [0], [0], [1], [0, 0, 1, 1], [], []>, transpose_lhs_hint = false} : vector<256x256xf32>, vector<256x128xf32>, vector<256x128xf32> -> vector<256x128xf32>
    %add3A_279 = arith.addf %mul3A_72, %add3A_275 : vector<1x128xf32>
    %add3A_280 = vector.broadcast %add3A_279 : vector<1x128xf32> to vector<256x128xf32>
    %add3A_281 = arith.addf %add3A_280, %dot_general3A_278 : vector<256x128xf32>
    %mul3A_282 = arith.mulf %slice3A_276, %add3A_281 : vector<256x128xf32>
    %reduce_sum3A_283 = arith.constant dense<0.000000e+00> : vector<256xf32>
    %reduce_sum3A_284 = vector.multi_reduction <add>, %mul3A_282, %reduce_sum3A_283 [1] : vector<256x128xf32> to vector<256xf32>
    %broadcast_in_dim3A_285 = vector.shape_cast %reduce_sum3A_284 : vector<256xf32> to vector<256x1xf32>
    %convert_element_type3A_286 = arith.fptosi %broadcast_in_dim3A_285 : vector<256x1xf32> to vector<256x1xi32>
    %swap3A_287 = arith.constant 2816 : index
    %swap3A_288 = arith.constant 0 : index
    %swap3A_289 = vector.load %arg1[%swap3A_287, %swap3A_288] : memref<4096x1xi32, #tpu.memory_space<vmem>>, vector<256x1xi32>
    tpu.vector_store %arg1[%swap3A_287, %swap3A_288], %convert_element_type3A_286 {strides = array<i32>} : memref<4096x1xi32, #tpu.memory_space<vmem>>, vector<256x1xi32>,
    %reduce_sum3A_290 = arith.constant dense<0.000000e+00> : vector<128xf32>
    %reduce_sum3A_291 = vector.multi_reduction <add>, %slice3A_276, %reduce_sum3A_290 [0] : vector<256x128xf32> to vector<128xf32>
    %broadcast_in_dim3A_292 = vector.shape_cast %reduce_sum3A_291 : vector<128xf32> to vector<1x128xf32>
    %add3A_293 = arith.addf %add3A_275, %broadcast_in_dim3A_292 : vector<1x128xf32>
    %slice3A_294 = vector.extract_strided_slice %convert_element_type3A_30 {offsets = [3072, 0], sizes = [256, 128], strides = [1, 1]} : vector<4096x128xf32> to vector<256x128xf32>
    %dot_general3A_295 = arith.constant dense<0.000000e+00> : vector<256x128xf32>
    %dot_general3A_296 = tpu.matmul %convert_element_type3A_76, %slice3A_294, %dot_general3A_295 {dimension_numbers = #tpu.dot_dimension_numbers<[1], [0], [0], [1], [0, 0, 1, 1], [], []>, transpose_lhs_hint = false} : vector<256x256xf32>, vector<256x128xf32>, vector<256x128xf32> -> vector<256x128xf32>
    %add3A_297 = arith.addf %mul3A_72, %add3A_293 : vector<1x128xf32>
    %add3A_298 = vector.broadcast %add3A_297 : vector<1x128xf32> to vector<256x128xf32>
    %add3A_299 = arith.addf %add3A_298, %dot_general3A_296 : vector<256x128xf32>
    %mul3A_300 = arith.mulf %slice3A_294, %add3A_299 : vector<256x128xf32>
    %reduce_sum3A_301 = arith.constant dense<0.000000e+00> : vector<256xf32>
    %reduce_sum3A_302 = vector.multi_reduction <add>, %mul3A_300, %reduce_sum3A_301 [1] : vector<256x128xf32> to vector<256xf32>
    %broadcast_in_dim3A_303 = vector.shape_cast %reduce_sum3A_302 : vector<256xf32> to vector<256x1xf32>
    %convert_element_type3A_304 = arith.fptosi %broadcast_in_dim3A_303 : vector<256x1xf32> to vector<256x1xi32>
    %swap3A_305 = arith.constant 3072 : index
    %swap3A_306 = arith.constant 0 : index
    %swap3A_307 = vector.load %arg1[%swap3A_305, %swap3A_306] : memref<4096x1xi32, #tpu.memory_space<vmem>>, vector<256x1xi32>
    tpu.vector_store %arg1[%swap3A_305, %swap3A_306], %convert_element_type3A_304 {strides = array<i32>} : memref<4096x1xi32, #tpu.memory_space<vmem>>, vector<256x1xi32>,
    %reduce_sum3A_308 = arith.constant dense<0.000000e+00> : vector<128xf32>
    %reduce_sum3A_309 = vector.multi_reduction <add>, %slice3A_294, %reduce_sum3A_308 [0] : vector<256x128xf32> to vector<128xf32>
    %broadcast_in_dim3A_310 = vector.shape_cast %reduce_sum3A_309 : vector<128xf32> to vector<1x128xf32>
    %add3A_311 = arith.addf %add3A_293, %broadcast_in_dim3A_310 : vector<1x128xf32>
    %slice3A_312 = vector.extract_strided_slice %convert_element_type3A_30 {offsets = [3328, 0], sizes = [256, 128], strides = [1, 1]} : vector<4096x128xf32> to vector<256x128xf32>
    %dot_general3A_313 = arith.constant dense<0.000000e+00> : vector<256x128xf32>
    %dot_general3A_314 = tpu.matmul %convert_element_type3A_76, %slice3A_312, %dot_general3A_313 {dimension_numbers = #tpu.dot_dimension_numbers<[1], [0], [0], [1], [0, 0, 1, 1], [], []>, transpose_lhs_hint = false} : vector<256x256xf32>, vector<256x128xf32>, vector<256x128xf32> -> vector<256x128xf32>
    %add3A_315 = arith.addf %mul3A_72, %add3A_311 : vector<1x128xf32>
    %add3A_316 = vector.broadcast %add3A_315 : vector<1x128xf32> to vector<256x128xf32>
    %add3A_317 = arith.addf %add3A_316, %dot_general3A_314 : vector<256x128xf32>
    %mul3A_318 = arith.mulf %slice3A_312, %add3A_317 : vector<256x128xf32>
    %reduce_sum3A_319 = arith.constant dense<0.000000e+00> : vector<256xf32>
    %reduce_sum3A_320 = vector.multi_reduction <add>, %mul3A_318, %reduce_sum3A_319 [1] : vector<256x128xf32> to vector<256xf32>
    %broadcast_in_dim3A_321 = vector.shape_cast %reduce_sum3A_320 : vector<256xf32> to vector<256x1xf32>
    %convert_element_type3A_322 = arith.fptosi %broadcast_in_dim3A_321 : vector<256x1xf32> to vector<256x1xi32>
    %swap3A_323 = arith.constant 3328 : index
    %swap3A_324 = arith.constant 0 : index
    %swap3A_325 = vector.load %arg1[%swap3A_323, %swap3A_324] : memref<4096x1xi32, #tpu.memory_space<vmem>>, vector<256x1xi32>
    tpu.vector_store %arg1[%swap3A_323, %swap3A_324], %convert_element_type3A_322 {strides = array<i32>} : memref<4096x1xi32, #tpu.memory_space<vmem>>, vector<256x1xi32>,
    %reduce_sum3A_326 = arith.constant dense<0.000000e+00> : vector<128xf32>
    %reduce_sum3A_327 = vector.multi_reduction <add>, %slice3A_312, %reduce_sum3A_326 [0] : vector<256x128xf32> to vector<128xf32>
    %broadcast_in_dim3A_328 = vector.shape_cast %reduce_sum3A_327 : vector<128xf32> to vector<1x128xf32>
    %add3A_329 = arith.addf %add3A_311, %broadcast_in_dim3A_328 : vector<1x128xf32>
    %slice3A_330 = vector.extract_strided_slice %convert_element_type3A_30 {offsets = [3584, 0], sizes = [256, 128], strides = [1, 1]} : vector<4096x128xf32> to vector<256x128xf32>
    %dot_general3A_331 = arith.constant dense<0.000000e+00> : vector<256x128xf32>
    %dot_general3A_332 = tpu.matmul %convert_element_type3A_76, %slice3A_330, %dot_general3A_331 {dimension_numbers = #tpu.dot_dimension_numbers<[1], [0], [0], [1], [0, 0, 1, 1], [], []>, transpose_lhs_hint = false} : vector<256x256xf32>, vector<256x128xf32>, vector<256x128xf32> -> vector<256x128xf32>
    %add3A_333 = arith.addf %mul3A_72, %add3A_329 : vector<1x128xf32>
    %add3A_334 = vector.broadcast %add3A_333 : vector<1x128xf32> to vector<256x128xf32>
    %add3A_335 = arith.addf %add3A_334, %dot_general3A_332 : vector<256x128xf32>
    %mul3A_336 = arith.mulf %slice3A_330, %add3A_335 : vector<256x128xf32>
    %reduce_sum3A_337 = arith.constant dense<0.000000e+00> : vector<256xf32>
    %reduce_sum3A_338 = vector.multi_reduction <add>, %mul3A_336, %reduce_sum3A_337 [1] : vector<256x128xf32> to vector<256xf32>
    %broadcast_in_dim3A_339 = vector.shape_cast %reduce_sum3A_338 : vector<256xf32> to vector<256x1xf32>
    %convert_element_type3A_340 = arith.fptosi %broadcast_in_dim3A_339 : vector<256x1xf32> to vector<256x1xi32>
    %swap3A_341 = arith.constant 3584 : index
    %swap3A_342 = arith.constant 0 : index
    %swap3A_343 = vector.load %arg1[%swap3A_341, %swap3A_342] : memref<4096x1xi32, #tpu.memory_space<vmem>>, vector<256x1xi32>
    tpu.vector_store %arg1[%swap3A_341, %swap3A_342], %convert_element_type3A_340 {strides = array<i32>} : memref<4096x1xi32, #tpu.memory_space<vmem>>, vector<256x1xi32>,
    %reduce_sum3A_344 = arith.constant dense<0.000000e+00> : vector<128xf32>
    %reduce_sum3A_345 = vector.multi_reduction <add>, %slice3A_330, %reduce_sum3A_344 [0] : vector<256x128xf32> to vector<128xf32>
    %broadcast_in_dim3A_346 = vector.shape_cast %reduce_sum3A_345 : vector<128xf32> to vector<1x128xf32>
    %add3A_347 = arith.addf %add3A_329, %broadcast_in_dim3A_346 : vector<1x128xf32>
    %slice3A_348 = vector.extract_strided_slice %convert_element_type3A_30 {offsets = [3840, 0], sizes = [256, 128], strides = [1, 1]} : vector<4096x128xf32> to vector<256x128xf32>
    %dot_general3A_349 = arith.constant dense<0.000000e+00> : vector<256x128xf32>
    %dot_general3A_350 = tpu.matmul %convert_element_type3A_76, %slice3A_348, %dot_general3A_349 {dimension_numbers = #tpu.dot_dimension_numbers<[1], [0], [0], [1], [0, 0, 1, 1], [], []>, transpose_lhs_hint = false} : vector<256x256xf32>, vector<256x128xf32>, vector<256x128xf32> -> vector<256x128xf32>
    %add3A_351 = arith.addf %mul3A_72, %add3A_347 : vector<1x128xf32>
    %add3A_352 = vector.broadcast %add3A_351 : vector<1x128xf32> to vector<256x128xf32>
    %add3A_353 = arith.addf %add3A_352, %dot_general3A_350 : vector<256x128xf32>
    %mul3A_354 = arith.mulf %slice3A_348, %add3A_353 : vector<256x128xf32>
    %reduce_sum3A_355 = arith.constant dense<0.000000e+00> : vector<256xf32>
    %reduce_sum3A_356 = vector.multi_reduction <add>, %mul3A_354, %reduce_sum3A_355 [1] : vector<256x128xf32> to vector<256xf32>
    %broadcast_in_dim3A_357 = vector.shape_cast %reduce_sum3A_356 : vector<256xf32> to vector<256x1xf32>
    %convert_element_type3A_358 = arith.fptosi %broadcast_in_dim3A_357 : vector<256x1xf32> to vector<256x1xi32>
    %swap3A_359 = arith.constant 3840 : index
    %swap3A_360 = arith.constant 0 : index
    %swap3A_361 = vector.load %arg1[%swap3A_359, %swap3A_360] : memref<4096x1xi32, #tpu.memory_space<vmem>>, vector<256x1xi32>
    tpu.vector_store %arg1[%swap3A_359, %swap3A_360], %convert_element_type3A_358 {strides = array<i32>} : memref<4096x1xi32, #tpu.memory_space<vmem>>, vector<256x1xi32>,
    return
  }
}

module attributes {stable_mosaic.version = 14 : i64} {
  func.func @_ffn_body(%arg0: i32, %arg1: i32, %arg2: memref<8xi32, #tpu.memory_space<smem>>, %arg3: memref<256x1024xf32, #tpu.memory_space<vmem>>, %arg4: memref<1x2048x1024xf32, #tpu.memory_space<vmem>>, %arg5: memref<1x1x2048xf32, #tpu.memory_space<vmem>>, %arg6: memref<1x1024x2048xf32, #tpu.memory_space<vmem>>, %arg7: memref<1x1x1024xf32, #tpu.memory_space<vmem>>, %arg8: memref<256x1024xf32, #tpu.memory_space<vmem>>, %arg9: memref<6144x1024xf32, #tpu.memory_space<vmem>>) attributes {dimension_semantics = [#tpu.dimension_semantics<arbitrary>, #tpu.dimension_semantics<arbitrary>], iteration_bounds = array<i64: 2, 24>, scalar_prefetch = 1 : i64, scratch_operands = 1 : i64, tpu.core_type = #tpu.core_type<tc>, window_params = [{transform_indices = @transform_0, window_bounds = array<i64: 256, 1024>}, {transform_indices = @transform_1, window_bounds = array<i64: 1, 2048, 1024>}, {transform_indices = @transform_2, window_bounds = array<i64: 1, 1, 2048>}, {transform_indices = @transform_3, window_bounds = array<i64: 1, 1024, 2048>}, {transform_indices = @transform_4, window_bounds = array<i64: 1, 1, 1024>}, {transform_indices = @transform_5, window_bounds = array<i64: 256, 1024>}]} {
    %get3A = arith.constant 0 : index
    %get3A_0 = arith.constant 0 : index
    %get3A_1 = vector.load %arg3[%get3A, %get3A_0] : memref<256x1024xf32, #tpu.memory_space<vmem>>, vector<256x1024xf32>
    %get3A_2 = arith.constant 0 : index
    %get3A_3 = arith.constant 0 : index
    %get3A_4 = arith.constant 0 : index
    %get3A_5 = vector.load %arg4[%get3A_2, %get3A_3, %get3A_4] : memref<1x2048x1024xf32, #tpu.memory_space<vmem>>, vector<1x2048x1024xf32>
    %get3A_6 = vector.shape_cast %get3A_5 : vector<1x2048x1024xf32> to vector<2048x1024xf32>
    %dot_general3A = arith.constant dense<0.000000e+00> : vector<256x2048xf32>
    %dot_general3A_7 = tpu.matmul %get3A_1, %get3A_6, %dot_general3A {dimension_numbers = #tpu.dot_dimension_numbers<[1], [1], [0], [0], [0, 0, 1, 0], [], []>, transpose_lhs_hint = false} : vector<256x1024xf32>, vector<2048x1024xf32>, vector<256x2048xf32> -> vector<256x2048xf32>
    %get3A_8 = arith.constant 0 : index
    %get3A_9 = arith.constant 0 : index
    %get3A_10 = arith.constant 0 : index
    %get3A_11 = vector.load %arg5[%get3A_8, %get3A_9, %get3A_10] : memref<1x1x2048xf32, #tpu.memory_space<vmem>>, vector<1x1x2048xf32>
    %get3A_12 = vector.shape_cast %get3A_11 : vector<1x1x2048xf32> to vector<1x2048xf32>
    %add3A = vector.broadcast %get3A_12 : vector<1x2048xf32> to vector<256x2048xf32>
    %add3A_13 = arith.addf %dot_general3A_7, %add3A : vector<256x2048xf32>
    %mul3A = arith.constant 5.000000e-01 : f32
    %mul3A_14 = vector.broadcast %mul3A : f32 to vector<256x2048xf32>
    %mul3A_15 = arith.mulf %mul3A_14, %add3A_13 : vector<256x2048xf32>
    %mul3A_16 = arith.constant 0.707106769 : f32
    %mul3A_17 = vector.broadcast %mul3A_16 : f32 to vector<256x2048xf32>
    %mul3A_18 = arith.mulf %add3A_13, %mul3A_17 : vector<256x2048xf32>
    %erf3A = math.erf %mul3A_18 : vector<256x2048xf32>
    %add3A_19 = arith.constant 1.000000e+00 : f32
    %add3A_20 = vector.broadcast %add3A_19 : f32 to vector<256x2048xf32>
    %add3A_21 = arith.addf %add3A_20, %erf3A : vector<256x2048xf32>
    %mul3A_22 = arith.mulf %mul3A_15, %add3A_21 : vector<256x2048xf32>
    %get3A_23 = arith.constant 0 : index
    %get3A_24 = arith.constant 0 : index
    %get3A_25 = arith.constant 0 : index
    %get3A_26 = vector.load %arg6[%get3A_23, %get3A_24, %get3A_25] : memref<1x1024x2048xf32, #tpu.memory_space<vmem>>, vector<1x1024x2048xf32>
    %get3A_27 = vector.shape_cast %get3A_26 : vector<1x1024x2048xf32> to vector<1024x2048xf32>
    %dot_general3A_28 = arith.constant dense<0.000000e+00> : vector<256x1024xf32>
    %dot_general3A_29 = tpu.matmul %mul3A_22, %get3A_27, %dot_general3A_28 {dimension_numbers = #tpu.dot_dimension_numbers<[1], [1], [0], [0], [0, 0, 1, 0], [], []>, transpose_lhs_hint = false} : vector<256x2048xf32>, vector<1024x2048xf32>, vector<256x1024xf32> -> vector<256x1024xf32>
    %mul3A_30 = arith.constant 256 : i32
    %mul3A_31 = arith.muli %arg1, %mul3A_30 : i32
    %eq3A = arith.constant 0 : i32
    %eq3A_32 = arith.cmpi eq, %arg0, %eq3A : i32
    %convert_element_type3A = arith.extui %eq3A_32 : i1 to i32
    %cond3A = arith.constant 0 : i32
    %cond3A_33 = arith.cmpi ne, %convert_element_type3A, %cond3A : i32
    scf.if %cond3A_33 {
      %swap3A = arith.index_cast %mul3A_31 : i32 to index
      %swap3A_39 = arith.constant 0 : index
      %swap3A_40 = vector.load %arg9[%swap3A, %swap3A_39] : memref<6144x1024xf32, #tpu.memory_space<vmem>>, vector<256x1024xf32>
      tpu.vector_store %arg9[%swap3A, %swap3A_39], %dot_general3A_29 {strides = array<i32>} : memref<6144x1024xf32, #tpu.memory_space<vmem>>, vector<256x1024xf32>,
    } else {
    }
    %eq3A_34 = arith.constant 1 : i32
    %eq3A_35 = arith.cmpi eq, %arg0, %eq3A_34 : i32
    %convert_element_type3A_36 = arith.extui %eq3A_35 : i1 to i32
    %cond3A_37 = arith.constant 0 : i32
    %cond3A_38 = arith.cmpi ne, %convert_element_type3A_36, %cond3A_37 : i32
    scf.if %cond3A_38 {
      %get3A_39 = arith.index_cast %mul3A_31 : i32 to index
      %get3A_40 = arith.constant 0 : index
      %get3A_41 = vector.load %arg9[%get3A_39, %get3A_40] : memref<6144x1024xf32, #tpu.memory_space<vmem>>, vector<256x1024xf32>
      %add3A_42 = arith.addf %get3A_41, %dot_general3A_29 : vector<256x1024xf32>
      %get3A_43 = arith.constant 0 : index
      %get3A_44 = arith.constant 0 : index
      %get3A_45 = arith.constant 0 : index
      %get3A_46 = vector.load %arg7[%get3A_43, %get3A_44, %get3A_45] : memref<1x1x1024xf32, #tpu.memory_space<vmem>>, vector<1x1x1024xf32>
      %get3A_47 = vector.shape_cast %get3A_46 : vector<1x1x1024xf32> to vector<1x1024xf32>
      %add3A_48 = vector.broadcast %get3A_47 : vector<1x1024xf32> to vector<256x1024xf32>
      %add3A_49 = arith.addf %add3A_42, %add3A_48 : vector<256x1024xf32>
      %swap3A = arith.constant 0 : index
      %swap3A_50 = arith.constant 0 : index
      %swap3A_51 = vector.load %arg8[%swap3A, %swap3A_50] : memref<256x1024xf32, #tpu.memory_space<vmem>>, vector<256x1024xf32>
      tpu.vector_store %arg8[%swap3A, %swap3A_50], %add3A_49 {strides = array<i32>} : memref<256x1024xf32, #tpu.memory_space<vmem>>, vector<256x1024xf32>,
    } else {
    }
    return
  }
  func.func @transform_0(%arg0: i32, %arg1: i32, %arg2: memref<8xi32, #tpu.memory_space<smem>>) -> (i32, i32) {
    %c0_i32 = arith.constant 0 : i32
    %c0_i32_0 = arith.constant 0 : i32
    return %arg1, %c0_i32 : i32, i32
  }
  func.func @transform_1(%arg0: i32, %arg1: i32, %arg2: memref<8xi32, #tpu.memory_space<smem>>) -> (i32, i32, i32) {
    %get3A = arith.constant 1 : index
    %get3A_0 = memref.load %arg2[%get3A] : memref<8xi32, #tpu.memory_space<smem>>
    %ge3A = arith.cmpi sge, %arg1, %get3A_0 : i32
    %convert_element_type3A = arith.extui %ge3A : i1 to i32
    %add3A = arith.constant 0 : i32
    %add3A_1 = arith.addi %add3A, %convert_element_type3A : i32
    %get3A_2 = arith.constant 2 : index
    %get3A_3 = memref.load %arg2[%get3A_2] : memref<8xi32, #tpu.memory_space<smem>>
    %ge3A_4 = arith.cmpi sge, %arg1, %get3A_3 : i32
    %convert_element_type3A_5 = arith.extui %ge3A_4 : i1 to i32
    %add3A_6 = arith.addi %add3A_1, %convert_element_type3A_5 : i32
    %get3A_7 = arith.constant 3 : index
    %get3A_8 = memref.load %arg2[%get3A_7] : memref<8xi32, #tpu.memory_space<smem>>
    %ge3A_9 = arith.cmpi sge, %arg1, %get3A_8 : i32
    %convert_element_type3A_10 = arith.extui %ge3A_9 : i1 to i32
    %add3A_11 = arith.addi %add3A_6, %convert_element_type3A_10 : i32
    %get3A_12 = arith.constant 4 : index
    %get3A_13 = memref.load %arg2[%get3A_12] : memref<8xi32, #tpu.memory_space<smem>>
    %ge3A_14 = arith.cmpi sge, %arg1, %get3A_13 : i32
    %convert_element_type3A_15 = arith.extui %ge3A_14 : i1 to i32
    %add3A_16 = arith.addi %add3A_11, %convert_element_type3A_15 : i32
    %get3A_17 = arith.constant 5 : index
    %get3A_18 = memref.load %arg2[%get3A_17] : memref<8xi32, #tpu.memory_space<smem>>
    %ge3A_19 = arith.cmpi sge, %arg1, %get3A_18 : i32
    %convert_element_type3A_20 = arith.extui %ge3A_19 : i1 to i32
    %add3A_21 = arith.addi %add3A_16, %convert_element_type3A_20 : i32
    %get3A_22 = arith.constant 6 : index
    %get3A_23 = memref.load %arg2[%get3A_22] : memref<8xi32, #tpu.memory_space<smem>>
    %ge3A_24 = arith.cmpi sge, %arg1, %get3A_23 : i32
    %convert_element_type3A_25 = arith.extui %ge3A_24 : i1 to i32
    %add3A_26 = arith.addi %add3A_21, %convert_element_type3A_25 : i32
    %get3A_27 = arith.constant 7 : index
    %get3A_28 = memref.load %arg2[%get3A_27] : memref<8xi32, #tpu.memory_space<smem>>
    %ge3A_29 = arith.cmpi sge, %arg1, %get3A_28 : i32
    %convert_element_type3A_30 = arith.extui %ge3A_29 : i1 to i32
    %add3A_31 = arith.addi %add3A_26, %convert_element_type3A_30 : i32
    %c0_i32 = arith.constant 0 : i32
    %c0_i32_32 = arith.constant 0 : i32
    return %add3A_31, %arg0, %c0_i32 : i32, i32, i32
  }
  func.func @transform_2(%arg0: i32, %arg1: i32, %arg2: memref<8xi32, #tpu.memory_space<smem>>) -> (i32, i32, i32) {
    %get3A = arith.constant 1 : index
    %get3A_0 = memref.load %arg2[%get3A] : memref<8xi32, #tpu.memory_space<smem>>
    %ge3A = arith.cmpi sge, %arg1, %get3A_0 : i32
    %convert_element_type3A = arith.extui %ge3A : i1 to i32
    %add3A = arith.constant 0 : i32
    %add3A_1 = arith.addi %add3A, %convert_element_type3A : i32
    %get3A_2 = arith.constant 2 : index
    %get3A_3 = memref.load %arg2[%get3A_2] : memref<8xi32, #tpu.memory_space<smem>>
    %ge3A_4 = arith.cmpi sge, %arg1, %get3A_3 : i32
    %convert_element_type3A_5 = arith.extui %ge3A_4 : i1 to i32
    %add3A_6 = arith.addi %add3A_1, %convert_element_type3A_5 : i32
    %get3A_7 = arith.constant 3 : index
    %get3A_8 = memref.load %arg2[%get3A_7] : memref<8xi32, #tpu.memory_space<smem>>
    %ge3A_9 = arith.cmpi sge, %arg1, %get3A_8 : i32
    %convert_element_type3A_10 = arith.extui %ge3A_9 : i1 to i32
    %add3A_11 = arith.addi %add3A_6, %convert_element_type3A_10 : i32
    %get3A_12 = arith.constant 4 : index
    %get3A_13 = memref.load %arg2[%get3A_12] : memref<8xi32, #tpu.memory_space<smem>>
    %ge3A_14 = arith.cmpi sge, %arg1, %get3A_13 : i32
    %convert_element_type3A_15 = arith.extui %ge3A_14 : i1 to i32
    %add3A_16 = arith.addi %add3A_11, %convert_element_type3A_15 : i32
    %get3A_17 = arith.constant 5 : index
    %get3A_18 = memref.load %arg2[%get3A_17] : memref<8xi32, #tpu.memory_space<smem>>
    %ge3A_19 = arith.cmpi sge, %arg1, %get3A_18 : i32
    %convert_element_type3A_20 = arith.extui %ge3A_19 : i1 to i32
    %add3A_21 = arith.addi %add3A_16, %convert_element_type3A_20 : i32
    %get3A_22 = arith.constant 6 : index
    %get3A_23 = memref.load %arg2[%get3A_22] : memref<8xi32, #tpu.memory_space<smem>>
    %ge3A_24 = arith.cmpi sge, %arg1, %get3A_23 : i32
    %convert_element_type3A_25 = arith.extui %ge3A_24 : i1 to i32
    %add3A_26 = arith.addi %add3A_21, %convert_element_type3A_25 : i32
    %get3A_27 = arith.constant 7 : index
    %get3A_28 = memref.load %arg2[%get3A_27] : memref<8xi32, #tpu.memory_space<smem>>
    %ge3A_29 = arith.cmpi sge, %arg1, %get3A_28 : i32
    %convert_element_type3A_30 = arith.extui %ge3A_29 : i1 to i32
    %add3A_31 = arith.addi %add3A_26, %convert_element_type3A_30 : i32
    %c0_i32 = arith.constant 0 : i32
    %c0_i32_32 = arith.constant 0 : i32
    return %add3A_31, %c0_i32, %arg0 : i32, i32, i32
  }
  func.func @transform_3(%arg0: i32, %arg1: i32, %arg2: memref<8xi32, #tpu.memory_space<smem>>) -> (i32, i32, i32) {
    %get3A = arith.constant 1 : index
    %get3A_0 = memref.load %arg2[%get3A] : memref<8xi32, #tpu.memory_space<smem>>
    %ge3A = arith.cmpi sge, %arg1, %get3A_0 : i32
    %convert_element_type3A = arith.extui %ge3A : i1 to i32
    %add3A = arith.constant 0 : i32
    %add3A_1 = arith.addi %add3A, %convert_element_type3A : i32
    %get3A_2 = arith.constant 2 : index
    %get3A_3 = memref.load %arg2[%get3A_2] : memref<8xi32, #tpu.memory_space<smem>>
    %ge3A_4 = arith.cmpi sge, %arg1, %get3A_3 : i32
    %convert_element_type3A_5 = arith.extui %ge3A_4 : i1 to i32
    %add3A_6 = arith.addi %add3A_1, %convert_element_type3A_5 : i32
    %get3A_7 = arith.constant 3 : index
    %get3A_8 = memref.load %arg2[%get3A_7] : memref<8xi32, #tpu.memory_space<smem>>
    %ge3A_9 = arith.cmpi sge, %arg1, %get3A_8 : i32
    %convert_element_type3A_10 = arith.extui %ge3A_9 : i1 to i32
    %add3A_11 = arith.addi %add3A_6, %convert_element_type3A_10 : i32
    %get3A_12 = arith.constant 4 : index
    %get3A_13 = memref.load %arg2[%get3A_12] : memref<8xi32, #tpu.memory_space<smem>>
    %ge3A_14 = arith.cmpi sge, %arg1, %get3A_13 : i32
    %convert_element_type3A_15 = arith.extui %ge3A_14 : i1 to i32
    %add3A_16 = arith.addi %add3A_11, %convert_element_type3A_15 : i32
    %get3A_17 = arith.constant 5 : index
    %get3A_18 = memref.load %arg2[%get3A_17] : memref<8xi32, #tpu.memory_space<smem>>
    %ge3A_19 = arith.cmpi sge, %arg1, %get3A_18 : i32
    %convert_element_type3A_20 = arith.extui %ge3A_19 : i1 to i32
    %add3A_21 = arith.addi %add3A_16, %convert_element_type3A_20 : i32
    %get3A_22 = arith.constant 6 : index
    %get3A_23 = memref.load %arg2[%get3A_22] : memref<8xi32, #tpu.memory_space<smem>>
    %ge3A_24 = arith.cmpi sge, %arg1, %get3A_23 : i32
    %convert_element_type3A_25 = arith.extui %ge3A_24 : i1 to i32
    %add3A_26 = arith.addi %add3A_21, %convert_element_type3A_25 : i32
    %get3A_27 = arith.constant 7 : index
    %get3A_28 = memref.load %arg2[%get3A_27] : memref<8xi32, #tpu.memory_space<smem>>
    %ge3A_29 = arith.cmpi sge, %arg1, %get3A_28 : i32
    %convert_element_type3A_30 = arith.extui %ge3A_29 : i1 to i32
    %add3A_31 = arith.addi %add3A_26, %convert_element_type3A_30 : i32
    %c0_i32 = arith.constant 0 : i32
    %c0_i32_32 = arith.constant 0 : i32
    return %add3A_31, %c0_i32, %arg0 : i32, i32, i32
  }
  func.func @transform_4(%arg0: i32, %arg1: i32, %arg2: memref<8xi32, #tpu.memory_space<smem>>) -> (i32, i32, i32) {
    %get3A = arith.constant 1 : index
    %get3A_0 = memref.load %arg2[%get3A] : memref<8xi32, #tpu.memory_space<smem>>
    %ge3A = arith.cmpi sge, %arg1, %get3A_0 : i32
    %convert_element_type3A = arith.extui %ge3A : i1 to i32
    %add3A = arith.constant 0 : i32
    %add3A_1 = arith.addi %add3A, %convert_element_type3A : i32
    %get3A_2 = arith.constant 2 : index
    %get3A_3 = memref.load %arg2[%get3A_2] : memref<8xi32, #tpu.memory_space<smem>>
    %ge3A_4 = arith.cmpi sge, %arg1, %get3A_3 : i32
    %convert_element_type3A_5 = arith.extui %ge3A_4 : i1 to i32
    %add3A_6 = arith.addi %add3A_1, %convert_element_type3A_5 : i32
    %get3A_7 = arith.constant 3 : index
    %get3A_8 = memref.load %arg2[%get3A_7] : memref<8xi32, #tpu.memory_space<smem>>
    %ge3A_9 = arith.cmpi sge, %arg1, %get3A_8 : i32
    %convert_element_type3A_10 = arith.extui %ge3A_9 : i1 to i32
    %add3A_11 = arith.addi %add3A_6, %convert_element_type3A_10 : i32
    %get3A_12 = arith.constant 4 : index
    %get3A_13 = memref.load %arg2[%get3A_12] : memref<8xi32, #tpu.memory_space<smem>>
    %ge3A_14 = arith.cmpi sge, %arg1, %get3A_13 : i32
    %convert_element_type3A_15 = arith.extui %ge3A_14 : i1 to i32
    %add3A_16 = arith.addi %add3A_11, %convert_element_type3A_15 : i32
    %get3A_17 = arith.constant 5 : index
    %get3A_18 = memref.load %arg2[%get3A_17] : memref<8xi32, #tpu.memory_space<smem>>
    %ge3A_19 = arith.cmpi sge, %arg1, %get3A_18 : i32
    %convert_element_type3A_20 = arith.extui %ge3A_19 : i1 to i32
    %add3A_21 = arith.addi %add3A_16, %convert_element_type3A_20 : i32
    %get3A_22 = arith.constant 6 : index
    %get3A_23 = memref.load %arg2[%get3A_22] : memref<8xi32, #tpu.memory_space<smem>>
    %ge3A_24 = arith.cmpi sge, %arg1, %get3A_23 : i32
    %convert_element_type3A_25 = arith.extui %ge3A_24 : i1 to i32
    %add3A_26 = arith.addi %add3A_21, %convert_element_type3A_25 : i32
    %get3A_27 = arith.constant 7 : index
    %get3A_28 = memref.load %arg2[%get3A_27] : memref<8xi32, #tpu.memory_space<smem>>
    %ge3A_29 = arith.cmpi sge, %arg1, %get3A_28 : i32
    %convert_element_type3A_30 = arith.extui %ge3A_29 : i1 to i32
    %add3A_31 = arith.addi %add3A_26, %convert_element_type3A_30 : i32
    %c0_i32 = arith.constant 0 : i32
    %c0_i32_32 = arith.constant 0 : i32
    %c0_i32_33 = arith.constant 0 : i32
    return %add3A_31, %c0_i32, %c0_i32_32 : i32, i32, i32
  }
  func.func @transform_5(%arg0: i32, %arg1: i32, %arg2: memref<8xi32, #tpu.memory_space<smem>>) -> (i32, i32) {
    %c0_i32 = arith.constant 0 : i32
    %c0_i32_0 = arith.constant 0 : i32
    return %arg1, %c0_i32 : i32, i32
  }
}

module attributes {stable_mosaic.version = 14 : i64} {
  func.func @_mlp_body(%arg0: i32, %arg1: i32, %arg2: memref<256x1024xf32, #tpu.memory_space<vmem>>, %arg3: memref<256x1024xf32, #tpu.memory_space<vmem>>, %arg4: memref<1x1024xf32, #tpu.memory_space<vmem>>, %arg5: memref<1x1024xf32, #tpu.memory_space<vmem>>, %arg6: memref<2048x1024xf32, #tpu.memory_space<vmem>>, %arg7: memref<1x2048xf32, #tpu.memory_space<vmem>>, %arg8: memref<1024x2048xf32, #tpu.memory_space<vmem>>, %arg9: memref<1x1024xf32, #tpu.memory_space<vmem>>, %arg10: memref<256x1024xf32, #tpu.memory_space<vmem>>, %arg11: memref<4096x1024xf32, #tpu.memory_space<vmem>>) attributes {dimension_semantics = [#tpu.dimension_semantics<arbitrary>, #tpu.dimension_semantics<arbitrary>], iteration_bounds = array<i64: 2, 16>, scalar_prefetch = 0 : i64, scratch_operands = 1 : i64, tpu.core_type = #tpu.core_type<tc>, window_params = [{transform_indices = @transform_0, window_bounds = array<i64: 256, 1024>}, {transform_indices = @transform_1, window_bounds = array<i64: 256, 1024>}, {pipeline_mode = #tpu.pipeline_mode<synchronous>, transform_indices = @transform_2, window_bounds = array<i64: 1, 1024>}, {pipeline_mode = #tpu.pipeline_mode<synchronous>, transform_indices = @transform_3, window_bounds = array<i64: 1, 1024>}, {transform_indices = @transform_4, window_bounds = array<i64: 2048, 1024>}, {transform_indices = @transform_5, window_bounds = array<i64: 1, 2048>}, {transform_indices = @transform_6, window_bounds = array<i64: 1024, 2048>}, {pipeline_mode = #tpu.pipeline_mode<synchronous>, transform_indices = @transform_7, window_bounds = array<i64: 1, 1024>}, {transform_indices = @transform_8, window_bounds = array<i64: 256, 1024>}]} {
    %get3A = arith.constant 0 : index
    %get3A_0 = arith.constant 0 : index
    %get3A_1 = vector.load %arg2[%get3A, %get3A_0] : memref<256x1024xf32, #tpu.memory_space<vmem>>, vector<256x1024xf32>
    %get3A_2 = arith.constant 0 : index
    %get3A_3 = arith.constant 0 : index
    %get3A_4 = vector.load %arg3[%get3A_2, %get3A_3] : memref<256x1024xf32, #tpu.memory_space<vmem>>, vector<256x1024xf32>
    %mul3A = arith.constant 2.000000e+00 : f32
    %mul3A_5 = vector.broadcast %mul3A : f32 to vector<256x1024xf32>
    %mul3A_6 = arith.mulf %mul3A_5, %get3A_4 : vector<256x1024xf32>
    %add3A = arith.addf %get3A_1, %mul3A_6 : vector<256x1024xf32>
    %get3A_7 = arith.constant 0 : index
    %get3A_8 = arith.constant 0 : index
    %get3A_9 = vector.load %arg4[%get3A_7, %get3A_8] : memref<1x1024xf32, #tpu.memory_space<vmem>>, vector<1x1024xf32>
    %get3A_10 = arith.constant 0 : index
    %get3A_11 = arith.constant 0 : index
    %get3A_12 = vector.load %arg5[%get3A_10, %get3A_11] : memref<1x1024xf32, #tpu.memory_space<vmem>>, vector<1x1024xf32>
    %reduce_sum3A = arith.constant dense<0.000000e+00> : vector<256xf32>
    %reduce_sum3A_13 = vector.multi_reduction <add>, %add3A, %reduce_sum3A [1] : vector<256x1024xf32> to vector<256xf32>
    %broadcast_in_dim3A = vector.shape_cast %reduce_sum3A_13 : vector<256xf32> to vector<256x1xf32>
    %div3A = arith.constant 1.024000e+03 : f32
    %div3A_14 = vector.broadcast %div3A : f32 to vector<256x1xf32>
    %div3A_15 = arith.divf %broadcast_in_dim3A, %div3A_14 : vector<256x1xf32>
    %sub3A = vector.broadcast %div3A_15 : vector<256x1xf32> to vector<256x1024xf32>
    %sub3A_16 = arith.subf %add3A, %sub3A : vector<256x1024xf32>
    %integer_pow3A = arith.mulf %sub3A_16, %sub3A_16 : vector<256x1024xf32>
    %reduce_sum3A_17 = arith.constant dense<0.000000e+00> : vector<256xf32>
    %reduce_sum3A_18 = vector.multi_reduction <add>, %integer_pow3A, %reduce_sum3A_17 [1] : vector<256x1024xf32> to vector<256xf32>
    %broadcast_in_dim3A_19 = vector.shape_cast %reduce_sum3A_18 : vector<256xf32> to vector<256x1xf32>
    %div3A_20 = arith.constant 1.024000e+03 : f32
    %div3A_21 = vector.broadcast %div3A_20 : f32 to vector<256x1xf32>
    %div3A_22 = arith.divf %broadcast_in_dim3A_19, %div3A_21 : vector<256x1xf32>
    %sub3A_23 = vector.broadcast %div3A_15 : vector<256x1xf32> to vector<256x1024xf32>
    %sub3A_24 = arith.subf %add3A, %sub3A_23 : vector<256x1024xf32>
    %add3A_25 = arith.constant 9.99999974E-6 : f32
    %add3A_26 = vector.broadcast %add3A_25 : f32 to vector<256x1xf32>
    %add3A_27 = arith.addf %div3A_22, %add3A_26 : vector<256x1xf32>
    %sqrt3A = math.sqrt %add3A_27 : vector<256x1xf32>
    %div3A_28 = vector.broadcast %sqrt3A : vector<256x1xf32> to vector<256x1024xf32>
    %div3A_29 = arith.divf %sub3A_24, %div3A_28 : vector<256x1024xf32>
    %mul3A_30 = vector.broadcast %get3A_9 : vector<1x1024xf32> to vector<256x1024xf32>
    %mul3A_31 = arith.mulf %div3A_29, %mul3A_30 : vector<256x1024xf32>
    %add3A_32 = vector.broadcast %get3A_12 : vector<1x1024xf32> to vector<256x1024xf32>
    %add3A_33 = arith.addf %mul3A_31, %add3A_32 : vector<256x1024xf32>
    %get3A_34 = arith.constant 0 : index
    %get3A_35 = arith.constant 0 : index
    %get3A_36 = vector.load %arg6[%get3A_34, %get3A_35] : memref<2048x1024xf32, #tpu.memory_space<vmem>>, vector<2048x1024xf32>
    %dot_general3A = arith.constant dense<0.000000e+00> : vector<256x2048xf32>
    %dot_general3A_37 = tpu.matmul %add3A_33, %get3A_36, %dot_general3A {dimension_numbers = #tpu.dot_dimension_numbers<[1], [1], [0], [0], [0, 0, 1, 0], [], []>, transpose_lhs_hint = false} : vector<256x1024xf32>, vector<2048x1024xf32>, vector<256x2048xf32> -> vector<256x2048xf32>
    %get3A_38 = arith.constant 0 : index
    %get3A_39 = arith.constant 0 : index
    %get3A_40 = vector.load %arg7[%get3A_38, %get3A_39] : memref<1x2048xf32, #tpu.memory_space<vmem>>, vector<1x2048xf32>
    %add3A_41 = vector.broadcast %get3A_40 : vector<1x2048xf32> to vector<256x2048xf32>
    %add3A_42 = arith.addf %dot_general3A_37, %add3A_41 : vector<256x2048xf32>
    %mul3A_43 = arith.constant 5.000000e-01 : f32
    %mul3A_44 = vector.broadcast %mul3A_43 : f32 to vector<256x2048xf32>
    %mul3A_45 = arith.mulf %mul3A_44, %add3A_42 : vector<256x2048xf32>
    %mul3A_46 = arith.constant 0.707106769 : f32
    %mul3A_47 = vector.broadcast %mul3A_46 : f32 to vector<256x2048xf32>
    %mul3A_48 = arith.mulf %add3A_42, %mul3A_47 : vector<256x2048xf32>
    %erf3A = math.erf %mul3A_48 : vector<256x2048xf32>
    %add3A_49 = arith.constant 1.000000e+00 : f32
    %add3A_50 = vector.broadcast %add3A_49 : f32 to vector<256x2048xf32>
    %add3A_51 = arith.addf %add3A_50, %erf3A : vector<256x2048xf32>
    %mul3A_52 = arith.mulf %mul3A_45, %add3A_51 : vector<256x2048xf32>
    %get3A_53 = arith.constant 0 : index
    %get3A_54 = arith.constant 0 : index
    %get3A_55 = vector.load %arg8[%get3A_53, %get3A_54] : memref<1024x2048xf32, #tpu.memory_space<vmem>>, vector<1024x2048xf32>
    %dot_general3A_56 = arith.constant dense<0.000000e+00> : vector<256x1024xf32>
    %dot_general3A_57 = tpu.matmul %mul3A_52, %get3A_55, %dot_general3A_56 {dimension_numbers = #tpu.dot_dimension_numbers<[1], [1], [0], [0], [0, 0, 1, 0], [], []>, transpose_lhs_hint = false} : vector<256x2048xf32>, vector<1024x2048xf32>, vector<256x1024xf32> -> vector<256x1024xf32>
    %mul3A_58 = arith.constant 256 : i32
    %mul3A_59 = arith.muli %arg1, %mul3A_58 : i32
    %eq3A = arith.constant 0 : i32
    %eq3A_60 = arith.cmpi eq, %arg0, %eq3A : i32
    %convert_element_type3A = arith.extui %eq3A_60 : i1 to i32
    %cond3A = arith.constant 0 : i32
    %cond3A_61 = arith.cmpi ne, %convert_element_type3A, %cond3A : i32
    scf.if %cond3A_61 {
      %swap3A = arith.index_cast %mul3A_59 : i32 to index
      %swap3A_67 = arith.constant 0 : index
      %swap3A_68 = vector.load %arg11[%swap3A, %swap3A_67] : memref<4096x1024xf32, #tpu.memory_space<vmem>>, vector<256x1024xf32>
      tpu.vector_store %arg11[%swap3A, %swap3A_67], %dot_general3A_57 {strides = array<i32>} : memref<4096x1024xf32, #tpu.memory_space<vmem>>, vector<256x1024xf32>,
    } else {
    }
    %eq3A_62 = arith.constant 1 : i32
    %eq3A_63 = arith.cmpi eq, %arg0, %eq3A_62 : i32
    %convert_element_type3A_64 = arith.extui %eq3A_63 : i1 to i32
    %cond3A_65 = arith.constant 0 : i32
    %cond3A_66 = arith.cmpi ne, %convert_element_type3A_64, %cond3A_65 : i32
    scf.if %cond3A_66 {
      %get3A_67 = arith.index_cast %mul3A_59 : i32 to index
      %get3A_68 = arith.constant 0 : index
      %get3A_69 = vector.load %arg11[%get3A_67, %get3A_68] : memref<4096x1024xf32, #tpu.memory_space<vmem>>, vector<256x1024xf32>
      %add3A_70 = arith.addf %add3A, %get3A_69 : vector<256x1024xf32>
      %add3A_71 = arith.addf %add3A_70, %dot_general3A_57 : vector<256x1024xf32>
      %get3A_72 = arith.constant 0 : index
      %get3A_73 = arith.constant 0 : index
      %get3A_74 = vector.load %arg9[%get3A_72, %get3A_73] : memref<1x1024xf32, #tpu.memory_space<vmem>>, vector<1x1024xf32>
      %add3A_75 = vector.broadcast %get3A_74 : vector<1x1024xf32> to vector<256x1024xf32>
      %add3A_76 = arith.addf %add3A_71, %add3A_75 : vector<256x1024xf32>
      %swap3A = arith.constant 0 : index
      %swap3A_77 = arith.constant 0 : index
      %swap3A_78 = vector.load %arg10[%swap3A, %swap3A_77] : memref<256x1024xf32, #tpu.memory_space<vmem>>, vector<256x1024xf32>
      tpu.vector_store %arg10[%swap3A, %swap3A_77], %add3A_76 {strides = array<i32>} : memref<256x1024xf32, #tpu.memory_space<vmem>>, vector<256x1024xf32>,
    } else {
    }
    return
  }
  func.func @transform_0(%arg0: i32, %arg1: i32) -> (i32, i32) {
    %c0_i32 = arith.constant 0 : i32
    %c0_i32_0 = arith.constant 0 : i32
    return %arg1, %c0_i32 : i32, i32
  }
  func.func @transform_1(%arg0: i32, %arg1: i32) -> (i32, i32) {
    %c0_i32 = arith.constant 0 : i32
    %c0_i32_0 = arith.constant 0 : i32
    return %arg1, %c0_i32 : i32, i32
  }
  func.func @transform_2(%arg0: i32, %arg1: i32) -> (i32, i32) {
    %c0_i32 = arith.constant 0 : i32
    %c0_i32_0 = arith.constant 0 : i32
    %c0_i32_1 = arith.constant 0 : i32
    return %c0_i32, %c0_i32_0 : i32, i32
  }
  func.func @transform_3(%arg0: i32, %arg1: i32) -> (i32, i32) {
    %c0_i32 = arith.constant 0 : i32
    %c0_i32_0 = arith.constant 0 : i32
    %c0_i32_1 = arith.constant 0 : i32
    return %c0_i32, %c0_i32_0 : i32, i32
  }
  func.func @transform_4(%arg0: i32, %arg1: i32) -> (i32, i32) {
    %c0_i32 = arith.constant 0 : i32
    %c0_i32_0 = arith.constant 0 : i32
    return %arg0, %c0_i32 : i32, i32
  }
  func.func @transform_5(%arg0: i32, %arg1: i32) -> (i32, i32) {
    %c0_i32 = arith.constant 0 : i32
    %c0_i32_0 = arith.constant 0 : i32
    return %c0_i32, %arg0 : i32, i32
  }
  func.func @transform_6(%arg0: i32, %arg1: i32) -> (i32, i32) {
    %c0_i32 = arith.constant 0 : i32
    %c0_i32_0 = arith.constant 0 : i32
    return %c0_i32, %arg0 : i32, i32
  }
  func.func @transform_7(%arg0: i32, %arg1: i32) -> (i32, i32) {
    %c0_i32 = arith.constant 0 : i32
    %c0_i32_0 = arith.constant 0 : i32
    %c0_i32_1 = arith.constant 0 : i32
    return %c0_i32, %c0_i32_0 : i32, i32
  }
  func.func @transform_8(%arg0: i32, %arg1: i32) -> (i32, i32) {
    %c0_i32 = arith.constant 0 : i32
    %c0_i32_0 = arith.constant 0 : i32
    return %arg1, %c0_i32 : i32, i32
  }
}

</mosaic_0001>

<sc_bundles>
// kernel: kernel.11.cloned.1.call-start
scs
__scs_entry_jumppad:
0x0: {  	(pc) =	sbr.rel $0x88, $3  }
0x1: {  	(tag) =	ssettag $0x0;
	lr =	simm.s32 $0x1  }
0x2: {  	[smem:$0x3F8C] =	sst lr;
	_ =	strace $0xD0000000  }
0x3: {  	_ = 	snop  }
0x4: {  	_ = 	snop  }
0x5: {  	_ = 	snop  }
0x6: {  	_ = 	snop  }
0x7: {  	_ = 	snop  }
__scs_overlays_trampoline_lowered:
0x8: {  	[smem:$0x3F9B] =	sst s0  }
0x9: {  	[smem:$0x3F9C] =	sst s1  }
0xa: {  	[smem:$0x3F9D] =	sst s2  }
0xb: {  	[smem:$0x3F9E] =	sst s3  }
0xc: {  	[smem:$0x3F9F] =	sst s4  }
0xd: {  	[smem:$0x3FA0] =	sst s5  }
0xe: {  	[smem:$0x3FA1] =	sst s6  }
0xf: {  	[smem:$0x3FA2] =	sst s7  }
0x10: {  	[smem:$0x3FA3] =	sst s8  }
0x11: {  	[smem:$0x3FA4] =	sst s9;
	s0 =	simm.s32 @!p0 $0x0  }
0x12: {  	s1 =	sld [smem:$0x3F8A];
	s0 =	simm.s32 @p0 $0x1  }
0x13: {  	[smem:$0x3FA5] =	sst s0;
	s0 =	simm.s32 @!p1 $0x0  }
0x14: {  	s2 =	sld [smem:$0x3F89];
	s0 =	simm.s32 @p1 $0x1  }
0x15: {  	[smem:$0x3FA6] =	sst s0;
	s0 =	simm.s32 @!p2 $0x0  }
0x16: {  	s3 =	sld [smem:$0x3FDB];
	s0 =	simm.s32 @p2 $0x1  }
0x17: {  	s4 =	simm.s32 $0x1BF5;
	[smem:$0x3FA8] =	sst s0  }
0x18: {  	s0 =	sld [smem:$0x3F8B];
	_ =	swait.ge [sflag:s4], $0x0  }
0x19: {  	s7 =	sld [smem:$0x3F8C]  }
0x1a: {  	s8 =	sadd.s32 $0xFFFFE003, lr  }
0x1b: {  	s9 =	sadd.s32 $0xFFFFFEF7, lr;
	s5 =	simm.s32 $0xFFFFFFFF;
	p2 =	slt.u32 s8, $0xFFFFF086  }
0x1c: {  	p1 =	slt.u32 s9, $0xF7A;
	s5 =	simm.s32 @!p2 $0x0  }
0x1d: {  	s5 =	simm.s32 @p1 $0x1;
	p0 =	seq.s32 s7, s2  }
0x1e: {  	s7 =	smul.u32 @!p0 $0xF7A, s2;
	p2 =	seq.s32 @!p0 s5, $0x0  }
0x1f: {  	s9 =	smul.u32 $0xF7A, s1;
	s8 =	simm.s32 @!p0 $0x1BF5;
	p2 =	por !p2, p0  }
0x20: {  	[sflag:s8] =	ssyncset.s32 @!p0 $0xFFFFF086;
	s6 =	sadd.s32 @!p0 s3, s7;
	s7 =	simm.s32 @!p0 $0x108  }
0x21: {  	s3 =	sadd.s32 s3, s9;
	s6 =	sadd.s32 @!p0 $0x88, s6;
	s7 =	simm.s32 @p2 $0x1082  }
0x22: {  	[simem:s7], [sflag:s8] =	dma.local @!p0 [hbm:s6], $0xF7A  }
0x23: {  	s9 =	sor.u32 $0xD0000000, s2;
	s6 =	simm.s32 $0x108;
	_ =	swait.ge @!p0 [sflag:s8], $0x0  }
0x24: {  	s3 =	sadd.s32 $0x88, s3;
	s6 =	simm.s32 @!p1 $0x1082;
	[sflag:s4] =	ssyncset.s32 $0xFFFFF086  }
0x25: {  	[simem:s6], [sflag:s4] =	dma.local [hbm:s3], $0xF7A  }
0x26: {  	[smem:$0x3F8C] =	sst s1;
	(tag) =	ssettag s2;
	_ =	strace s9  }
0x27: {  	s1 =	sld [smem:$0x3F9C]  }
0x28: {  	s2 =	sld [smem:$0x3F9D]  }
0x29: {  	s4 =	sld [smem:$0x3F9F]  }
0x2a: {  	p0 =	seq.s32 s5, $0x0;
	s5 =	sld [smem:$0x3FA0]  }
0x2b: {  	s6 =	sld [smem:$0x3FA1]  }
0x2c: {  	s7 =	sld [smem:$0x3FA2]  }
0x2d: {  	s3 =	simm.s32 $0x108;
	s8 =	sld [smem:$0x3FA3]  }
0x2e: {  	s3 =	simm.s32 @!p0 $0x1082;
	s9 =	sld [smem:$0x3FA4]  }
0x2f: {  	lr =	sadd.s32 s0, s3;
	s0 =	sld [smem:$0x3F9B]  }
0x30: {  	s3 =	sld [smem:$0x3F9E]  }
0x31: {  	[smem:$0x3FA7] =	sst s10  }
0x32: {  	s10 =	sld [smem:$0x3FA5];
	_ =	sdelay $0x3  }
0x33: {  	p0 =	seq.s32 s10, $0x1;
	s10 =	sld [smem:$0x3FA7];
	_ =	sdelay $0x3  }
0x34: {  	[smem:$0x3FA7] =	sst s10  }
0x35: {  	s10 =	sld [smem:$0x3FA6];
	_ =	sdelay $0x3  }
0x36: {  	p1 =	seq.s32 s10, $0x1;
	s10 =	sld [smem:$0x3FA7];
	_ =	sdelay $0x3  }
0x37: {  	[smem:$0x3FA7] =	sst s10  }
0x38: {  	s10 =	sld [smem:$0x3FA8]  }
0x39: {  	_ = 	snop;
	(pc) =	sbr.ind lr, $3  }
0x3a: {  	_ = 	snop  }
0x3b: {  	_ = 	snop  }
0x3c: {  	p2 =	seq.s32 s10, $0x1;
	s10 =	sld [smem:$0x3FA7]  }
0x3d: {  	_ =	shalt  }
0x3e: {  	_ =	shalt  }
0x3f: {  	_ =	shalt  }
0x40: {  	_ =	shalt  }
0x41: {  	_ =	shalt  }
0x42: {  	_ =	shalt  }
0x43: {  	_ =	shalt  }
0x44: {  	_ =	shalt  }
0x45: {  	_ =	shalt  }
0x46: {  	_ =	shalt  }
0x47: {  	_ =	shalt  }
0x48: {  	_ =	shalt  }
0x49: {  	_ =	shalt  }
0x4a: {  	_ =	shalt  }
0x4b: {  	_ =	shalt  }
0x4c: {  	_ =	shalt  }
0x4d: {  	_ =	shalt  }
0x4e: {  	_ =	shalt  }
0x4f: {  	_ =	shalt  }
0x50: {  	_ =	shalt  }
0x51: {  	_ =	shalt  }
0x52: {  	_ =	shalt  }
0x53: {  	_ =	shalt  }
0x54: {  	_ =	shalt  }
0x55: {  	_ =	shalt  }
0x56: {  	_ =	shalt  }
0x57: {  	_ =	shalt  }
0x58: {  	_ =	shalt  }
0x59: {  	_ =	shalt  }
0x5a: {  	_ =	shalt  }
0x5b: {  	_ =	shalt  }
0x5c: {  	_ =	shalt  }
0x5d: {  	_ =	shalt  }
0x5e: {  	_ =	shalt  }
0x5f: {  	_ =	shalt  }
0x60: {  	_ =	shalt  }
0x61: {  	_ =	shalt  }
0x62: {  	_ =	shalt  }
0x63: {  	_ =	shalt  }
0x64: {  	_ =	shalt  }
0x65: {  	_ =	shalt  }
0x66: {  	_ =	shalt  }
0x67: {  	_ =	shalt  }
0x68: {  	_ =	shalt  }
0x69: {  	_ =	shalt  }
0x6a: {  	_ =	shalt  }
0x6b: {  	_ =	shalt  }
0x6c: {  	_ =	shalt  }
0x6d: {  	_ =	shalt  }
0x6e: {  	_ =	shalt  }
0x6f: {  	_ =	shalt  }
0x70: {  	_ =	shalt  }
0x71: {  	_ =	shalt  }
0x72: {  	_ =	shalt  }
0x73: {  	_ =	shalt  }
0x74: {  	_ =	shalt  }
0x75: {  	_ =	shalt  }
0x76: {  	_ =	shalt  }
0x77: {  	_ =	shalt  }
0x78: {  	_ =	shalt  }
0x79: {  	_ =	shalt  }
0x7a: {  	_ =	shalt  }
0x7b: {  	_ =	shalt  }
0x7c: {  	_ =	shalt  }
0x7d: {  	_ =	shalt  }
0x7e: {  	_ =	shalt  }
0x7f: {  	_ =	shalt  }
0x80: {  	_ =	shalt  }
0x81: {  	_ =	shalt  }
0x82: {  	_ =	shalt  }
0x83: {  	_ =	shalt  }
0x84: {  	_ =	shalt  }
0x85: {  	_ =	shalt  }
0x86: {  	_ =	shalt  }
0x87: {  	_ =	shalt  }
.Lfunc_end0:
.L_simem_size_0:
called_computation_lowered:
.L_overlay_start_0:
0x88: {  	s2 =	sld [smem:$0x3FD9]  }
0x89: {  	s3 =	sld [smem:$0x3FFE];
	_ =	sdelay $0x1  }
0x8a: {  	s1 =	srdreg.scid  }
0x8b: {  	s0 =	sand.u32 $0x1, s1  }
0x8c: {  	s17 =	sshll.u32 s0, $0xA;
	s2 =	sadd.s32 s3, s2  }
0x8d: {  	s2 =	sadd.s32 s2, s17  }
0x8e: {  	[smem:$0x3FB3] =	sst s2  }
0x8f: {  	_ = 	snop  }
0x90: {  	s2 =	sld [smem:$0x3FD0];
	(tm) =	ssettm $0x1  }
0x91: {  	s18 =	sld [smem:$0x3FFB];
	_ =	sdelay $0x3  }
0x92: {  	_ =	strace s18  }
0x93: {  	s3 =	sld [smem:$0x3FFC];
	_ =	sdelay $0x3  }
0x94: {  	_ =	strace s3  }
0x95: {  	s3 =	sld [smem:$0x3FFD];
	_ =	sdelay $0x3  }
0x96: {  	_ =	strace s3  }
0x97: {  	_ =	strace $0x8FFFFFFF  }
0x98: {  	s19 =	sld [smem:$0x3FDB];
	_ =	sdelay $0x1  }
0x99: {  	s4 =	simm.s32 $_scs_section_size  }
0x9a: {  	s5 =	simm.s32 $_size__tile_overlayer_lowered;
	s6 =	simm.s32 $_tile_overlayer_lowered  }
0x9b: {  	s22 =	simm.s32 $0x1BFF;
	s21 =	sshll.u32 s6, $0x1;
	s3 =	sadd.s32 s4, s19  }
0x9c: {  	s7 =	simm.s32 $0x0;
	s20 =	sshll.u32 s5, $0x1;
	s5 =	sadd.s32 s21, s3  }
0x9d: {  	[timem:s7], [sflag:s22] =	dma.local [hbm:s5], s20  }
0x9e: {  	_ =	swait.ge [sflag:s22], s20  }
0x9f: {  	s4 =	ssub.s32 $0x0, s20;
	[sflag:s22] =	ssyncset.done $0x0  }
0xa0: {  	[sflag:s22] =	ssyncadd.s32 s4;
	_ =	sdelay $0x1  }
0xa1: {  	s23 =	simm.s32 $0x1B8B  }
0xa2: {  	_ =	swait.ge [sflag:s23], $0x1  }
0xa3: {  	[sflag:s23] =	ssyncset.done $0x0  }
0xa4: {  	s25 =	simm.s32 $0x1B8E;
	s24 =	sld [smem:$0x3FFE];
	[sflag:s23] =	ssyncadd.s32 $0xFFFFFFFF  }
0xa5: {  	s26 =	simm.s32 $execute0_lowered;
	[smem:$0x3FD2] =	sst s25  }
0xa6: {  	s5 =	sshll.u32 s26, $0x1;
	_ =	strace $0x80000046;
	[dreg:$0x1] =	wrdreg $0xFFFFFFFF  }
0xa7: {  	s28 =	simm.s32 $_size_execute0_lowered;
	s3 =	sadd.s32 s3, s5;
	[dreg:$0x0] =	wrdreg $0x0  }
0xa8: {  	s5 =	sshll.u32 s28, $0x1;
	[dreg:$0x2] =	wrdreg s3  }
0xa9: {  	[dreg:$0x3] =	wrdreg s5  }
0xaa: {  	[dreg:$0x4] =	wrdreg $0xC0  }
0xab: {  	_ =	task [dreg:s7], $0x5FFFF  }
0xac: {  	[dreg:$0x1] =	wrdreg $0xFFFFFFFF  }
0xad: {  	[dreg:$0x0] =	wrdreg $0x60  }
0xae: {  	[dreg:$0x2] =	wrdreg s24  }
0xaf: {  	[dreg:$0x3] =	wrdreg s2  }
0xb0: {  	[dreg:$0x4] =	wrdreg $0x9  }
0xb1: {  	_ =	task.clear_ibuf [dreg:s7], $0x5FFFF;
	_ =	strace $0x90000046  }
0xb2: {  	s29 =	simm.s32 $0x9;
	_ =	strace $0x80000048  }
0xb3: {  	_ =	swait.ge [sflag:s29], $0x1  }
0xb4: {  	[sflag:s29] =	ssyncadd.s32 $0xFFFFFFFF  }
0xb5: {  	_ =	strace $0x90000048  }
0xb6: {  	_ =	sfence  }
0xb7: {  	s30 =	sld [smem:$0x0];
	_ =	sdelay $0x2  }
0xb8: {  	s31 =	sshll.u32 s1, $0xD;
	s1 =	sshrl.u32 s1, $0x2  }
0xb9: {  	s3 =	sand.u32 $0x4000, s31;
	s1 =	sadd.s32 s1, s30  }
0xba: {  	s0 =	sor.u32 s3, s0;
	s1 =	sshll.u32 s1, $0x11  }
0xbb: {  	s0 =	sor.u32 s1, s0  }
0xbc: {  	s0 =	sadd.s32 $0x8F2B, s0  }
0xbd: {  	[sflag:s0] =	ssyncadd.remote.s32 $0x1  }
0xbe: {  	_ =	sfence.sel $0xFFFF  }
0xbf: {  	[dreg:$0x0] =	wrdreg $0xFFFFFFFF;
	(pc) =	sbr.abs _section_cstart, $3  }
0xc0: {  	[dreg:$0x1] =	wrdreg $0xFFFFFFFF  }
0xc1: {  	_ =	task.clear_ibuf [dreg:s7], $0x2FFFF;
	_ =	strace $0x9FFFFFFF  }
0xc2: {  	(tm) =	ssettm $0x7FFFFFFF  }
0xc3: {  	_ =	shalt  }
tec
execute0_lowered:
.L_overlay_start_1:
0x0: {  	(tag) =	ssettag $0x1  }
0x1: {  	s0 =	rddreg [dreg:$0x0]  }
0x2: {  	s1 =	rddreg [dreg:$0x1];
	s2 =	simm.s32 $0x0;
	s3 =	srdreg.scid  }
0x3: {  	s5 =	stileid.u32;
	s28 =	simm.s32 $0x2900;
	s29 =	simm.s32 $0x3100  }
0x4: {  	s30 =	simm.s32 $0x3900;
	s31 =	simm.s32 $0x4100;
	s10 =	simm.s32 $0x5900  }
0x5: {  	s11 =	simm.s32 $0x6100;
	s12 =	simm.s32 $0x6900;
	s13 =	simm.s32 $0x7100  }
0x6: {  	s14 =	simm.s32 $0x7900;
	s15 =	simm.s32 $0x80;
	s16 =	simm.s32 $0x8900  }
0x7: {  	[smem:$0x7FF] =	sst s2;
	s3 =	sand.u32 $0x1, s3;
	s5 =	sshll.u32 s5, $0x8  }
0x8: {  	s6 =	sadd.s32 $0x81A00, s0;
	s4 =	ssub.s32 $0x2, s3;
	s3 =	sshll.u32 s3, $0x7  }
0x9: {  	_ =	strace $0x80000047;
	s7 =	sshrl.u32 s4, $0x1;
	s5 =	sor.u32 s3, s5  }
0xa: {  	s3 =	sadd.s32 $0x81C00, s0;
	s7 =	ssub.s32 s4, s7;
	s17 =	sshrl.u32 s5, $0x3  }
0xb: {  	s8 =	sshll.u32 s5, $0x7;
	s9 =	sor.u32 $0x20, s5;
	s22 =	sor.u32 $0x40, s5  }
0xc: {  	s5 =	sor.u32 $0x60, s5;
	s4 =	sadd.s32 s6, s17;
	s18 =	sadd.s32 s1, s8  }
0xd: {  	s19 =	sshrl.u32 s9, $0x3;
	s21 =	sshll.u32 s9, $0x7;
	s23 =	sshrl.u32 s22, $0x3  }
0xe: {  	s9 =	sshll.u32 s22, $0x7;
	s25 =	sshrl.u32 s5, $0x3;
	s26 =	sshll.u32 s5, $0x7  }
0xf: {  	s5 =	sadd.s32 $0x81E00, s0;
	s7 =	smax.u32 s7, $0x1;
	[dreg:$0x3] =	wrdreg s4  }
0x10: {  	s22 =	simm.s32 $0x900;
	s17 =	simm.s32 $0x9100;
	[dreg:$0x4] =	wrdreg s18  }
0x11: {  	s20 =	sadd.s32 s6, s19;
	s8 =	sadd.s32 s1, s21;
	s4 =	sadd.s32 $0x81D00, s0  }
0x12: {  	s24 =	sadd.s32 s1, s9;
	s1 =	sadd.s32 s1, s26;
	[dreg:$0x5] =	wrdreg s20  }
0x13: {  	s19 =	simm.s32 $0x1;
	s26 =	simm.s32 $0x100;
	[dreg:$0x6] =	wrdreg s8  }
0x14: {  	s9 =	simm.s32 $0x4900;
	s18 =	simm.s32 $0x9900;
	[dreg:$0x8] =	wrdreg s24  }
0x15: {  	s8 =	sadd.s32 s6, s23;
	s6 =	sadd.s32 s6, s25;
	[dreg:$0xa] =	wrdreg s1  }
0x16: {  	v2 =	vlaneseq.u32;
	s20 =	simm.s32 $0x2;
	s23 =	simm.s32 $0x1100;
	s24 =	simm.s32 $0x1900  }
0x17: {  	vm0 =	vmmov $0xffff;
	v1 =	vshrl.u32 v2, $0x3;
	s25 =	simm.s32 $0x2100;
	s1 =	simm.s32 $0x5100;
	[dreg:$0x7] =	wrdreg s8  }
0x18: {  	v0 =	vand.u32 $0x7, v2;
	v2 =	vor.u32 $0x8, v2;
	v1 =	vmul.u32 $0x8, v1;
	[dreg:$0x9] =	wrdreg s6;
	s6 =	sadd.s32 $0x81F00, s0;
	s8 =	simm.s32 $0x3  }
.LBB2_1:
0x19: {  	s21 =	rddreg [dreg:$0x3]  }
0x1a: {  	[tilespmem:s2], [sflag:$0x3] =	stream.linear.gather [hbm4b:s21+s2], $0x20, $0x38;
	[tilespmem:$0x10100] =	vst v63  }
0x1b: {  	_ =	swait.ge [sflag:s8], $0x20  }
0x1c: {  	[sflag:s8] =	ssyncset.done $0x0  }
0x1d: {  	s0 =	rddreg [dreg:$0x4];
	[sflag:s8] =	ssyncadd.s32 $0xFFFFFFE0  }
0x1e: {  	[tilespmem:s26], [sflag:$0x3] =	stream.linear.gather [hbm4b:s0+s2], $0x8000, $0x38;
	[tilespmem:$0x10100] =	vst v63  }
0x1f: {  	_ =	swait.ge [sflag:s8], $0x8000  }
0x20: {  	[sflag:s8] =	ssyncset.done $0x0  }
0x21: {  	[sflag:s8] =	ssyncadd.s32 $0xFFFF8000  }
0x22: {  	v3 =	vld [tilespmem:$0x0];
	_ =	sdelay $0x4  }
0x23: {  	v4 =	vshll.u32 v3, $0x3  }
0x24: {  	v3 =	vand.u32 $0x7, v3;
	v4 =	vand.u32 $0xFFFFFFC0, v4  }
0x25: {  	v3 =	vor.u32 v3, v4  }
0x26: {  	v4 =	vperm.xlane v3, v0;
	_ =	sdelay $0x1  }
0x27: {  	v4 =	vadd.s32 v1, v4;
	_ =	sdelay $0x4  }
0x28: {  	[hbm4b:s3+s2] =	stream.indirect_vreg.scatter [tilespmem:s26], [sflag:$0x1], $0x80, v4, vm0, $0xb8;
	[tilespmem:$0x10100] =	vst v63  }
0x29: {  	v3 =	vperm.xlane v3, v2  }
0x2a: {  	[hbm4b:s4+s2] =	stream.indirect_vreg.scatter [tilespmem:s22], [sflag:$0x1], $0x80, v4, vm0, $0xb8;
	[tilespmem:$0x10100] =	vst v63  }
0x2b: {  	v3 =	vadd.s32 v1, v3  }
0x2c: {  	[hbm4b:s5+s2] =	stream.indirect_vreg.scatter [tilespmem:s23], [sflag:$0x1], $0x80, v4, vm0, $0xb8;
	[tilespmem:$0x10100] =	vst v63  }
0x2d: {  	_ = 	snop  }
0x2e: {  	[hbm4b:s6+s2] =	stream.indirect_vreg.scatter [tilespmem:s24], [sflag:$0x1], $0x80, v4, vm0, $0xb8;
	[tilespmem:$0x10100] =	vst v63  }
0x2f: {  	_ = 	snop  }
0x30: {  	[hbm4b:s3+s2] =	stream.indirect_vreg.scatter [tilespmem:s25], [sflag:$0x1], $0x80, v3, vm0, $0xb8;
	[tilespmem:$0x10100] =	vst v63  }
0x31: {  	_ = 	snop  }
0x32: {  	[hbm4b:s4+s2] =	stream.indirect_vreg.scatter [tilespmem:s28], [sflag:$0x1], $0x80, v3, vm0, $0xb8;
	[tilespmem:$0x10100] =	vst v63  }
0x33: {  	_ = 	snop  }
0x34: {  	[hbm4b:s5+s2] =	stream.indirect_vreg.scatter [tilespmem:s29], [sflag:$0x1], $0x80, v3, vm0, $0xb8;
	[tilespmem:$0x10100] =	vst v63  }
0x35: {  	_ = 	snop  }
0x36: {  	[hbm4b:s6+s2] =	stream.indirect_vreg.scatter [tilespmem:s30], [sflag:$0x1], $0x80, v3, vm0, $0xb8;
	[tilespmem:$0x10100] =	vst v63  }
0x37: {  	v3 =	vld [tilespmem:$0x10];
	_ =	sdelay $0x4  }
0x38: {  	v57 =	vshll.u32 v3, $0x3  }
0x39: {  	v3 =	vand.u32 $0x7, v3;
	v4 =	vand.u32 $0xFFFFFFC0, v57  }
0x3a: {  	v3 =	vor.u32 v3, v4  }
0x3b: {  	v4 =	vperm.xlane v3, v0;
	_ =	sdelay $0x1  }
0x3c: {  	v4 =	vadd.s32 v1, v4;
	_ =	sdelay $0x4  }
0x3d: {  	[hbm4b:s3+s2] =	stream.indirect_vreg.scatter [tilespmem:s31], [sflag:$0x1], $0x80, v4, vm0, $0xb8;
	[tilespmem:$0x10100] =	vst v63  }
0x3e: {  	v3 =	vperm.xlane v3, v2  }
0x3f: {  	[hbm4b:s4+s2] =	stream.indirect_vreg.scatter [tilespmem:s9], [sflag:$0x1], $0x80, v4, vm0, $0xb8;
	[tilespmem:$0x10100] =	vst v63  }
0x40: {  	v3 =	vadd.s32 v1, v3  }
0x41: {  	[hbm4b:s5+s2] =	stream.indirect_vreg.scatter [tilespmem:s1], [sflag:$0x1], $0x80, v4, vm0, $0xb8;
	[tilespmem:$0x10100] =	vst v63  }
0x42: {  	_ = 	snop  }
0x43: {  	[hbm4b:s6+s2] =	stream.indirect_vreg.scatter [tilespmem:s10], [sflag:$0x1], $0x80, v4, vm0, $0xb8;
	[tilespmem:$0x10100] =	vst v63  }
0x44: {  	_ = 	snop  }
0x45: {  	[hbm4b:s3+s2] =	stream.indirect_vreg.scatter [tilespmem:s11], [sflag:$0x1], $0x80, v3, vm0, $0xb8;
	[tilespmem:$0x10100] =	vst v63  }
0x46: {  	_ = 	snop  }
0x47: {  	[hbm4b:s4+s2] =	stream.indirect_vreg.scatter [tilespmem:s12], [sflag:$0x1], $0x80, v3, vm0, $0xb8;
	[tilespmem:$0x10100] =	vst v63  }
0x48: {  	_ = 	snop  }
0x49: {  	[hbm4b:s5+s2] =	stream.indirect_vreg.scatter [tilespmem:s13], [sflag:$0x1], $0x80, v3, vm0, $0xb8;
	[tilespmem:$0x10100] =	vst v63  }
0x4a: {  	_ = 	snop  }
0x4b: {  	[hbm4b:s6+s2] =	stream.indirect_vreg.scatter [tilespmem:s14], [sflag:$0x1], $0x80, v3, vm0, $0xb8;
	[tilespmem:$0x10100] =	vst v63  }
0x4c: {  	s0 =	rddreg [dreg:$0x5]  }
0x4d: {  	[tilespmem:s15], [sflag:$0x3] =	stream.linear.gather [hbm4b:s0+s2], $0x20, $0x38;
	[tilespmem:$0x10100] =	vst v63  }
0x4e: {  	_ =	swait.ge [sflag:s8], $0x20  }
0x4f: {  	[sflag:s8] =	ssyncset.done $0x0  }
0x50: {  	s0 =	simm.s32 $0x8100;
	s21 =	rddreg [dreg:$0x6];
	[sflag:s8] =	ssyncadd.s32 $0xFFFFFFE0  }
0x51: {  	[tilespmem:s0], [sflag:$0x3] =	stream.linear.gather [hbm4b:s21+s2], $0x8000, $0x38;
	[tilespmem:$0x10100] =	vst v63  }
0x52: {  	_ =	swait.ge [sflag:s8], $0x8000  }
0x53: {  	[sflag:s8] =	ssyncset.done $0x0  }
0x54: {  	[sflag:s8] =	ssyncadd.s32 $0xFFFF8000  }
0x55: {  	v3 =	vld [tilespmem:$0x80];
	_ =	sdelay $0x4  }
0x56: {  	v58 =	vshll.u32 v3, $0x3  }
0x57: {  	v3 =	vand.u32 $0x7, v3;
	v4 =	vand.u32 $0xFFFFFFC0, v58  }
0x58: {  	v3 =	vor.u32 v3, v4  }
0x59: {  	v4 =	vperm.xlane v3, v0;
	_ =	sdelay $0x1  }
0x5a: {  	v4 =	vadd.s32 v1, v4;
	_ =	sdelay $0x4  }
0x5b: {  	[hbm4b:s3+s2] =	stream.indirect_vreg.scatter [tilespmem:s0], [sflag:$0x2], $0x80, v4, vm0, $0xb8;
	[tilespmem:$0x10100] =	vst v63  }
0x5c: {  	v3 =	vperm.xlane v3, v2  }
0x5d: {  	[hbm4b:s4+s2] =	stream.indirect_vreg.scatter [tilespmem:s16], [sflag:$0x2], $0x80, v4, vm0, $0xb8;
	[tilespmem:$0x10100] =	vst v63  }
0x5e: {  	v3 =	vadd.s32 v1, v3  }
0x5f: {  	[hbm4b:s5+s2] =	stream.indirect_vreg.scatter [tilespmem:s17], [sflag:$0x2], $0x80, v4, vm0, $0xb8;
	[tilespmem:$0x10100] =	vst v63  }
0x60: {  	_ = 	snop  }
0x61: {  	[hbm4b:s6+s2] =	stream.indirect_vreg.scatter [tilespmem:s18], [sflag:$0x2], $0x80, v4, vm0, $0xb8;
	[tilespmem:$0x10100] =	vst v63  }
0x62: {  	s21 =	simm.s32 $0xA100  }
0x63: {  	[hbm4b:s3+s2] =	stream.indirect_vreg.scatter [tilespmem:s21], [sflag:$0x2], $0x80, v3, vm0, $0xb8;
	[tilespmem:$0x10100] =	vst v63  }
0x64: {  	s21 =	simm.s32 $0xA900  }
0x65: {  	[hbm4b:s4+s2] =	stream.indirect_vreg.scatter [tilespmem:s21], [sflag:$0x2], $0x80, v3, vm0, $0xb8;
	[tilespmem:$0x10100] =	vst v63  }
0x66: {  	s21 =	simm.s32 $0xB100  }
0x67: {  	[hbm4b:s5+s2] =	stream.indirect_vreg.scatter [tilespmem:s21], [sflag:$0x2], $0x80, v3, vm0, $0xb8;
	[tilespmem:$0x10100] =	vst v63  }
0x68: {  	s21 =	simm.s32 $0xB900  }
0x69: {  	[hbm4b:s6+s2] =	stream.indirect_vreg.scatter [tilespmem:s21], [sflag:$0x2], $0x80, v3, vm0, $0xb8;
	[tilespmem:$0x10100] =	vst v63  }
0x6a: {  	v3 =	vld [tilespmem:$0x90];
	_ =	sdelay $0x4  }
0x6b: {  	v59 =	vshll.u32 v3, $0x3  }
0x6c: {  	v3 =	vand.u32 $0x7, v3;
	v4 =	vand.u32 $0xFFFFFFC0, v59  }
0x6d: {  	v3 =	vor.u32 v3, v4  }
0x6e: {  	v4 =	vperm.xlane v3, v0;
	_ =	sdelay $0x1  }
0x6f: {  	v4 =	vadd.s32 v1, v4;
	_ =	sdelay $0x3  }
0x70: {  	s21 =	simm.s32 $0xC100  }
0x71: {  	[hbm4b:s3+s2] =	stream.indirect_vreg.scatter [tilespmem:s21], [sflag:$0x2], $0x80, v4, vm0, $0xb8;
	[tilespmem:$0x10100] =	vst v63  }
0x72: {  	v3 =	vperm.xlane v3, v2;
	s21 =	simm.s32 $0xC900  }
0x73: {  	[hbm4b:s4+s2] =	stream.indirect_vreg.scatter [tilespmem:s21], [sflag:$0x2], $0x80, v4, vm0, $0xb8;
	[tilespmem:$0x10100] =	vst v63  }
0x74: {  	v3 =	vadd.s32 v1, v3;
	s21 =	simm.s32 $0xD100  }
0x75: {  	[hbm4b:s5+s2] =	stream.indirect_vreg.scatter [tilespmem:s21], [sflag:$0x2], $0x80, v4, vm0, $0xb8;
	[tilespmem:$0x10100] =	vst v63  }
0x76: {  	s21 =	simm.s32 $0xD900  }
0x77: {  	[hbm4b:s6+s2] =	stream.indirect_vreg.scatter [tilespmem:s21], [sflag:$0x2], $0x80, v4, vm0, $0xb8;
	[tilespmem:$0x10100] =	vst v63  }
0x78: {  	s21 =	simm.s32 $0xE100  }
0x79: {  	[hbm4b:s3+s2] =	stream.indirect_vreg.scatter [tilespmem:s21], [sflag:$0x2], $0x80, v3, vm0, $0xb8;
	[tilespmem:$0x10100] =	vst v63  }
0x7a: {  	s21 =	simm.s32 $0xE900  }
0x7b: {  	[hbm4b:s4+s2] =	stream.indirect_vreg.scatter [tilespmem:s21], [sflag:$0x2], $0x80, v3, vm0, $0xb8;
	[tilespmem:$0x10100] =	vst v63  }
0x7c: {  	s21 =	simm.s32 $0xF100  }
0x7d: {  	[hbm4b:s5+s2] =	stream.indirect_vreg.scatter [tilespmem:s21], [sflag:$0x2], $0x80, v3, vm0, $0xb8;
	[tilespmem:$0x10100] =	vst v63  }
0x7e: {  	s21 =	simm.s32 $0xF900  }
0x7f: {  	[hbm4b:s6+s2] =	stream.indirect_vreg.scatter [tilespmem:s21], [sflag:$0x2], $0x80, v3, vm0, $0xb8;
	[tilespmem:$0x10100] =	vst v63  }
0x80: {  	_ =	swait.ge [sflag:s19], $0x8000  }
0x81: {  	[sflag:s19] =	ssyncset.done $0x0  }
0x82: {  	s21 =	rddreg [dreg:$0x7];
	[sflag:s19] =	ssyncadd.s32 $0xFFFF8000  }
0x83: {  	[tilespmem:s2], [sflag:$0x3] =	stream.linear.gather [hbm4b:s21+s2], $0x20, $0x38;
	[tilespmem:$0x10100] =	vst v63  }
0x84: {  	_ =	swait.ge [sflag:s8], $0x20  }
0x85: {  	[sflag:s8] =	ssyncset.done $0x0  }
0x86: {  	s21 =	rddreg [dreg:$0x8];
	[sflag:s8] =	ssyncadd.s32 $0xFFFFFFE0  }
0x87: {  	[tilespmem:s26], [sflag:$0x3] =	stream.linear.gather [hbm4b:s21+s2], $0x8000, $0x38;
	[tilespmem:$0x10100] =	vst v63  }
0x88: {  	_ =	swait.ge [sflag:s8], $0x8000  }
0x89: {  	[sflag:s8] =	ssyncset.done $0x0  }
0x8a: {  	[sflag:s8] =	ssyncadd.s32 $0xFFFF8000  }
0x8b: {  	v3 =	vld [tilespmem:$0x0];
	_ =	sdelay $0x4  }
0x8c: {  	v60 =	vshll.u32 v3, $0x3  }
0x8d: {  	v3 =	vand.u32 $0x7, v3;
	v4 =	vand.u32 $0xFFFFFFC0, v60  }
0x8e: {  	v3 =	vor.u32 v3, v4  }
0x8f: {  	v4 =	vperm.xlane v3, v0;
	_ =	sdelay $0x1  }
0x90: {  	v4 =	vadd.s32 v1, v4;
	_ =	sdelay $0x4  }
0x91: {  	[hbm4b:s3+s2] =	stream.indirect_vreg.scatter [tilespmem:s26], [sflag:$0x1], $0x80, v4, vm0, $0xb8;
	[tilespmem:$0x10100] =	vst v63  }
0x92: {  	v3 =	vperm.xlane v3, v2  }
0x93: {  	[hbm4b:s4+s2] =	stream.indirect_vreg.scatter [tilespmem:s22], [sflag:$0x1], $0x80, v4, vm0, $0xb8;
	[tilespmem:$0x10100] =	vst v63  }
0x94: {  	v3 =	vadd.s32 v1, v3  }
0x95: {  	[hbm4b:s5+s2] =	stream.indirect_vreg.scatter [tilespmem:s23], [sflag:$0x1], $0x80, v4, vm0, $0xb8;
	[tilespmem:$0x10100] =	vst v63  }
0x96: {  	_ = 	snop  }
0x97: {  	[hbm4b:s6+s2] =	stream.indirect_vreg.scatter [tilespmem:s24], [sflag:$0x1], $0x80, v4, vm0, $0xb8;
	[tilespmem:$0x10100] =	vst v63  }
0x98: {  	_ = 	snop  }
0x99: {  	[hbm4b:s3+s2] =	stream.indirect_vreg.scatter [tilespmem:s25], [sflag:$0x1], $0x80, v3, vm0, $0xb8;
	[tilespmem:$0x10100] =	vst v63  }
0x9a: {  	_ = 	snop  }
0x9b: {  	[hbm4b:s4+s2] =	stream.indirect_vreg.scatter [tilespmem:s28], [sflag:$0x1], $0x80, v3, vm0, $0xb8;
	[tilespmem:$0x10100] =	vst v63  }
0x9c: {  	_ = 	snop  }
0x9d: {  	[hbm4b:s5+s2] =	stream.indirect_vreg.scatter [tilespmem:s29], [sflag:$0x1], $0x80, v3, vm0, $0xb8;
	[tilespmem:$0x10100] =	vst v63  }
0x9e: {  	_ = 	snop  }
0x9f: {  	[hbm4b:s6+s2] =	stream.indirect_vreg.scatter [tilespmem:s30], [sflag:$0x1], $0x80, v3, vm0, $0xb8;
	[tilespmem:$0x10100] =	vst v63  }
0xa0: {  	v3 =	vld [tilespmem:$0x10];
	_ =	sdelay $0x4  }
0xa1: {  	v61 =	vshll.u32 v3, $0x3  }
0xa2: {  	v3 =	vand.u32 $0x7, v3;
	v4 =	vand.u32 $0xFFFFFFC0, v61  }
0xa3: {  	v3 =	vor.u32 v3, v4  }
0xa4: {  	v4 =	vperm.xlane v3, v0;
	_ =	sdelay $0x1  }
0xa5: {  	v4 =	vadd.s32 v1, v4;
	_ =	sdelay $0x4  }
0xa6: {  	[hbm4b:s3+s2] =	stream.indirect_vreg.scatter [tilespmem:s31], [sflag:$0x1], $0x80, v4, vm0, $0xb8;
	[tilespmem:$0x10100] =	vst v63  }
0xa7: {  	v3 =	vperm.xlane v3, v2  }
0xa8: {  	[hbm4b:s4+s2] =	stream.indirect_vreg.scatter [tilespmem:s9], [sflag:$0x1], $0x80, v4, vm0, $0xb8;
	[tilespmem:$0x10100] =	vst v63  }
0xa9: {  	v3 =	vadd.s32 v1, v3  }
0xaa: {  	[hbm4b:s5+s2] =	stream.indirect_vreg.scatter [tilespmem:s1], [sflag:$0x1], $0x80, v4, vm0, $0xb8;
	[tilespmem:$0x10100] =	vst v63  }
0xab: {  	_ = 	snop  }
0xac: {  	[hbm4b:s6+s2] =	stream.indirect_vreg.scatter [tilespmem:s10], [sflag:$0x1], $0x80, v4, vm0, $0xb8;
	[tilespmem:$0x10100] =	vst v63  }
0xad: {  	_ = 	snop  }
0xae: {  	[hbm4b:s3+s2] =	stream.indirect_vreg.scatter [tilespmem:s11], [sflag:$0x1], $0x80, v3, vm0, $0xb8;
	[tilespmem:$0x10100] =	vst v63  }
0xaf: {  	_ = 	snop  }
0xb0: {  	[hbm4b:s4+s2] =	stream.indirect_vreg.scatter [tilespmem:s12], [sflag:$0x1], $0x80, v3, vm0, $0xb8;
	[tilespmem:$0x10100] =	vst v63  }
0xb1: {  	_ = 	snop  }
0xb2: {  	[hbm4b:s5+s2] =	stream.indirect_vreg.scatter [tilespmem:s13], [sflag:$0x1], $0x80, v3, vm0, $0xb8;
	[tilespmem:$0x10100] =	vst v63  }
0xb3: {  	_ = 	snop  }
0xb4: {  	[hbm4b:s6+s2] =	stream.indirect_vreg.scatter [tilespmem:s14], [sflag:$0x1], $0x80, v3, vm0, $0xb8;
	[tilespmem:$0x10100] =	vst v63  }
0xb5: {  	_ =	swait.ge [sflag:s20], $0x8000  }
0xb6: {  	[sflag:s20] =	ssyncset.done $0x0  }
0xb7: {  	s21 =	rddreg [dreg:$0x9];
	[sflag:s20] =	ssyncadd.s32 $0xFFFF8000  }
0xb8: {  	[tilespmem:s15], [sflag:$0x3] =	stream.linear.gather [hbm4b:s21+s2], $0x20, $0x38;
	[tilespmem:$0x10100] =	vst v63  }
0xb9: {  	_ =	swait.ge [sflag:s8], $0x20  }
0xba: {  	[sflag:s8] =	ssyncset.done $0x0  }
0xbb: {  	s21 =	rddreg [dreg:$0xa];
	[sflag:s8] =	ssyncadd.s32 $0xFFFFFFE0  }
0xbc: {  	[tilespmem:s0], [sflag:$0x3] =	stream.linear.gather [hbm4b:s21+s2], $0x8000, $0x38;
	[tilespmem:$0x10100] =	vst v63  }
0xbd: {  	_ =	swait.ge [sflag:s8], $0x8000  }
0xbe: {  	[sflag:s8] =	ssyncset.done $0x0  }
0xbf: {  	[sflag:s8] =	ssyncadd.s32 $0xFFFF8000  }
0xc0: {  	v3 =	vld [tilespmem:$0x80];
	_ =	sdelay $0x4  }
0xc1: {  	v62 =	vshll.u32 v3, $0x3  }
0xc2: {  	v3 =	vand.u32 $0x7, v3;
	v4 =	vand.u32 $0xFFFFFFC0, v62  }
0xc3: {  	v3 =	vor.u32 v3, v4  }
0xc4: {  	v4 =	vperm.xlane v3, v0;
	_ =	sdelay $0x1  }
0xc5: {  	v4 =	vadd.s32 v1, v4;
	_ =	sdelay $0x4  }
0xc6: {  	[hbm4b:s3+s2] =	stream.indirect_vreg.scatter [tilespmem:s0], [sflag:$0x2], $0x80, v4, vm0, $0xb8;
	[tilespmem:$0x10100] =	vst v63  }
0xc7: {  	v3 =	vperm.xlane v3, v2  }
0xc8: {  	[hbm4b:s4+s2] =	stream.indirect_vreg.scatter [tilespmem:s16], [sflag:$0x2], $0x80, v4, vm0, $0xb8;
	[tilespmem:$0x10100] =	vst v63  }
0xc9: {  	v3 =	vadd.s32 v1, v3  }
0xca: {  	[hbm4b:s5+s2] =	stream.indirect_vreg.scatter [tilespmem:s17], [sflag:$0x2], $0x80, v4, vm0, $0xb8;
	[tilespmem:$0x10100] =	vst v63  }
0xcb: {  	_ = 	snop  }
0xcc: {  	[hbm4b:s6+s2] =	stream.indirect_vreg.scatter [tilespmem:s18], [sflag:$0x2], $0x80, v4, vm0, $0xb8;
	[tilespmem:$0x10100] =	vst v63  }
0xcd: {  	s21 =	simm.s32 $0xA100  }
0xce: {  	[hbm4b:s3+s2] =	stream.indirect_vreg.scatter [tilespmem:s21], [sflag:$0x2], $0x80, v3, vm0, $0xb8;
	[tilespmem:$0x10100] =	vst v63  }
0xcf: {  	s21 =	simm.s32 $0xA900  }
0xd0: {  	[hbm4b:s4+s2] =	stream.indirect_vreg.scatter [tilespmem:s21], [sflag:$0x2], $0x80, v3, vm0, $0xb8;
	[tilespmem:$0x10100] =	vst v63  }
0xd1: {  	s21 =	simm.s32 $0xB100  }
0xd2: {  	[hbm4b:s5+s2] =	stream.indirect_vreg.scatter [tilespmem:s21], [sflag:$0x2], $0x80, v3, vm0, $0xb8;
	[tilespmem:$0x10100] =	vst v63  }
0xd3: {  	s21 =	simm.s32 $0xB900  }
0xd4: {  	[hbm4b:s6+s2] =	stream.indirect_vreg.scatter [tilespmem:s21], [sflag:$0x2], $0x80, v3, vm0, $0xb8;
	[tilespmem:$0x10100] =	vst v63  }
0xd5: {  	v3 =	vld [tilespmem:$0x90];
	_ =	sdelay $0x4  }
0xd6: {  	v63 =	vshll.u32 v3, $0x3  }
0xd7: {  	v3 =	vand.u32 $0x7, v3;
	v4 =	vand.u32 $0xFFFFFFC0, v63  }
0xd8: {  	v3 =	vor.u32 v3, v4  }
0xd9: {  	v4 =	vperm.xlane v3, v0;
	_ =	sdelay $0x1  }
0xda: {  	v4 =	vadd.s32 v1, v4;
	_ =	sdelay $0x3  }
0xdb: {  	s21 =	simm.s32 $0xC100  }
0xdc: {  	[hbm4b:s3+s2] =	stream.indirect_vreg.scatter [tilespmem:s21], [sflag:$0x2], $0x80, v4, vm0, $0xb8;
	[tilespmem:$0x10100] =	vst v63  }
0xdd: {  	v3 =	vperm.xlane v3, v2;
	s21 =	simm.s32 $0xC900  }
0xde: {  	[hbm4b:s4+s2] =	stream.indirect_vreg.scatter [tilespmem:s21], [sflag:$0x2], $0x80, v4, vm0, $0xb8;
	[tilespmem:$0x10100] =	vst v63  }
0xdf: {  	v3 =	vadd.s32 v1, v3;
	s21 =	simm.s32 $0xD100  }
0xe0: {  	[hbm4b:s5+s2] =	stream.indirect_vreg.scatter [tilespmem:s21], [sflag:$0x2], $0x80, v4, vm0, $0xb8;
	[tilespmem:$0x10100] =	vst v63  }
0xe1: {  	s21 =	simm.s32 $0xD900  }
0xe2: {  	[hbm4b:s6+s2] =	stream.indirect_vreg.scatter [tilespmem:s21], [sflag:$0x2], $0x80, v4, vm0, $0xb8;
	[tilespmem:$0x10100] =	vst v63  }
0xe3: {  	s21 =	simm.s32 $0xE100  }
0xe4: {  	[hbm4b:s3+s2] =	stream.indirect_vreg.scatter [tilespmem:s21], [sflag:$0x2], $0x80, v3, vm0, $0xb8;
	[tilespmem:$0x10100] =	vst v63  }
0xe5: {  	s21 =	simm.s32 $0xE900  }
0xe6: {  	[hbm4b:s4+s2] =	stream.indirect_vreg.scatter [tilespmem:s21], [sflag:$0x2], $0x80, v3, vm0, $0xb8;
	[tilespmem:$0x10100] =	vst v63  }
0xe7: {  	s21 =	simm.s32 $0xF100  }
0xe8: {  	[hbm4b:s5+s2] =	stream.indirect_vreg.scatter [tilespmem:s21], [sflag:$0x2], $0x80, v3, vm0, $0xb8;
	[tilespmem:$0x10100] =	vst v63  }
0xe9: {  	s21 =	simm.s32 $0xF900  }
0xea: {  	[hbm4b:s6+s2] =	stream.indirect_vreg.scatter [tilespmem:s21], [sflag:$0x2], $0x80, v3, vm0, $0xb8;
	[tilespmem:$0x10100] =	vst v63  }
0xeb: {  	p0 =	sne.s32 s7, $0x1;
	_ =	swait.ge [sflag:s19], $0x8000  }
.Ltmp0:
0xec: {  	[sflag:s19] =	ssyncset.done $0x0;
	(pc) =	sbr.rel @p0 .LBB2_1-.Ltmp0, $4  }
0xed: {  	[sflag:s19] =	ssyncadd.s32 $0xFFFF8000  }
0xee: {  	_ =	swait.ge [sflag:s20], $0x8000  }
0xef: {  	[sflag:s20] =	ssyncset.done $0x0  }
0xf0: {  	s7 =	sadd.s32 $0xFFFFFFFF, s7;
	[sflag:s20] =	ssyncadd.s32 $0xFFFF8000  }
0xf1: {  	_ =	sfence.sel $0x180000  }
0xf2: {  	[bflag:$0x0] =	sbarrier.arrive $0xFFFF  }
0xf3: {  	_ =	strace $0x90000047  }
0xf4: {  	s0 =	stileid.u32;
	[bflag:$0x2] =	sbarrier.arrive $0xFFFF  }
0xf5: {  	p0 =	sne.s32 s0, $0x0;
	s0 =	rddreg [dreg:$0x2]  }
0xf6: {  	s0 =	sadd.s32 @!p0 $0x100000, s0  }
0xf7: {  	[sflag:s0] =	ssyncadd.tile.s32 @!p0 $0x1;
	_ =	shalt  }
.Lfunc_end2:
_tile_overlayer_lowered:
.L_overlay_start_2:
0xf8: {  	(tag) =	ssettag $0x2  }
0xf9: {  	s0 =	rddreg [dreg:$0x0];
	s2 =	stileid.u32  }
0xfa: {  	s1 =	rddreg [dreg:$0x1];
	p0 =	sne.s32 s2, $0x0  }
0xfb: {  	s3 =	rddreg [dreg:$0x2];
	[bflag:$0x3] =	sbarrier.arrive $0xFFFF;
	s2 =	simm.s32 @!p0 $0x1C03  }
0xfc: {  	[timem:s3], [sflag:s2] =	dma.local @!p0 [hbm:s0], s1  }
0xfd: {  	s0 =	simm.s32 @!p0 $0x3  }
0xfe: {  	_ =	swait.ge @!p0 [sflag:s0], s1  }
0xff: {  	s1 =	ssub.s32 @!p0 $0x0, s1;
	[sflag:s0] =	ssyncset.done @!p0 $0x0  }
0x100: {  	[sflag:s0] =	ssyncadd.s32 @!p0 s1  }
0x101: {  	[bflag:$0x3] =	sbarrier.arrive $0xFFFF  }
0x102: {  	_ =	shalt  }

// kernel: kernel.14.cloned.1.call-start
scs
__scs_entry_jumppad:
0x0: {  	(pc) =	sbr.rel $0x88, $3  }
0x1: {  	(tag) =	ssettag $0x0;
	lr =	simm.s32 $0x1  }
0x2: {  	[smem:$0x3F8C] =	sst lr;
	_ =	strace $0xD0000000  }
0x3: {  	_ = 	snop  }
0x4: {  	_ = 	snop  }
0x5: {  	_ = 	snop  }
0x6: {  	_ = 	snop  }
0x7: {  	_ = 	snop  }
__scs_overlays_trampoline_lowered:
0x8: {  	[smem:$0x3F9B] =	sst s0  }
0x9: {  	[smem:$0x3F9C] =	sst s1  }
0xa: {  	[smem:$0x3F9D] =	sst s2  }
0xb: {  	[smem:$0x3F9E] =	sst s3  }
0xc: {  	[smem:$0x3F9F] =	sst s4  }
0xd: {  	[smem:$0x3FA0] =	sst s5  }
0xe: {  	[smem:$0x3FA1] =	sst s6  }
0xf: {  	[smem:$0x3FA2] =	sst s7  }
0x10: {  	[smem:$0x3FA3] =	sst s8  }
0x11: {  	[smem:$0x3FA4] =	sst s9;
	s0 =	simm.s32 @!p0 $0x0  }
0x12: {  	s1 =	sld [smem:$0x3F8A];
	s0 =	simm.s32 @p0 $0x1  }
0x13: {  	[smem:$0x3FA5] =	sst s0;
	s0 =	simm.s32 @!p1 $0x0  }
0x14: {  	s2 =	sld [smem:$0x3F89];
	s0 =	simm.s32 @p1 $0x1  }
0x15: {  	[smem:$0x3FA6] =	sst s0;
	s0 =	simm.s32 @!p2 $0x0  }
0x16: {  	s3 =	sld [smem:$0x3FDB];
	s0 =	simm.s32 @p2 $0x1  }
0x17: {  	s4 =	simm.s32 $0x1BF5;
	[smem:$0x3FA8] =	sst s0  }
0x18: {  	s0 =	sld [smem:$0x3F8B];
	_ =	swait.ge [sflag:s4], $0x0  }
0x19: {  	s7 =	sld [smem:$0x3F8C]  }
0x1a: {  	s8 =	sadd.s32 $0xFFFFE003, lr  }
0x1b: {  	s9 =	sadd.s32 $0xFFFFFEF7, lr;
	s5 =	simm.s32 $0xFFFFFFFF;
	p2 =	slt.u32 s8, $0xFFFFF086  }
0x1c: {  	p1 =	slt.u32 s9, $0xF7A;
	s5 =	simm.s32 @!p2 $0x0  }
0x1d: {  	s5 =	simm.s32 @p1 $0x1;
	p0 =	seq.s32 s7, s2  }
0x1e: {  	s7 =	smul.u32 @!p0 $0xF7A, s2;
	p2 =	seq.s32 @!p0 s5, $0x0  }
0x1f: {  	s9 =	smul.u32 $0xF7A, s1;
	s8 =	simm.s32 @!p0 $0x1BF5;
	p2 =	por !p2, p0  }
0x20: {  	[sflag:s8] =	ssyncset.s32 @!p0 $0xFFFFF086;
	s6 =	sadd.s32 @!p0 s3, s7;
	s7 =	simm.s32 @!p0 $0x108  }
0x21: {  	s3 =	sadd.s32 s3, s9;
	s6 =	sadd.s32 @!p0 $0x88, s6;
	s7 =	simm.s32 @p2 $0x1082  }
0x22: {  	[simem:s7], [sflag:s8] =	dma.local @!p0 [hbm:s6], $0xF7A  }
0x23: {  	s9 =	sor.u32 $0xD0000000, s2;
	s6 =	simm.s32 $0x108;
	_ =	swait.ge @!p0 [sflag:s8], $0x0  }
0x24: {  	s3 =	sadd.s32 $0x88, s3;
	s6 =	simm.s32 @!p1 $0x1082;
	[sflag:s4] =	ssyncset.s32 $0xFFFFF086  }
0x25: {  	[simem:s6], [sflag:s4] =	dma.local [hbm:s3], $0xF7A  }
0x26: {  	[smem:$0x3F8C] =	sst s1;
	(tag) =	ssettag s2;
	_ =	strace s9  }
0x27: {  	s1 =	sld [smem:$0x3F9C]  }
0x28: {  	s2 =	sld [smem:$0x3F9D]  }
0x29: {  	s4 =	sld [smem:$0x3F9F]  }
0x2a: {  	p0 =	seq.s32 s5, $0x0;
	s5 =	sld [smem:$0x3FA0]  }
0x2b: {  	s6 =	sld [smem:$0x3FA1]  }
0x2c: {  	s7 =	sld [smem:$0x3FA2]  }
0x2d: {  	s3 =	simm.s32 $0x108;
	s8 =	sld [smem:$0x3FA3]  }
0x2e: {  	s3 =	simm.s32 @!p0 $0x1082;
	s9 =	sld [smem:$0x3FA4]  }
0x2f: {  	lr =	sadd.s32 s0, s3;
	s0 =	sld [smem:$0x3F9B]  }
0x30: {  	s3 =	sld [smem:$0x3F9E]  }
0x31: {  	[smem:$0x3FA7] =	sst s10  }
0x32: {  	s10 =	sld [smem:$0x3FA5];
	_ =	sdelay $0x3  }
0x33: {  	p0 =	seq.s32 s10, $0x1;
	s10 =	sld [smem:$0x3FA7];
	_ =	sdelay $0x3  }
0x34: {  	[smem:$0x3FA7] =	sst s10  }
0x35: {  	s10 =	sld [smem:$0x3FA6];
	_ =	sdelay $0x3  }
0x36: {  	p1 =	seq.s32 s10, $0x1;
	s10 =	sld [smem:$0x3FA7];
	_ =	sdelay $0x3  }
0x37: {  	[smem:$0x3FA7] =	sst s10  }
0x38: {  	s10 =	sld [smem:$0x3FA8]  }
0x39: {  	_ = 	snop;
	(pc) =	sbr.ind lr, $3  }
0x3a: {  	_ = 	snop  }
0x3b: {  	_ = 	snop  }
0x3c: {  	p2 =	seq.s32 s10, $0x1;
	s10 =	sld [smem:$0x3FA7]  }
0x3d: {  	_ =	shalt  }
0x3e: {  	_ =	shalt  }
0x3f: {  	_ =	shalt  }
0x40: {  	_ =	shalt  }
0x41: {  	_ =	shalt  }
0x42: {  	_ =	shalt  }
0x43: {  	_ =	shalt  }
0x44: {  	_ =	shalt  }
0x45: {  	_ =	shalt  }
0x46: {  	_ =	shalt  }
0x47: {  	_ =	shalt  }
0x48: {  	_ =	shalt  }
0x49: {  	_ =	shalt  }
0x4a: {  	_ =	shalt  }
0x4b: {  	_ =	shalt  }
0x4c: {  	_ =	shalt  }
0x4d: {  	_ =	shalt  }
0x4e: {  	_ =	shalt  }
0x4f: {  	_ =	shalt  }
0x50: {  	_ =	shalt  }
0x51: {  	_ =	shalt  }
0x52: {  	_ =	shalt  }
0x53: {  	_ =	shalt  }
0x54: {  	_ =	shalt  }
0x55: {  	_ =	shalt  }
0x56: {  	_ =	shalt  }
0x57: {  	_ =	shalt  }
0x58: {  	_ =	shalt  }
0x59: {  	_ =	shalt  }
0x5a: {  	_ =	shalt  }
0x5b: {  	_ =	shalt  }
0x5c: {  	_ =	shalt  }
0x5d: {  	_ =	shalt  }
0x5e: {  	_ =	shalt  }
0x5f: {  	_ =	shalt  }
0x60: {  	_ =	shalt  }
0x61: {  	_ =	shalt  }
0x62: {  	_ =	shalt  }
0x63: {  	_ =	shalt  }
0x64: {  	_ =	shalt  }
0x65: {  	_ =	shalt  }
0x66: {  	_ =	shalt  }
0x67: {  	_ =	shalt  }
0x68: {  	_ =	shalt  }
0x69: {  	_ =	shalt  }
0x6a: {  	_ =	shalt  }
0x6b: {  	_ =	shalt  }
0x6c: {  	_ =	shalt  }
0x6d: {  	_ =	shalt  }
0x6e: {  	_ =	shalt  }
0x6f: {  	_ =	shalt  }
0x70: {  	_ =	shalt  }
0x71: {  	_ =	shalt  }
0x72: {  	_ =	shalt  }
0x73: {  	_ =	shalt  }
0x74: {  	_ =	shalt  }
0x75: {  	_ =	shalt  }
0x76: {  	_ =	shalt  }
0x77: {  	_ =	shalt  }
0x78: {  	_ =	shalt  }
0x79: {  	_ =	shalt  }
0x7a: {  	_ =	shalt  }
0x7b: {  	_ =	shalt  }
0x7c: {  	_ =	shalt  }
0x7d: {  	_ =	shalt  }
0x7e: {  	_ =	shalt  }
0x7f: {  	_ =	shalt  }
0x80: {  	_ =	shalt  }
0x81: {  	_ =	shalt  }
0x82: {  	_ =	shalt  }
0x83: {  	_ =	shalt  }
0x84: {  	_ =	shalt  }
0x85: {  	_ =	shalt  }
0x86: {  	_ =	shalt  }
0x87: {  	_ =	shalt  }
.Lfunc_end0:
.L_simem_size_0:
called_computation.1_lowered:
.L_overlay_start_0:
0x88: {  	s2 =	sld [smem:$0x3FD9]  }
0x89: {  	s3 =	sld [smem:$0x3FFE];
	_ =	sdelay $0x1  }
0x8a: {  	s1 =	srdreg.scid  }
0x8b: {  	s0 =	sand.u32 $0x1, s1  }
0x8c: {  	s16 =	sshll.u32 s0, $0xA;
	s2 =	sadd.s32 s3, s2  }
0x8d: {  	s2 =	sadd.s32 s2, s16  }
0x8e: {  	[smem:$0x3FB3] =	sst s2  }
0x8f: {  	_ = 	snop  }
0x90: {  	(tm) =	ssettm $0x1  }
0x91: {  	s17 =	sld [smem:$0x3FFB];
	_ =	sdelay $0x3  }
0x92: {  	_ =	strace s17  }
0x93: {  	s2 =	sld [smem:$0x3FFC];
	_ =	sdelay $0x3  }
0x94: {  	_ =	strace s2  }
0x95: {  	s2 =	sld [smem:$0x3FFD];
	_ =	sdelay $0x3  }
0x96: {  	_ =	strace s2  }
0x97: {  	_ =	strace $0x8FFFFFFF  }
0x98: {  	s18 =	sld [smem:$0x3FDB];
	_ =	sdelay $0x1  }
0x99: {  	s19 =	simm.s32 $_scs_section_size  }
0x9a: {  	s4 =	simm.s32 $_size__tile_overlayer_lowered;
	s5 =	simm.s32 $_tile_overlayer_lowered  }
0x9b: {  	s22 =	simm.s32 $0x1BFF;
	s21 =	sshll.u32 s5, $0x1;
	s2 =	sadd.s32 s19, s18  }
0x9c: {  	s6 =	simm.s32 $0x0;
	s20 =	sshll.u32 s4, $0x1;
	s4 =	sadd.s32 s21, s2  }
0x9d: {  	[timem:s6], [sflag:s22] =	dma.local [hbm:s4], s20  }
0x9e: {  	_ =	swait.ge [sflag:s22], s20  }
0x9f: {  	s3 =	ssub.s32 $0x0, s20;
	[sflag:s22] =	ssyncset.done $0x0  }
0xa0: {  	[sflag:s22] =	ssyncadd.s32 s3;
	_ =	sdelay $0x1  }
0xa1: {  	s23 =	simm.s32 $0x1B8B  }
0xa2: {  	_ =	swait.ge [sflag:s23], $0x1  }
0xa3: {  	[sflag:s23] =	ssyncset.done $0x0  }
0xa4: {  	s25 =	simm.s32 $0x1B8E;
	s24 =	sld [smem:$0x3FFE];
	[sflag:s23] =	ssyncadd.s32 $0xFFFFFFFF  }
0xa5: {  	s26 =	simm.s32 $execute0_lowered;
	[smem:$0x3FD2] =	sst s25  }
0xa6: {  	s4 =	sshll.u32 s26, $0x1;
	_ =	strace $0x80000049;
	[dreg:$0x1] =	wrdreg $0xFFFFFFFF  }
0xa7: {  	s28 =	simm.s32 $_size_execute0_lowered;
	s2 =	sadd.s32 s2, s4;
	[dreg:$0x0] =	wrdreg $0x0  }
0xa8: {  	s4 =	sshll.u32 s28, $0x1;
	[dreg:$0x2] =	wrdreg s2  }
0xa9: {  	[dreg:$0x3] =	wrdreg s4  }
0xaa: {  	[dreg:$0x4] =	wrdreg $0xC0  }
0xab: {  	_ =	task [dreg:s6], $0x5FFFF  }
0xac: {  	[dreg:$0x1] =	wrdreg $0xFFFFFFFF  }
0xad: {  	[dreg:$0x0] =	wrdreg $0x60  }
0xae: {  	[dreg:$0x2] =	wrdreg s24  }
0xaf: {  	[dreg:$0x3] =	wrdreg $0x9  }
0xb0: {  	_ =	task.clear_ibuf [dreg:s6], $0x4FFFF;
	_ =	strace $0x90000049  }
0xb1: {  	s29 =	simm.s32 $0x9;
	_ =	strace $0x8000004B  }
0xb2: {  	_ =	swait.ge [sflag:s29], $0x1  }
0xb3: {  	[sflag:s29] =	ssyncadd.s32 $0xFFFFFFFF  }
0xb4: {  	_ =	strace $0x9000004B  }
0xb5: {  	_ =	sfence  }
0xb6: {  	s30 =	sld [smem:$0x0];
	_ =	sdelay $0x2  }
0xb7: {  	s31 =	sshll.u32 s1, $0xD;
	s1 =	sshrl.u32 s1, $0x2  }
0xb8: {  	s3 =	sand.u32 $0x4000, s31;
	s1 =	sadd.s32 s1, s30  }
0xb9: {  	s0 =	sor.u32 s3, s0;
	s1 =	sshll.u32 s1, $0x11  }
0xba: {  	s0 =	sor.u32 s1, s0  }
0xbb: {  	s0 =	sadd.s32 $0x8F2B, s0  }
0xbc: {  	[sflag:s0] =	ssyncadd.remote.s32 $0x1  }
0xbd: {  	_ =	sfence.sel $0xFFFF  }
0xbe: {  	[dreg:$0x0] =	wrdreg $0xFFFFFFFF;
	(pc) =	sbr.abs _section_cstart, $3  }
0xbf: {  	[dreg:$0x1] =	wrdreg $0xFFFFFFFF  }
0xc0: {  	_ =	task.clear_ibuf [dreg:s6], $0x2FFFF;
	_ =	strace $0x9FFFFFFF  }
0xc1: {  	(tm) =	ssettm $0x7FFFFFFF  }
tec
execute0_lowered:
.L_overlay_start_1:
0x0: {  	(tag) =	ssettag $0x1  }
0x1: {  	s0 =	rddreg [dreg:$0x0]  }
0x2: {  	s1 =	simm.s32 $0x0;
	s2 =	srdreg.scid;
	s4 =	stileid.u32  }
0x3: {  	s28 =	simm.s32 $0x2900;
	s29 =	simm.s32 $0x3100;
	s30 =	simm.s32 $0x3900  }
0x4: {  	s31 =	simm.s32 $0x4100;
	s11 =	simm.s32 $0x6100;
	s12 =	simm.s32 $0x6900  }
0x5: {  	s13 =	simm.s32 $0x7100;
	s14 =	simm.s32 $0x7900;
	s15 =	simm.s32 $0x80  }
0x6: {  	s16 =	simm.s32 $0x8900;
	s17 =	simm.s32 $0x9100;
	[smem:$0x7FF] =	sst s1  }
0x7: {  	s5 =	sadd.s32 $0x81A00, s0;
	s2 =	sand.u32 $0x1, s2;
	s3 =	sadd.s32 $0x143200, s0  }
0x8: {  	s4 =	sshll.u32 s4, $0x8;
	s7 =	sadd.s32 $0x81C00, s0;
	s6 =	sshll.u32 s2, $0x7  }
0x9: {  	_ =	strace $0x8000004A;
	s2 =	ssub.s32 $0x2, s2;
	s6 =	sor.u32 s6, s4  }
0xa: {  	s18 =	sshrl.u32 s2, $0x1;
	s4 =	sadd.s32 $0x143300, s0;
	s8 =	sshrl.u32 s6, $0x3  }
0xb: {  	s9 =	sor.u32 $0x20, s6;
	s2 =	ssub.s32 s2, s18;
	s22 =	sshll.u32 s6, $0x7  }
0xc: {  	s10 =	sor.u32 $0x40, s6;
	s6 =	sor.u32 $0x60, s6;
	s18 =	simm.s32 $0x9900  }
0xd: {  	s19 =	sadd.s32 s5, s8;
	s20 =	sshrl.u32 s9, $0x3;
	s8 =	sadd.s32 s7, s22  }
0xe: {  	s23 =	sshrl.u32 s10, $0x3;
	s9 =	sshll.u32 s9, $0x7;
	s25 =	sshrl.u32 s6, $0x3  }
0xf: {  	s26 =	sshll.u32 s10, $0x7;
	s6 =	sshll.u32 s6, $0x7;
	s22 =	simm.s32 $0x900  }
0x10: {  	s10 =	simm.s32 $0x5900;
	[dreg:$0x2] =	wrdreg s19;
	s21 =	sadd.s32 s5, s20  }
0x11: {  	[dreg:$0x4] =	wrdreg s8;
	s8 =	sadd.s32 s5, s23;
	s24 =	sadd.s32 s7, s9  }
0x12: {  	s5 =	sadd.s32 s5, s25;
	s19 =	simm.s32 $0x1;
	[dreg:$0x3] =	wrdreg s21  }
0x13: {  	s20 =	simm.s32 $0x2;
	s23 =	simm.s32 $0x1100;
	[dreg:$0x5] =	wrdreg s8  }
0x14: {  	s25 =	simm.s32 $0x2100;
	s9 =	simm.s32 $0x4900;
	[dreg:$0x6] =	wrdreg s24  }
0x15: {  	[dreg:$0x7] =	wrdreg s5;
	s8 =	sadd.s32 s7, s26;
	s5 =	sadd.s32 $0x143400, s0  }
0x16: {  	v2 =	vlaneseq.u32;
	s7 =	sadd.s32 s7, s6;
	s6 =	sadd.s32 $0x143500, s0;
	s26 =	simm.s32 $0x100  }
0x17: {  	vm0 =	vmmov $0xffff;
	v1 =	vshrl.u32 v2, $0x3;
	s24 =	simm.s32 $0x1900;
	s0 =	simm.s32 $0x8100;
	[dreg:$0x8] =	wrdreg s8  }
0x18: {  	v0 =	vand.u32 $0x7, v2;
	v2 =	vor.u32 $0x8, v2;
	v1 =	vmul.u32 $0x8, v1;
	[dreg:$0x9] =	wrdreg s7;
	s7 =	smax.u32 s2, $0x1;
	s8 =	simm.s32 $0x3  }
.LBB2_1:
0x19: {  	s21 =	rddreg [dreg:$0x2]  }
0x1a: {  	[tilespmem:s1], [sflag:$0x3] =	stream.linear.gather [hbm4b:s21+s1], $0x20, $0x38;
	[tilespmem:$0x10100] =	vst v63  }
0x1b: {  	_ =	swait.ge [sflag:s8], $0x20  }
0x1c: {  	[sflag:s8] =	ssyncset.done $0x0  }
0x1d: {  	[sflag:s8] =	ssyncadd.s32 $0xFFFFFFE0  }
0x1e: {  	v3 =	vld [tilespmem:$0x0];
	_ =	sdelay $0x4  }
0x1f: {  	v4 =	vshll.u32 v3, $0x3  }
0x20: {  	v3 =	vand.u32 $0x7, v3;
	v4 =	vand.u32 $0xFFFFFFC0, v4  }
0x21: {  	v3 =	vor.u32 v3, v4  }
0x22: {  	v4 =	vperm.xlane v3, v0;
	_ =	sdelay $0x1  }
0x23: {  	v4 =	vadd.s32 v1, v4;
	_ =	sdelay $0x4  }
0x24: {  	[tilespmem:s26], [sflag:$0x1] =	stream.indirect_vreg.gather [hbm4b:s3+s1], $0x80, v4, vm0, $0xb8;
	[tilespmem:$0x10100] =	vst v63  }
0x25: {  	v3 =	vperm.xlane v3, v2  }
0x26: {  	[tilespmem:s22], [sflag:$0x1] =	stream.indirect_vreg.gather [hbm4b:s4+s1], $0x80, v4, vm0, $0xb8;
	[tilespmem:$0x10100] =	vst v63  }
0x27: {  	v3 =	vadd.s32 v1, v3  }
0x28: {  	[tilespmem:s23], [sflag:$0x1] =	stream.indirect_vreg.gather [hbm4b:s5+s1], $0x80, v4, vm0, $0xb8;
	[tilespmem:$0x10100] =	vst v63  }
0x29: {  	_ = 	snop  }
0x2a: {  	[tilespmem:s24], [sflag:$0x1] =	stream.indirect_vreg.gather [hbm4b:s6+s1], $0x80, v4, vm0, $0xb8;
	[tilespmem:$0x10100] =	vst v63  }
0x2b: {  	_ = 	snop  }
0x2c: {  	[tilespmem:s25], [sflag:$0x1] =	stream.indirect_vreg.gather [hbm4b:s3+s1], $0x80, v3, vm0, $0xb8;
	[tilespmem:$0x10100] =	vst v63  }
0x2d: {  	_ = 	snop  }
0x2e: {  	[tilespmem:s28], [sflag:$0x1] =	stream.indirect_vreg.gather [hbm4b:s4+s1], $0x80, v3, vm0, $0xb8;
	[tilespmem:$0x10100] =	vst v63  }
0x2f: {  	_ = 	snop  }
0x30: {  	[tilespmem:s29], [sflag:$0x1] =	stream.indirect_vreg.gather [hbm4b:s5+s1], $0x80, v3, vm0, $0xb8;
	[tilespmem:$0x10100] =	vst v63  }
0x31: {  	_ = 	snop  }
0x32: {  	[tilespmem:s30], [sflag:$0x1] =	stream.indirect_vreg.gather [hbm4b:s6+s1], $0x80, v3, vm0, $0xb8;
	[tilespmem:$0x10100] =	vst v63  }
0x33: {  	v3 =	vld [tilespmem:$0x10];
	_ =	sdelay $0x4  }
0x34: {  	v57 =	vshll.u32 v3, $0x3  }
0x35: {  	v3 =	vand.u32 $0x7, v3;
	v4 =	vand.u32 $0xFFFFFFC0, v57  }
0x36: {  	v3 =	vor.u32 v3, v4  }
0x37: {  	v4 =	vperm.xlane v3, v0;
	_ =	sdelay $0x1  }
0x38: {  	v4 =	vadd.s32 v1, v4;
	_ =	sdelay $0x4  }
0x39: {  	[tilespmem:s31], [sflag:$0x1] =	stream.indirect_vreg.gather [hbm4b:s3+s1], $0x80, v4, vm0, $0xb8;
	[tilespmem:$0x10100] =	vst v63  }
0x3a: {  	v3 =	vperm.xlane v3, v2  }
0x3b: {  	[tilespmem:s9], [sflag:$0x1] =	stream.indirect_vreg.gather [hbm4b:s4+s1], $0x80, v4, vm0, $0xb8;
	[tilespmem:$0x10100] =	vst v63  }
0x3c: {  	s2 =	simm.s32 $0x5100;
	v3 =	vadd.s32 v1, v3  }
0x3d: {  	[tilespmem:s2], [sflag:$0x1] =	stream.indirect_vreg.gather [hbm4b:s5+s1], $0x80, v4, vm0, $0xb8;
	[tilespmem:$0x10100] =	vst v63  }
0x3e: {  	_ = 	snop  }
0x3f: {  	[tilespmem:s10], [sflag:$0x1] =	stream.indirect_vreg.gather [hbm4b:s6+s1], $0x80, v4, vm0, $0xb8;
	[tilespmem:$0x10100] =	vst v63  }
0x40: {  	_ = 	snop  }
0x41: {  	[tilespmem:s11], [sflag:$0x1] =	stream.indirect_vreg.gather [hbm4b:s3+s1], $0x80, v3, vm0, $0xb8;
	[tilespmem:$0x10100] =	vst v63  }
0x42: {  	_ = 	snop  }
0x43: {  	[tilespmem:s12], [sflag:$0x1] =	stream.indirect_vreg.gather [hbm4b:s4+s1], $0x80, v3, vm0, $0xb8;
	[tilespmem:$0x10100] =	vst v63  }
0x44: {  	_ = 	snop  }
0x45: {  	[tilespmem:s13], [sflag:$0x1] =	stream.indirect_vreg.gather [hbm4b:s5+s1], $0x80, v3, vm0, $0xb8;
	[tilespmem:$0x10100] =	vst v63  }
0x46: {  	_ = 	snop  }
0x47: {  	[tilespmem:s14], [sflag:$0x1] =	stream.indirect_vreg.gather [hbm4b:s6+s1], $0x80, v3, vm0, $0xb8;
	[tilespmem:$0x10100] =	vst v63  }
0x48: {  	s21 =	rddreg [dreg:$0x3]  }
0x49: {  	[tilespmem:s15], [sflag:$0x3] =	stream.linear.gather [hbm4b:s21+s1], $0x20, $0x38;
	[tilespmem:$0x10100] =	vst v63  }
0x4a: {  	_ =	swait.ge [sflag:s8], $0x20  }
0x4b: {  	[sflag:s8] =	ssyncset.done $0x0  }
0x4c: {  	[sflag:s8] =	ssyncadd.s32 $0xFFFFFFE0  }
0x4d: {  	v3 =	vld [tilespmem:$0x80];
	_ =	sdelay $0x4  }
0x4e: {  	v58 =	vshll.u32 v3, $0x3  }
0x4f: {  	v3 =	vand.u32 $0x7, v3;
	v4 =	vand.u32 $0xFFFFFFC0, v58  }
0x50: {  	v3 =	vor.u32 v3, v4  }
0x51: {  	v4 =	vperm.xlane v3, v0;
	_ =	sdelay $0x1  }
0x52: {  	v4 =	vadd.s32 v1, v4;
	_ =	sdelay $0x4  }
0x53: {  	[tilespmem:s0], [sflag:$0x2] =	stream.indirect_vreg.gather [hbm4b:s3+s1], $0x80, v4, vm0, $0xb8;
	[tilespmem:$0x10100] =	vst v63  }
0x54: {  	v3 =	vperm.xlane v3, v2  }
0x55: {  	[tilespmem:s16], [sflag:$0x2] =	stream.indirect_vreg.gather [hbm4b:s4+s1], $0x80, v4, vm0, $0xb8;
	[tilespmem:$0x10100] =	vst v63  }
0x56: {  	v3 =	vadd.s32 v1, v3  }
0x57: {  	[tilespmem:s17], [sflag:$0x2] =	stream.indirect_vreg.gather [hbm4b:s5+s1], $0x80, v4, vm0, $0xb8;
	[tilespmem:$0x10100] =	vst v63  }
0x58: {  	_ = 	snop  }
0x59: {  	[tilespmem:s18], [sflag:$0x2] =	stream.indirect_vreg.gather [hbm4b:s6+s1], $0x80, v4, vm0, $0xb8;
	[tilespmem:$0x10100] =	vst v63  }
0x5a: {  	s21 =	simm.s32 $0xA100  }
0x5b: {  	[tilespmem:s21], [sflag:$0x2] =	stream.indirect_vreg.gather [hbm4b:s3+s1], $0x80, v3, vm0, $0xb8;
	[tilespmem:$0x10100] =	vst v63  }
0x5c: {  	s21 =	simm.s32 $0xA900  }
0x5d: {  	[tilespmem:s21], [sflag:$0x2] =	stream.indirect_vreg.gather [hbm4b:s4+s1], $0x80, v3, vm0, $0xb8;
	[tilespmem:$0x10100] =	vst v63  }
0x5e: {  	s21 =	simm.s32 $0xB100  }
0x5f: {  	[tilespmem:s21], [sflag:$0x2] =	stream.indirect_vreg.gather [hbm4b:s5+s1], $0x80, v3, vm0, $0xb8;
	[tilespmem:$0x10100] =	vst v63  }
0x60: {  	s21 =	simm.s32 $0xB900  }
0x61: {  	[tilespmem:s21], [sflag:$0x2] =	stream.indirect_vreg.gather [hbm4b:s6+s1], $0x80, v3, vm0, $0xb8;
	[tilespmem:$0x10100] =	vst v63  }
0x62: {  	v3 =	vld [tilespmem:$0x90];
	_ =	sdelay $0x4  }
0x63: {  	v59 =	vshll.u32 v3, $0x3  }
0x64: {  	v3 =	vand.u32 $0x7, v3;
	v4 =	vand.u32 $0xFFFFFFC0, v59  }
0x65: {  	v3 =	vor.u32 v3, v4  }
0x66: {  	v4 =	vperm.xlane v3, v0;
	_ =	sdelay $0x1  }
0x67: {  	v4 =	vadd.s32 v1, v4;
	_ =	sdelay $0x3  }
0x68: {  	s21 =	simm.s32 $0xC100  }
0x69: {  	[tilespmem:s21], [sflag:$0x2] =	stream.indirect_vreg.gather [hbm4b:s3+s1], $0x80, v4, vm0, $0xb8;
	[tilespmem:$0x10100] =	vst v63  }
0x6a: {  	v3 =	vperm.xlane v3, v2;
	s21 =	simm.s32 $0xC900  }
0x6b: {  	[tilespmem:s21], [sflag:$0x2] =	stream.indirect_vreg.gather [hbm4b:s4+s1], $0x80, v4, vm0, $0xb8;
	[tilespmem:$0x10100] =	vst v63  }
0x6c: {  	v3 =	vadd.s32 v1, v3;
	s21 =	simm.s32 $0xD100  }
0x6d: {  	[tilespmem:s21], [sflag:$0x2] =	stream.indirect_vreg.gather [hbm4b:s5+s1], $0x80, v4, vm0, $0xb8;
	[tilespmem:$0x10100] =	vst v63  }
0x6e: {  	s21 =	simm.s32 $0xD900  }
0x6f: {  	[tilespmem:s21], [sflag:$0x2] =	stream.indirect_vreg.gather [hbm4b:s6+s1], $0x80, v4, vm0, $0xb8;
	[tilespmem:$0x10100] =	vst v63  }
0x70: {  	s21 =	simm.s32 $0xE100  }
0x71: {  	[tilespmem:s21], [sflag:$0x2] =	stream.indirect_vreg.gather [hbm4b:s3+s1], $0x80, v3, vm0, $0xb8;
	[tilespmem:$0x10100] =	vst v63  }
0x72: {  	s21 =	simm.s32 $0xE900  }
0x73: {  	[tilespmem:s21], [sflag:$0x2] =	stream.indirect_vreg.gather [hbm4b:s4+s1], $0x80, v3, vm0, $0xb8;
	[tilespmem:$0x10100] =	vst v63  }
0x74: {  	s21 =	simm.s32 $0xF100  }
0x75: {  	[tilespmem:s21], [sflag:$0x2] =	stream.indirect_vreg.gather [hbm4b:s5+s1], $0x80, v3, vm0, $0xb8;
	[tilespmem:$0x10100] =	vst v63  }
0x76: {  	s21 =	simm.s32 $0xF900  }
0x77: {  	[tilespmem:s21], [sflag:$0x2] =	stream.indirect_vreg.gather [hbm4b:s6+s1], $0x80, v3, vm0, $0xb8;
	[tilespmem:$0x10100] =	vst v63  }
0x78: {  	_ =	swait.ge [sflag:s19], $0x8000  }
0x79: {  	[sflag:s19] =	ssyncset.done $0x0  }
0x7a: {  	s21 =	rddreg [dreg:$0x4];
	[sflag:s19] =	ssyncadd.s32 $0xFFFF8000  }
0x7b: {  	[hbm4b:s21+s1] =	stream.linear.scatter [tilespmem:s26], [sflag:$0x3], $0x8000, $0x38;
	[tilespmem:$0x10100] =	vst v63  }
0x7c: {  	_ =	swait.ge [sflag:s8], $0x8000  }
0x7d: {  	[sflag:s8] =	ssyncset.done $0x0  }
0x7e: {  	s21 =	rddreg [dreg:$0x5];
	[sflag:s8] =	ssyncadd.s32 $0xFFFF8000  }
0x7f: {  	[tilespmem:s1], [sflag:$0x3] =	stream.linear.gather [hbm4b:s21+s1], $0x20, $0x38;
	[tilespmem:$0x10100] =	vst v63  }
0x80: {  	_ =	swait.ge [sflag:s8], $0x20  }
0x81: {  	[sflag:s8] =	ssyncset.done $0x0  }
0x82: {  	[sflag:s8] =	ssyncadd.s32 $0xFFFFFFE0  }
0x83: {  	v3 =	vld [tilespmem:$0x0];
	_ =	sdelay $0x4  }
0x84: {  	v60 =	vshll.u32 v3, $0x3  }
0x85: {  	v3 =	vand.u32 $0x7, v3;
	v4 =	vand.u32 $0xFFFFFFC0, v60  }
0x86: {  	v3 =	vor.u32 v3, v4  }
0x87: {  	v4 =	vperm.xlane v3, v0;
	_ =	sdelay $0x1  }
0x88: {  	v4 =	vadd.s32 v1, v4;
	_ =	sdelay $0x4  }
0x89: {  	[tilespmem:s26], [sflag:$0x1] =	stream.indirect_vreg.gather [hbm4b:s3+s1], $0x80, v4, vm0, $0xb8;
	[tilespmem:$0x10100] =	vst v63  }
0x8a: {  	v3 =	vperm.xlane v3, v2  }
0x8b: {  	[tilespmem:s22], [sflag:$0x1] =	stream.indirect_vreg.gather [hbm4b:s4+s1], $0x80, v4, vm0, $0xb8;
	[tilespmem:$0x10100] =	vst v63  }
0x8c: {  	v3 =	vadd.s32 v1, v3  }
0x8d: {  	[tilespmem:s23], [sflag:$0x1] =	stream.indirect_vreg.gather [hbm4b:s5+s1], $0x80, v4, vm0, $0xb8;
	[tilespmem:$0x10100] =	vst v63  }
0x8e: {  	_ = 	snop  }
0x8f: {  	[tilespmem:s24], [sflag:$0x1] =	stream.indirect_vreg.gather [hbm4b:s6+s1], $0x80, v4, vm0, $0xb8;
	[tilespmem:$0x10100] =	vst v63  }
0x90: {  	_ = 	snop  }
0x91: {  	[tilespmem:s25], [sflag:$0x1] =	stream.indirect_vreg.gather [hbm4b:s3+s1], $0x80, v3, vm0, $0xb8;
	[tilespmem:$0x10100] =	vst v63  }
0x92: {  	_ = 	snop  }
0x93: {  	[tilespmem:s28], [sflag:$0x1] =	stream.indirect_vreg.gather [hbm4b:s4+s1], $0x80, v3, vm0, $0xb8;
	[tilespmem:$0x10100] =	vst v63  }
0x94: {  	_ = 	snop  }
0x95: {  	[tilespmem:s29], [sflag:$0x1] =	stream.indirect_vreg.gather [hbm4b:s5+s1], $0x80, v3, vm0, $0xb8;
	[tilespmem:$0x10100] =	vst v63  }
0x96: {  	_ = 	snop  }
0x97: {  	[tilespmem:s30], [sflag:$0x1] =	stream.indirect_vreg.gather [hbm4b:s6+s1], $0x80, v3, vm0, $0xb8;
	[tilespmem:$0x10100] =	vst v63  }
0x98: {  	v3 =	vld [tilespmem:$0x10];
	_ =	sdelay $0x4  }
0x99: {  	v61 =	vshll.u32 v3, $0x3  }
0x9a: {  	v3 =	vand.u32 $0x7, v3;
	v4 =	vand.u32 $0xFFFFFFC0, v61  }
0x9b: {  	v3 =	vor.u32 v3, v4  }
0x9c: {  	v4 =	vperm.xlane v3, v0;
	_ =	sdelay $0x1  }
0x9d: {  	v4 =	vadd.s32 v1, v4;
	_ =	sdelay $0x4  }
0x9e: {  	[tilespmem:s31], [sflag:$0x1] =	stream.indirect_vreg.gather [hbm4b:s3+s1], $0x80, v4, vm0, $0xb8;
	[tilespmem:$0x10100] =	vst v63  }
0x9f: {  	v3 =	vperm.xlane v3, v2  }
0xa0: {  	[tilespmem:s9], [sflag:$0x1] =	stream.indirect_vreg.gather [hbm4b:s4+s1], $0x80, v4, vm0, $0xb8;
	[tilespmem:$0x10100] =	vst v63  }
0xa1: {  	v3 =	vadd.s32 v1, v3  }
0xa2: {  	[tilespmem:s2], [sflag:$0x1] =	stream.indirect_vreg.gather [hbm4b:s5+s1], $0x80, v4, vm0, $0xb8;
	[tilespmem:$0x10100] =	vst v63  }
0xa3: {  	_ = 	snop  }
0xa4: {  	[tilespmem:s10], [sflag:$0x1] =	stream.indirect_vreg.gather [hbm4b:s6+s1], $0x80, v4, vm0, $0xb8;
	[tilespmem:$0x10100] =	vst v63  }
0xa5: {  	_ = 	snop  }
0xa6: {  	[tilespmem:s11], [sflag:$0x1] =	stream.indirect_vreg.gather [hbm4b:s3+s1], $0x80, v3, vm0, $0xb8;
	[tilespmem:$0x10100] =	vst v63  }
0xa7: {  	_ = 	snop  }
0xa8: {  	[tilespmem:s12], [sflag:$0x1] =	stream.indirect_vreg.gather [hbm4b:s4+s1], $0x80, v3, vm0, $0xb8;
	[tilespmem:$0x10100] =	vst v63  }
0xa9: {  	_ = 	snop  }
0xaa: {  	[tilespmem:s13], [sflag:$0x1] =	stream.indirect_vreg.gather [hbm4b:s5+s1], $0x80, v3, vm0, $0xb8;
	[tilespmem:$0x10100] =	vst v63  }
0xab: {  	_ = 	snop  }
0xac: {  	[tilespmem:s14], [sflag:$0x1] =	stream.indirect_vreg.gather [hbm4b:s6+s1], $0x80, v3, vm0, $0xb8;
	[tilespmem:$0x10100] =	vst v63  }
0xad: {  	_ =	swait.ge [sflag:s20], $0x8000  }
0xae: {  	[sflag:s20] =	ssyncset.done $0x0  }
0xaf: {  	s2 =	rddreg [dreg:$0x6];
	[sflag:s20] =	ssyncadd.s32 $0xFFFF8000  }
0xb0: {  	[hbm4b:s2+s1] =	stream.linear.scatter [tilespmem:s0], [sflag:$0x3], $0x8000, $0x38;
	[tilespmem:$0x10100] =	vst v63  }
0xb1: {  	_ =	swait.ge [sflag:s8], $0x8000  }
0xb2: {  	[sflag:s8] =	ssyncset.done $0x0  }
0xb3: {  	s2 =	rddreg [dreg:$0x7];
	[sflag:s8] =	ssyncadd.s32 $0xFFFF8000  }
0xb4: {  	[tilespmem:s15], [sflag:$0x3] =	stream.linear.gather [hbm4b:s2+s1], $0x20, $0x38;
	[tilespmem:$0x10100] =	vst v63  }
0xb5: {  	_ =	swait.ge [sflag:s8], $0x20  }
0xb6: {  	[sflag:s8] =	ssyncset.done $0x0  }
0xb7: {  	[sflag:s8] =	ssyncadd.s32 $0xFFFFFFE0  }
0xb8: {  	v3 =	vld [tilespmem:$0x80];
	_ =	sdelay $0x4  }
0xb9: {  	v62 =	vshll.u32 v3, $0x3  }
0xba: {  	v3 =	vand.u32 $0x7, v3;
	v4 =	vand.u32 $0xFFFFFFC0, v62  }
0xbb: {  	v3 =	vor.u32 v3, v4  }
0xbc: {  	v4 =	vperm.xlane v3, v0;
	_ =	sdelay $0x1  }
0xbd: {  	v4 =	vadd.s32 v1, v4;
	_ =	sdelay $0x4  }
0xbe: {  	[tilespmem:s0], [sflag:$0x2] =	stream.indirect_vreg.gather [hbm4b:s3+s1], $0x80, v4, vm0, $0xb8;
	[tilespmem:$0x10100] =	vst v63  }
0xbf: {  	v3 =	vperm.xlane v3, v2  }
0xc0: {  	[tilespmem:s16], [sflag:$0x2] =	stream.indirect_vreg.gather [hbm4b:s4+s1], $0x80, v4, vm0, $0xb8;
	[tilespmem:$0x10100] =	vst v63  }
0xc1: {  	v3 =	vadd.s32 v1, v3  }
0xc2: {  	[tilespmem:s17], [sflag:$0x2] =	stream.indirect_vreg.gather [hbm4b:s5+s1], $0x80, v4, vm0, $0xb8;
	[tilespmem:$0x10100] =	vst v63  }
0xc3: {  	_ = 	snop  }
0xc4: {  	[tilespmem:s18], [sflag:$0x2] =	stream.indirect_vreg.gather [hbm4b:s6+s1], $0x80, v4, vm0, $0xb8;
	[tilespmem:$0x10100] =	vst v63  }
0xc5: {  	s21 =	simm.s32 $0xA100  }
0xc6: {  	[tilespmem:s21], [sflag:$0x2] =	stream.indirect_vreg.gather [hbm4b:s3+s1], $0x80, v3, vm0, $0xb8;
	[tilespmem:$0x10100] =	vst v63  }
0xc7: {  	s21 =	simm.s32 $0xA900  }
0xc8: {  	[tilespmem:s21], [sflag:$0x2] =	stream.indirect_vreg.gather [hbm4b:s4+s1], $0x80, v3, vm0, $0xb8;
	[tilespmem:$0x10100] =	vst v63  }
0xc9: {  	s21 =	simm.s32 $0xB100  }
0xca: {  	[tilespmem:s21], [sflag:$0x2] =	stream.indirect_vreg.gather [hbm4b:s5+s1], $0x80, v3, vm0, $0xb8;
	[tilespmem:$0x10100] =	vst v63  }
0xcb: {  	s21 =	simm.s32 $0xB900  }
0xcc: {  	[tilespmem:s21], [sflag:$0x2] =	stream.indirect_vreg.gather [hbm4b:s6+s1], $0x80, v3, vm0, $0xb8;
	[tilespmem:$0x10100] =	vst v63  }
0xcd: {  	v3 =	vld [tilespmem:$0x90];
	_ =	sdelay $0x4  }
0xce: {  	v63 =	vshll.u32 v3, $0x3  }
0xcf: {  	v3 =	vand.u32 $0x7, v3;
	v4 =	vand.u32 $0xFFFFFFC0, v63  }
0xd0: {  	v3 =	vor.u32 v3, v4  }
0xd1: {  	v4 =	vperm.xlane v3, v0;
	_ =	sdelay $0x1  }
0xd2: {  	v4 =	vadd.s32 v1, v4;
	_ =	sdelay $0x3  }
0xd3: {  	s21 =	simm.s32 $0xC100  }
0xd4: {  	[tilespmem:s21], [sflag:$0x2] =	stream.indirect_vreg.gather [hbm4b:s3+s1], $0x80, v4, vm0, $0xb8;
	[tilespmem:$0x10100] =	vst v63  }
0xd5: {  	v3 =	vperm.xlane v3, v2;
	s21 =	simm.s32 $0xC900  }
0xd6: {  	[tilespmem:s21], [sflag:$0x2] =	stream.indirect_vreg.gather [hbm4b:s4+s1], $0x80, v4, vm0, $0xb8;
	[tilespmem:$0x10100] =	vst v63  }
0xd7: {  	v3 =	vadd.s32 v1, v3;
	s21 =	simm.s32 $0xD100  }
0xd8: {  	[tilespmem:s21], [sflag:$0x2] =	stream.indirect_vreg.gather [hbm4b:s5+s1], $0x80, v4, vm0, $0xb8;
	[tilespmem:$0x10100] =	vst v63  }
0xd9: {  	s21 =	simm.s32 $0xD900  }
0xda: {  	[tilespmem:s21], [sflag:$0x2] =	stream.indirect_vreg.gather [hbm4b:s6+s1], $0x80, v4, vm0, $0xb8;
	[tilespmem:$0x10100] =	vst v63  }
0xdb: {  	s21 =	simm.s32 $0xE100  }
0xdc: {  	[tilespmem:s21], [sflag:$0x2] =	stream.indirect_vreg.gather [hbm4b:s3+s1], $0x80, v3, vm0, $0xb8;
	[tilespmem:$0x10100] =	vst v63  }
0xdd: {  	s21 =	simm.s32 $0xE900  }
0xde: {  	[tilespmem:s21], [sflag:$0x2] =	stream.indirect_vreg.gather [hbm4b:s4+s1], $0x80, v3, vm0, $0xb8;
	[tilespmem:$0x10100] =	vst v63  }
0xdf: {  	s21 =	simm.s32 $0xF100  }
0xe0: {  	[tilespmem:s21], [sflag:$0x2] =	stream.indirect_vreg.gather [hbm4b:s5+s1], $0x80, v3, vm0, $0xb8;
	[tilespmem:$0x10100] =	vst v63  }
0xe1: {  	s21 =	simm.s32 $0xF900  }
0xe2: {  	[tilespmem:s21], [sflag:$0x2] =	stream.indirect_vreg.gather [hbm4b:s6+s1], $0x80, v3, vm0, $0xb8;
	[tilespmem:$0x10100] =	vst v63  }
0xe3: {  	_ =	swait.ge [sflag:s19], $0x8000  }
0xe4: {  	[sflag:s19] =	ssyncset.done $0x0  }
0xe5: {  	s2 =	rddreg [dreg:$0x8];
	[sflag:s19] =	ssyncadd.s32 $0xFFFF8000  }
0xe6: {  	[hbm4b:s2+s1] =	stream.linear.scatter [tilespmem:s26], [sflag:$0x3], $0x8000, $0x38;
	[tilespmem:$0x10100] =	vst v63  }
0xe7: {  	_ =	swait.ge [sflag:s8], $0x8000  }
0xe8: {  	[sflag:s8] =	ssyncset.done $0x0  }
0xe9: {  	[sflag:s8] =	ssyncadd.s32 $0xFFFF8000  }
0xea: {  	_ =	swait.ge [sflag:s20], $0x8000  }
0xeb: {  	p0 =	sne.s32 s7, $0x1;
	[sflag:s20] =	ssyncset.done $0x0  }
.Ltmp0:
0xec: {  	s2 =	rddreg [dreg:$0x9];
	[sflag:s20] =	ssyncadd.s32 $0xFFFF8000;
	(pc) =	sbr.rel @p0 .LBB2_1-.Ltmp0, $4  }
0xed: {  	[hbm4b:s2+s1] =	stream.linear.scatter [tilespmem:s0], [sflag:$0x3], $0x8000, $0x38;
	[tilespmem:$0x10100] =	vst v63  }
0xee: {  	_ =	swait.ge [sflag:s8], $0x8000  }
0xef: {  	[sflag:s8] =	ssyncset.done $0x0  }
0xf0: {  	s7 =	sadd.s32 $0xFFFFFFFF, s7;
	[sflag:s8] =	ssyncadd.s32 $0xFFFF8000  }
0xf1: {  	_ =	sfence.sel $0x180000  }
0xf2: {  	[bflag:$0x0] =	sbarrier.arrive $0xFFFF  }
0xf3: {  	_ =	strace $0x9000004A  }
0xf4: {  	s0 =	stileid.u32;
	[bflag:$0x2] =	sbarrier.arrive $0xFFFF  }
0xf5: {  	p0 =	sne.s32 s0, $0x0;
	s0 =	rddreg [dreg:$0x1]  }
0xf6: {  	s0 =	sadd.s32 @!p0 $0x100000, s0  }
0xf7: {  	[sflag:s0] =	ssyncadd.tile.s32 @!p0 $0x1;
	_ =	shalt  }
.Lfunc_end2:
_tile_overlayer_lowered:
.L_overlay_start_2:
0xf8: {  	(tag) =	ssettag $0x2  }
0xf9: {  	s0 =	rddreg [dreg:$0x0];
	s2 =	stileid.u32  }
0xfa: {  	s1 =	rddreg [dreg:$0x1];
	p0 =	sne.s32 s2, $0x0  }
0xfb: {  	s3 =	rddreg [dreg:$0x2];
	[bflag:$0x3] =	sbarrier.arrive $0xFFFF;
	s2 =	simm.s32 @!p0 $0x1C03  }
0xfc: {  	[timem:s3], [sflag:s2] =	dma.local @!p0 [hbm:s0], s1  }
0xfd: {  	s0 =	simm.s32 @!p0 $0x3  }
0xfe: {  	_ =	swait.ge @!p0 [sflag:s0], s1  }
0xff: {  	s1 =	ssub.s32 @!p0 $0x0, s1;
	[sflag:s0] =	ssyncset.done @!p0 $0x0  }
0x100: {  	[sflag:s0] =	ssyncadd.s32 @!p0 s1  }
0x101: {  	[bflag:$0x3] =	sbarrier.arrive $0xFFFF  }
0x102: {  	_ =	shalt  }

</sc_bundles>
